<compile_context>
chip_gen: v7x
topology: tpu7x:2x2x1
jax: 0.10.2.dev20260603
libtpu: 0.0.44.dev20260713+nightly
codegen_flags: <defaults>
</compile_context>

<pallas_src>
import functools

import jax
import jax.numpy as jnp
from jax import lax
from jax.experimental import pallas as pl
from jax.experimental.pallas import tpu as pltpu
from jax.experimental.pallas import tpu_sc as plsc

N_FIELDS = 26
VOCAB = 100000
K = 32
BATCH = 4096

NC = 2
NS = 16
NW = NC * NS
LANES = 16

R_TOTAL = N_FIELDS * K
R_PER_W = R_TOTAL // NW

_mesh = plsc.VectorSubcoreMesh(core_axis_name="c", subcore_axis_name="s")


@functools.partial(
    pl.kernel,
    mesh=_mesh,
    out_type=jax.ShapeDtypeStruct((R_TOTAL, BATCH), jnp.float32),
    compiler_params=pltpu.CompilerParams(use_tc_tiling_on_sc=False),
    scratch_types=[
        pltpu.VMEM((2, BATCH), jnp.int32),
        pltpu.VMEM((R_PER_W, BATCH), jnp.int32),
        pltpu.VMEM((3, BATCH), jnp.float32),
        pltpu.SemaphoreType.DMA,
        pltpu.SemaphoreType.DMA,
        pltpu.SemaphoreType.DMA,
        pltpu.SemaphoreType.DMA,
    ],
)
def _embed_gather(idx_hbm, tab_hbm, out_hbm, v_v, gi_v, row_v, gsem0, gsem1,
                  wsem, isem):
    wid = lax.axis_index("s") * NC + lax.axis_index("c")
    r0 = wid * R_PER_W
    f0 = lax.div(r0, K)
    f1 = lax.div(r0 + R_PER_W - 1, K)

    pltpu.async_copy(idx_hbm.at[f0], v_v.at[0], isem).wait()
    pltpu.async_copy(idx_hbm.at[f1], v_v.at[1], isem).wait()

    def _offsets(j, _):
        r = r0 + j
        which = lax.div(r, K) - f0
        base = r * VOCAB

        def _off(c, _):
            for u in range(4):
                sl = pl.ds((c * 4 + u) * LANES, LANES)
                gi_v[j, sl] = v_v[which, sl] + base
            return 0

        return lax.fori_loop(0, BATCH // LANES // 4, _off, 0)

    lax.fori_loop(0, R_PER_W, _offsets, 0)

    def _gather(j):
        sem = gsem0 if j % 2 == 0 else gsem1
        return pltpu.async_copy(tab_hbm.at[gi_v.at[j]], row_v.at[j % 3], sem)

    def _write(j):
        return pltpu.async_copy(row_v.at[j % 3], out_hbm.at[r0 + j], wsem)

    gathers = {0: _gather(0), 1: _gather(1)}
    writes = {}
    for j in range(R_PER_W):
        gathers[j].wait()
        if j + 2 < R_PER_W:
            if j - 1 >= 0:
                writes[j - 1].wait()
            gathers[j + 2] = _gather(j + 2)
        writes[j] = _write(j)
    for j in (R_PER_W - 3, R_PER_W - 2, R_PER_W - 1):
        writes[j].wait()


def kernel(inputs, tables):
    idx_t = inputs.astype(jnp.int32).T
    tab_lin = jnp.transpose(tables, (0, 2, 1)).reshape(-1)
    out_t = _embed_gather(idx_t, tab_lin)
    return out_t.T

# --- scband reference (transcript-rebuilt; emitter-appended) ---
"""Pipeline reference for scband-embed-layer-21904333209812 (READ-ONLY COPY).

The authoritative reference and input builder live on the scoring server;
editing this copy changes nothing except your own understanding.
"""

import jax, jax.numpy as jnp
import numpy as np

N_FIELDS = 26
VOCAB = 100000
K = 32
BATCH = 4096

def setup_inputs(seed: int = 0) -> dict:
    key = jax.random.key(seed)
    k_idx, k_tab = jax.random.split(key)
    inputs = jax.random.randint(k_idx, (BATCH, N_FIELDS), 0, VOCAB, dtype=jnp.int64 if jax.config.jax_enable_x64 else jnp.int32)
    # one embedding table per sparse field, stacked: [n_fields, vocab, k]
    tables = jax.random.normal(k_tab, (N_FIELDS, VOCAB, K), dtype=jnp.float32) * 0.05
    return {"inputs": inputs, "tables": tables}

def reference(inputs, tables):
    # Faithful translation of EmbedLayer.call:
    # per-field embedding lookup -> stack [n_fields, B, k] -> transpose [B, n_fields, k] -> reshape [B, n_fields*k]
    if inputs.ndim != 2:
        raise ValueError('The dim of inputs should be 2, not %d' % inputs.ndim)
    per_field = [jnp.take(tables[i], inputs[:, i], axis=0) for i in range(N_FIELDS)]
    emb = jnp.stack(per_field, axis=0)            # [n_fields, B, k]
    emb = jnp.transpose(emb, (1, 0, 2))           # [B, n_fields, k]
    emb = jnp.reshape(emb, (-1, emb.shape[1] * emb.shape[2]))  # [B, n_fields*k]
    return emb

if __name__ == "__main__":
    import jax
    _d = setup_inputs()
    print(jax.jit(kernel)(*tuple(_d.values())))

</pallas_src>

<mosaic_0001>
#map = affine_map<(d0, d1) -> (0, 0)>
#map1 = affine_map<(d0, d1) -> (0)>
module attributes {stable_mosaic.version = 14 : i64} {
  func.func @_embed_gather(%arg0: i32, %arg1: i32, %arg2: memref<26x4096xi32, #tpu.memory_space<hbm>>, %arg3: memref<83200000xf32, #tpu.memory_space<hbm>>, %arg4: memref<832x4096xf32, #tpu.memory_space<hbm>>, %arg5: memref<2x4096xi32, #tpu.memory_space<vmem>>, %arg6: memref<26x4096xi32, #tpu.memory_space<vmem>>, %arg7: memref<3x4096xf32, #tpu.memory_space<vmem>>, %arg8: memref<!tpu.dma_semaphore, #tpu.memory_space<semaphore_mem>>, %arg9: memref<!tpu.dma_semaphore, #tpu.memory_space<semaphore_mem>>, %arg10: memref<!tpu.dma_semaphore, #tpu.memory_space<semaphore_mem>>, %arg11: memref<!tpu.dma_semaphore, #tpu.memory_space<semaphore_mem>>) attributes {dimension_semantics = [#tpu.dimension_semantics<core_parallel>, #tpu.dimension_semantics<subcore_parallel>], iteration_bounds = array<i64: 2, 16>, scalar_prefetch = 0 : i64, scratch_operands = 7 : i64, tpu.core_type = #tpu.core_type<sc_vector_subcore>, window_params = [{transform_indices = #map}, {transform_indices = #map1}, {transform_indices = #map}]} {
    %mul3A = arith.constant 2 : i32
    %mul3A_0 = arith.muli %arg1, %mul3A : i32
    %add3A = arith.addi %mul3A_0, %arg0 : i32
    %mul3A_1 = arith.constant 26 : i32
    %mul3A_2 = arith.muli %add3A, %mul3A_1 : i32
    %div3A = arith.constant 32 : i32
    %div3A_3 = arith.divsi %mul3A_2, %div3A : i32
    %add3A_4 = arith.constant 26 : i32
    %add3A_5 = arith.addi %mul3A_2, %add3A_4 : i32
    %sub3A = arith.constant 1 : i32
    %sub3A_6 = arith.subi %add3A_5, %sub3A : i32
    %div3A_7 = arith.constant 32 : i32
    %div3A_8 = arith.divsi %sub3A_6, %div3A_7 : i32
    %dma_start3A = arith.constant 0 : i32
    %dma_start3A_9 = arith.constant 0 : i32
    %dma_start3A_10 = tpu.memref_slice %arg5[%dma_start3A, %dma_start3A_9] : memref<2x4096xi32, #tpu.memory_space<vmem>> -> memref<1x4096xi32, #tpu.memory_space<vmem>>
    %dma_start3A_11 = tpu.memref_squeeze %dma_start3A_10 : memref<1x4096xi32, #tpu.memory_space<vmem>> -> memref<4096xi32, #tpu.memory_space<vmem>>
    %dma_start3A_12 = arith.constant 0 : i32
    %dma_start3A_13 = tpu.memref_slice %arg2[%div3A_3, %dma_start3A_12] : memref<26x4096xi32, #tpu.memory_space<hbm>> -> memref<1x4096xi32, #tpu.memory_space<hbm>>
    %dma_start3A_14 = tpu.memref_squeeze %dma_start3A_13 : memref<1x4096xi32, #tpu.memory_space<hbm>> -> memref<4096xi32, #tpu.memory_space<hbm>>
    %dma_start3A_15 = arith.constant 0 : i32
    %dma_start3A_16 = tpu.memref_slice %arg5[%dma_start3A, %dma_start3A_15] : memref<2x4096xi32, #tpu.memory_space<vmem>> -> memref<1x4096xi32, #tpu.memory_space<vmem>>
    %dma_start3A_17 = tpu.memref_squeeze %dma_start3A_16 : memref<1x4096xi32, #tpu.memory_space<vmem>> -> memref<4096xi32, #tpu.memory_space<vmem>>
    %dma_start3A_18 = arith.constant 0 : i32
    %dma_start3A_19 = tpu.memref_slice %arg2[%div3A_3, %dma_start3A_18] : memref<26x4096xi32, #tpu.memory_space<hbm>> -> memref<1x4096xi32, #tpu.memory_space<hbm>>
    %dma_start3A_20 = tpu.memref_squeeze %dma_start3A_19 : memref<1x4096xi32, #tpu.memory_space<hbm>> -> memref<4096xi32, #tpu.memory_space<hbm>>
    tpu.enqueue_dma source(%dma_start3A_20 : memref<4096xi32, #tpu.memory_space<hbm>>) target(%dma_start3A_17 : memref<4096xi32, #tpu.memory_space<vmem>>) target_semaphore(%arg11 : memref<!tpu.dma_semaphore, #tpu.memory_space<semaphore_mem>>)
    %dma_wait3A = arith.constant 0 : i32
    %dma_wait3A_21 = arith.constant 0 : i32
    %dma_wait3A_22 = tpu.memref_slice %arg5[%dma_wait3A, %dma_wait3A_21] : memref<2x4096xi32, #tpu.memory_space<vmem>> -> memref<1x4096xi32, #tpu.memory_space<vmem>>
    %dma_wait3A_23 = tpu.memref_squeeze %dma_wait3A_22 : memref<1x4096xi32, #tpu.memory_space<vmem>> -> memref<4096xi32, #tpu.memory_space<vmem>>
    %dma_wait3A_24 = arith.constant 0 : i32
    %dma_wait3A_25 = tpu.memref_slice %arg2[%div3A_3, %dma_wait3A_24] : memref<26x4096xi32, #tpu.memory_space<hbm>> -> memref<1x4096xi32, #tpu.memory_space<hbm>>
    %dma_wait3A_26 = tpu.memref_squeeze %dma_wait3A_25 : memref<1x4096xi32, #tpu.memory_space<hbm>> -> memref<4096xi32, #tpu.memory_space<hbm>>
    %dma_wait3A_27 = arith.constant 0 : i32
    %dma_wait3A_28 = tpu.memref_slice %arg5[%dma_wait3A, %dma_wait3A_27] : memref<2x4096xi32, #tpu.memory_space<vmem>> -> memref<1x4096xi32, #tpu.memory_space<vmem>>
    %dma_wait3A_29 = tpu.memref_squeeze %dma_wait3A_28 : memref<1x4096xi32, #tpu.memory_space<vmem>> -> memref<4096xi32, #tpu.memory_space<vmem>>
    %dma_wait3A_30 = arith.constant 0 : i32
    %dma_wait3A_31 = tpu.memref_slice %arg2[%div3A_3, %dma_wait3A_30] : memref<26x4096xi32, #tpu.memory_space<hbm>> -> memref<1x4096xi32, #tpu.memory_space<hbm>>
    %dma_wait3A_32 = tpu.memref_squeeze %dma_wait3A_31 : memref<1x4096xi32, #tpu.memory_space<hbm>> -> memref<4096xi32, #tpu.memory_space<hbm>>
    tpu.wait_dma2 semaphore(%arg11 : memref<!tpu.dma_semaphore, #tpu.memory_space<semaphore_mem>>) src(%dma_wait3A_32 : memref<4096xi32, #tpu.memory_space<hbm>>) dst(%dma_wait3A_29 : memref<4096xi32, #tpu.memory_space<vmem>>)
    %dma_start3A_33 = arith.constant 1 : i32
    %dma_start3A_34 = arith.constant 0 : i32
    %dma_start3A_35 = tpu.memref_slice %arg5[%dma_start3A_33, %dma_start3A_34] : memref<2x4096xi32, #tpu.memory_space<vmem>> -> memref<1x4096xi32, #tpu.memory_space<vmem>>
    %dma_start3A_36 = tpu.memref_squeeze %dma_start3A_35 : memref<1x4096xi32, #tpu.memory_space<vmem>> -> memref<4096xi32, #tpu.memory_space<vmem>>
    %dma_start3A_37 = arith.constant 0 : i32
    %dma_start3A_38 = tpu.memref_slice %arg2[%div3A_8, %dma_start3A_37] : memref<26x4096xi32, #tpu.memory_space<hbm>> -> memref<1x4096xi32, #tpu.memory_space<hbm>>
    %dma_start3A_39 = tpu.memref_squeeze %dma_start3A_38 : memref<1x4096xi32, #tpu.memory_space<hbm>> -> memref<4096xi32, #tpu.memory_space<hbm>>
    %dma_start3A_40 = arith.constant 0 : i32
    %dma_start3A_41 = tpu.memref_slice %arg5[%dma_start3A_33, %dma_start3A_40] : memref<2x4096xi32, #tpu.memory_space<vmem>> -> memref<1x4096xi32, #tpu.memory_space<vmem>>
    %dma_start3A_42 = tpu.memref_squeeze %dma_start3A_41 : memref<1x4096xi32, #tpu.memory_space<vmem>> -> memref<4096xi32, #tpu.memory_space<vmem>>
    %dma_start3A_43 = arith.constant 0 : i32
    %dma_start3A_44 = tpu.memref_slice %arg2[%div3A_8, %dma_start3A_43] : memref<26x4096xi32, #tpu.memory_space<hbm>> -> memref<1x4096xi32, #tpu.memory_space<hbm>>
    %dma_start3A_45 = tpu.memref_squeeze %dma_start3A_44 : memref<1x4096xi32, #tpu.memory_space<hbm>> -> memref<4096xi32, #tpu.memory_space<hbm>>
    tpu.enqueue_dma source(%dma_start3A_45 : memref<4096xi32, #tpu.memory_space<hbm>>) target(%dma_start3A_42 : memref<4096xi32, #tpu.memory_space<vmem>>) target_semaphore(%arg11 : memref<!tpu.dma_semaphore, #tpu.memory_space<semaphore_mem>>)
    %dma_wait3A_46 = arith.constant 1 : i32
    %dma_wait3A_47 = arith.constant 0 : i32
    %dma_wait3A_48 = tpu.memref_slice %arg5[%dma_wait3A_46, %dma_wait3A_47] : memref<2x4096xi32, #tpu.memory_space<vmem>> -> memref<1x4096xi32, #tpu.memory_space<vmem>>
    %dma_wait3A_49 = tpu.memref_squeeze %dma_wait3A_48 : memref<1x4096xi32, #tpu.memory_space<vmem>> -> memref<4096xi32, #tpu.memory_space<vmem>>
    %dma_wait3A_50 = arith.constant 0 : i32
    %dma_wait3A_51 = tpu.memref_slice %arg2[%div3A_8, %dma_wait3A_50] : memref<26x4096xi32, #tpu.memory_space<hbm>> -> memref<1x4096xi32, #tpu.memory_space<hbm>>
    %dma_wait3A_52 = tpu.memref_squeeze %dma_wait3A_51 : memref<1x4096xi32, #tpu.memory_space<hbm>> -> memref<4096xi32, #tpu.memory_space<hbm>>
    %dma_wait3A_53 = arith.constant 0 : i32
    %dma_wait3A_54 = tpu.memref_slice %arg5[%dma_wait3A_46, %dma_wait3A_53] : memref<2x4096xi32, #tpu.memory_space<vmem>> -> memref<1x4096xi32, #tpu.memory_space<vmem>>
    %dma_wait3A_55 = tpu.memref_squeeze %dma_wait3A_54 : memref<1x4096xi32, #tpu.memory_space<vmem>> -> memref<4096xi32, #tpu.memory_space<vmem>>
    %dma_wait3A_56 = arith.constant 0 : i32
    %dma_wait3A_57 = tpu.memref_slice %arg2[%div3A_8, %dma_wait3A_56] : memref<26x4096xi32, #tpu.memory_space<hbm>> -> memref<1x4096xi32, #tpu.memory_space<hbm>>
    %dma_wait3A_58 = tpu.memref_squeeze %dma_wait3A_57 : memref<1x4096xi32, #tpu.memory_space<hbm>> -> memref<4096xi32, #tpu.memory_space<hbm>>
    tpu.wait_dma2 semaphore(%arg11 : memref<!tpu.dma_semaphore, #tpu.memory_space<semaphore_mem>>) src(%dma_wait3A_58 : memref<4096xi32, #tpu.memory_space<hbm>>) dst(%dma_wait3A_55 : memref<4096xi32, #tpu.memory_space<vmem>>)
    %scan3A = arith.constant 0 : i32
    %scan3A_59 = arith.constant 0 : i32
    %scan3A_60 = arith.constant 26 : i32
    %scan3A_61 = arith.addi %scan3A_59, %scan3A_60 : i32
    %scan3A_62 = arith.constant 1 : i32
    %scan3A_63 = scf.for %scan3A_1313 = %scan3A_59 to %scan3A_61 step %scan3A_62 iter_args(%scan3A_1314 = %scan3A) -> (i32)  : i32 {
      %add3A_1315 = arith.addi %mul3A_2, %scan3A_1313 : i32
      %div3A_1316 = arith.constant 32 : i32
      %div3A_1317 = arith.divsi %add3A_1315, %div3A_1316 : i32
      %sub3A_1318 = arith.subi %div3A_1317, %div3A_3 : i32
      %mul3A_1319 = arith.constant 100000 : i32
      %mul3A_1320 = arith.muli %add3A_1315, %mul3A_1319 : i32
      %scan3A_1321 = arith.constant 0 : i32
      %scan3A_1322 = arith.constant 0 : i32
      %scan3A_1323 = arith.constant 64 : i32
      %scan3A_1324 = arith.addi %scan3A_1322, %scan3A_1323 : i32
      %scan3A_1325 = arith.constant 1 : i32
      %scan3A_1326 = scf.for %scan3A_1328 = %scan3A_1322 to %scan3A_1324 step %scan3A_1325 iter_args(%scan3A_1329 = %scan3A_1321) -> (i32)  : i32 {
        %mul3A_1330 = arith.constant 4 : i32
        %mul3A_1331 = arith.muli %scan3A_1328, %mul3A_1330 : i32
        %add3A_1332 = arith.constant 0 : i32
        %add3A_1333 = arith.addi %mul3A_1331, %add3A_1332 : i32
        %mul3A_1334 = arith.constant 16 : i32
        %mul3A_1335 = arith.muli %add3A_1333, %mul3A_1334 : i32
        %get3A = arith.index_cast %sub3A_1318 : i32 to index
        %get3A_1336 = arith.index_cast %mul3A_1335 : i32 to index
        %get3A_1337 = tpu.vector_load %arg5[%get3A, %get3A_1336] {strides = array<i32>} : memref<2x4096xi32, #tpu.memory_space<vmem>>, vector<1x16xi32>,
        %get3A_1338 = vector.shape_cast %get3A_1337 : vector<1x16xi32> to vector<16xi32>
        %add3A_1339 = vector.broadcast %mul3A_1320 : i32 to vector<16xi32>
        %add3A_1340 = arith.addi %get3A_1338, %add3A_1339 : vector<16xi32>
        %swap3A = arith.index_cast %scan3A_1313 : i32 to index
        %swap3A_1341 = arith.index_cast %mul3A_1335 : i32 to index
        %swap3A_1342 = tpu.vector_load %arg6[%swap3A, %swap3A_1341] {strides = array<i32>} : memref<26x4096xi32, #tpu.memory_space<vmem>>, vector<1x16xi32>,
        %swap3A_1343 = vector.shape_cast %swap3A_1342 : vector<1x16xi32> to vector<16xi32>
        %swap3A_1344 = vector.shape_cast %add3A_1340 : vector<16xi32> to vector<1x16xi32>
        tpu.vector_store %arg6[%swap3A, %swap3A_1341], %swap3A_1344 {strides = array<i32>} : memref<26x4096xi32, #tpu.memory_space<vmem>>, vector<1x16xi32>,
        %mul3A_1345 = arith.constant 4 : i32
        %mul3A_1346 = arith.muli %scan3A_1328, %mul3A_1345 : i32
        %add3A_1347 = arith.constant 1 : i32
        %add3A_1348 = arith.addi %mul3A_1346, %add3A_1347 : i32
        %mul3A_1349 = arith.constant 16 : i32
        %mul3A_1350 = arith.muli %add3A_1348, %mul3A_1349 : i32
        %get3A_1351 = arith.index_cast %sub3A_1318 : i32 to index
        %get3A_1352 = arith.index_cast %mul3A_1350 : i32 to index
        %get3A_1353 = tpu.vector_load %arg5[%get3A_1351, %get3A_1352] {strides = array<i32>} : memref<2x4096xi32, #tpu.memory_space<vmem>>, vector<1x16xi32>,
        %get3A_1354 = vector.shape_cast %get3A_1353 : vector<1x16xi32> to vector<16xi32>
        %add3A_1355 = vector.broadcast %mul3A_1320 : i32 to vector<16xi32>
        %add3A_1356 = arith.addi %get3A_1354, %add3A_1355 : vector<16xi32>
        %swap3A_1357 = arith.index_cast %scan3A_1313 : i32 to index
        %swap3A_1358 = arith.index_cast %mul3A_1350 : i32 to index
        %swap3A_1359 = tpu.vector_load %arg6[%swap3A_1357, %swap3A_1358] {strides = array<i32>} : memref<26x4096xi32, #tpu.memory_space<vmem>>, vector<1x16xi32>,
        %swap3A_1360 = vector.shape_cast %swap3A_1359 : vector<1x16xi32> to vector<16xi32>
        %swap3A_1361 = vector.shape_cast %add3A_1356 : vector<16xi32> to vector<1x16xi32>
        tpu.vector_store %arg6[%swap3A_1357, %swap3A_1358], %swap3A_1361 {strides = array<i32>} : memref<26x4096xi32, #tpu.memory_space<vmem>>, vector<1x16xi32>,
        %mul3A_1362 = arith.constant 4 : i32
        %mul3A_1363 = arith.muli %scan3A_1328, %mul3A_1362 : i32
        %add3A_1364 = arith.constant 2 : i32
        %add3A_1365 = arith.addi %mul3A_1363, %add3A_1364 : i32
        %mul3A_1366 = arith.constant 16 : i32
        %mul3A_1367 = arith.muli %add3A_1365, %mul3A_1366 : i32
        %get3A_1368 = arith.index_cast %sub3A_1318 : i32 to index
        %get3A_1369 = arith.index_cast %mul3A_1367 : i32 to index
        %get3A_1370 = tpu.vector_load %arg5[%get3A_1368, %get3A_1369] {strides = array<i32>} : memref<2x4096xi32, #tpu.memory_space<vmem>>, vector<1x16xi32>,
        %get3A_1371 = vector.shape_cast %get3A_1370 : vector<1x16xi32> to vector<16xi32>
        %add3A_1372 = vector.broadcast %mul3A_1320 : i32 to vector<16xi32>
        %add3A_1373 = arith.addi %get3A_1371, %add3A_1372 : vector<16xi32>
        %swap3A_1374 = arith.index_cast %scan3A_1313 : i32 to index
        %swap3A_1375 = arith.index_cast %mul3A_1367 : i32 to index
        %swap3A_1376 = tpu.vector_load %arg6[%swap3A_1374, %swap3A_1375] {strides = array<i32>} : memref<26x4096xi32, #tpu.memory_space<vmem>>, vector<1x16xi32>,
        %swap3A_1377 = vector.shape_cast %swap3A_1376 : vector<1x16xi32> to vector<16xi32>
        %swap3A_1378 = vector.shape_cast %add3A_1373 : vector<16xi32> to vector<1x16xi32>
        tpu.vector_store %arg6[%swap3A_1374, %swap3A_1375], %swap3A_1378 {strides = array<i32>} : memref<26x4096xi32, #tpu.memory_space<vmem>>, vector<1x16xi32>,
        %mul3A_1379 = arith.constant 4 : i32
        %mul3A_1380 = arith.muli %scan3A_1328, %mul3A_1379 : i32
        %add3A_1381 = arith.constant 3 : i32
        %add3A_1382 = arith.addi %mul3A_1380, %add3A_1381 : i32
        %mul3A_1383 = arith.constant 16 : i32
        %mul3A_1384 = arith.muli %add3A_1382, %mul3A_1383 : i32
        %get3A_1385 = arith.index_cast %sub3A_1318 : i32 to index
        %get3A_1386 = arith.index_cast %mul3A_1384 : i32 to index
        %get3A_1387 = tpu.vector_load %arg5[%get3A_1385, %get3A_1386] {strides = array<i32>} : memref<2x4096xi32, #tpu.memory_space<vmem>>, vector<1x16xi32>,
        %get3A_1388 = vector.shape_cast %get3A_1387 : vector<1x16xi32> to vector<16xi32>
        %add3A_1389 = vector.broadcast %mul3A_1320 : i32 to vector<16xi32>
        %add3A_1390 = arith.addi %get3A_1388, %add3A_1389 : vector<16xi32>
        %swap3A_1391 = arith.index_cast %scan3A_1313 : i32 to index
        %swap3A_1392 = arith.index_cast %mul3A_1384 : i32 to index
        %swap3A_1393 = tpu.vector_load %arg6[%swap3A_1391, %swap3A_1392] {strides = array<i32>} : memref<26x4096xi32, #tpu.memory_space<vmem>>, vector<1x16xi32>,
        %swap3A_1394 = vector.shape_cast %swap3A_1393 : vector<1x16xi32> to vector<16xi32>
        %swap3A_1395 = vector.shape_cast %add3A_1390 : vector<16xi32> to vector<1x16xi32>
        tpu.vector_store %arg6[%swap3A_1391, %swap3A_1392], %swap3A_1395 {strides = array<i32>} : memref<26x4096xi32, #tpu.memory_space<vmem>>, vector<1x16xi32>,
        %scan3A_1396 = arith.constant 0 : i32
        scf.yield %scan3A_1396 : i32
      }
      %scan3A_1327 = arith.constant 64 : i32
      scf.yield %scan3A_1326 : i32
    }
    %scan3A_64 = arith.constant 26 : i32
    %dma_start3A_65 = arith.constant 0 : i32
    %dma_start3A_66 = arith.constant 0 : i32
    %dma_start3A_67 = arith.constant 0 : i32
    %dma_start3A_68 = tpu.memref_slice %arg7[%dma_start3A_66, %dma_start3A_67] : memref<3x4096xf32, #tpu.memory_space<vmem>> -> memref<1x4096xf32, #tpu.memory_space<vmem>>
    %dma_start3A_69 = tpu.memref_squeeze %dma_start3A_68 : memref<1x4096xf32, #tpu.memory_space<vmem>> -> memref<4096xf32, #tpu.memory_space<vmem>>
    %dma_start3A_70 = arith.constant 0 : i32
    %dma_start3A_71 = tpu.memref_slice %arg6[%dma_start3A_65, %dma_start3A_70] : memref<26x4096xi32, #tpu.memory_space<vmem>> -> memref<1x4096xi32, #tpu.memory_space<vmem>>
    %dma_start3A_72 = tpu.memref_squeeze %dma_start3A_71 : memref<1x4096xi32, #tpu.memory_space<vmem>> -> memref<4096xi32, #tpu.memory_space<vmem>>
    %dma_start3A_73 = arith.constant 0 : i32
    %dma_start3A_74 = tpu.memref_slice %arg3[%dma_start3A_73] : memref<83200000xf32, #tpu.memory_space<hbm>> -> memref<83200000xf32, #tpu.memory_space<hbm>>
    tpu.enqueue_indirect_dma source(%dma_start3A_74 : memref<83200000xf32, #tpu.memory_space<hbm>>) target(%dma_start3A_69 : memref<4096xf32, #tpu.memory_space<vmem>>) offsets(%dma_start3A_72 : memref<4096xi32, #tpu.memory_space<vmem>>) semaphore(%arg8 : memref<!tpu.dma_semaphore, #tpu.memory_space<semaphore_mem>>)
    %dma_start3A_75 = arith.constant 1 : i32
    %dma_start3A_76 = arith.constant 1 : i32
    %dma_start3A_77 = arith.constant 0 : i32
    %dma_start3A_78 = tpu.memref_slice %arg7[%dma_start3A_76, %dma_start3A_77] : memref<3x4096xf32, #tpu.memory_space<vmem>> -> memref<1x4096xf32, #tpu.memory_space<vmem>>
    %dma_start3A_79 = tpu.memref_squeeze %dma_start3A_78 : memref<1x4096xf32, #tpu.memory_space<vmem>> -> memref<4096xf32, #tpu.memory_space<vmem>>
    %dma_start3A_80 = arith.constant 0 : i32
    %dma_start3A_81 = tpu.memref_slice %arg6[%dma_start3A_75, %dma_start3A_80] : memref<26x4096xi32, #tpu.memory_space<vmem>> -> memref<1x4096xi32, #tpu.memory_space<vmem>>
    %dma_start3A_82 = tpu.memref_squeeze %dma_start3A_81 : memref<1x4096xi32, #tpu.memory_space<vmem>> -> memref<4096xi32, #tpu.memory_space<vmem>>
    %dma_start3A_83 = arith.constant 0 : i32
    %dma_start3A_84 = tpu.memref_slice %arg3[%dma_start3A_83] : memref<83200000xf32, #tpu.memory_space<hbm>> -> memref<83200000xf32, #tpu.memory_space<hbm>>
    tpu.enqueue_indirect_dma source(%dma_start3A_84 : memref<83200000xf32, #tpu.memory_space<hbm>>) target(%dma_start3A_79 : memref<4096xf32, #tpu.memory_space<vmem>>) offsets(%dma_start3A_82 : memref<4096xi32, #tpu.memory_space<vmem>>) semaphore(%arg9 : memref<!tpu.dma_semaphore, #tpu.memory_space<semaphore_mem>>)
    %dma_wait3A_85 = arith.constant 0 : i32
    %dma_wait3A_86 = arith.constant 0 : i32
    %dma_wait3A_87 = arith.constant 0 : i32
    %dma_wait3A_88 = tpu.memref_slice %arg7[%dma_wait3A_86, %dma_wait3A_87] : memref<3x4096xf32, #tpu.memory_space<vmem>> -> memref<1x4096xf32, #tpu.memory_space<vmem>>
    %dma_wait3A_89 = tpu.memref_squeeze %dma_wait3A_88 : memref<1x4096xf32, #tpu.memory_space<vmem>> -> memref<4096xf32, #tpu.memory_space<vmem>>
    %dma_wait3A_90 = arith.constant 0 : i32
    %dma_wait3A_91 = tpu.memref_slice %arg6[%dma_wait3A_85, %dma_wait3A_90] : memref<26x4096xi32, #tpu.memory_space<vmem>> -> memref<1x4096xi32, #tpu.memory_space<vmem>>
    %dma_wait3A_92 = tpu.memref_squeeze %dma_wait3A_91 : memref<1x4096xi32, #tpu.memory_space<vmem>> -> memref<4096xi32, #tpu.memory_space<vmem>>
    %dma_wait3A_93 = arith.constant 0 : i32
    %dma_wait3A_94 = tpu.memref_slice %arg3[%dma_wait3A_93] : memref<83200000xf32, #tpu.memory_space<hbm>> -> memref<83200000xf32, #tpu.memory_space<hbm>>
    tpu.wait_indirect_dma semaphore(%arg8 : memref<!tpu.dma_semaphore, #tpu.memory_space<semaphore_mem>>) src(%dma_wait3A_94 : memref<83200000xf32, #tpu.memory_space<hbm>>) dst(%dma_wait3A_89 : memref<4096xf32, #tpu.memory_space<vmem>>)
    %dma_start3A_95 = arith.constant 2 : i32
    %dma_start3A_96 = arith.constant 2 : i32
    %dma_start3A_97 = arith.constant 0 : i32
    %dma_start3A_98 = tpu.memref_slice %arg7[%dma_start3A_96, %dma_start3A_97] : memref<3x4096xf32, #tpu.memory_space<vmem>> -> memref<1x4096xf32, #tpu.memory_space<vmem>>
    %dma_start3A_99 = tpu.memref_squeeze %dma_start3A_98 : memref<1x4096xf32, #tpu.memory_space<vmem>> -> memref<4096xf32, #tpu.memory_space<vmem>>
    %dma_start3A_100 = arith.constant 0 : i32
    %dma_start3A_101 = tpu.memref_slice %arg6[%dma_start3A_95, %dma_start3A_100] : memref<26x4096xi32, #tpu.memory_space<vmem>> -> memref<1x4096xi32, #tpu.memory_space<vmem>>
    %dma_start3A_102 = tpu.memref_squeeze %dma_start3A_101 : memref<1x4096xi32, #tpu.memory_space<vmem>> -> memref<4096xi32, #tpu.memory_space<vmem>>
    %dma_start3A_103 = arith.constant 0 : i32
    %dma_start3A_104 = tpu.memref_slice %arg3[%dma_start3A_103] : memref<83200000xf32, #tpu.memory_space<hbm>> -> memref<83200000xf32, #tpu.memory_space<hbm>>
    tpu.enqueue_indirect_dma source(%dma_start3A_104 : memref<83200000xf32, #tpu.memory_space<hbm>>) target(%dma_start3A_99 : memref<4096xf32, #tpu.memory_space<vmem>>) offsets(%dma_start3A_102 : memref<4096xi32, #tpu.memory_space<vmem>>) semaphore(%arg8 : memref<!tpu.dma_semaphore, #tpu.memory_space<semaphore_mem>>)
    %add3A_105 = arith.constant 0 : i32
    %add3A_106 = arith.addi %mul3A_2, %add3A_105 : i32
    %dma_start3A_107 = arith.constant 0 : i32
    %dma_start3A_108 = arith.constant 0 : i32
    %dma_start3A_109 = tpu.memref_slice %arg7[%dma_start3A_107, %dma_start3A_108] : memref<3x4096xf32, #tpu.memory_space<vmem>> -> memref<1x4096xf32, #tpu.memory_space<vmem>>
    %dma_start3A_110 = tpu.memref_squeeze %dma_start3A_109 : memref<1x4096xf32, #tpu.memory_space<vmem>> -> memref<4096xf32, #tpu.memory_space<vmem>>
    %dma_start3A_111 = arith.constant 0 : i32
    %dma_start3A_112 = tpu.memref_slice %arg4[%add3A_106, %dma_start3A_111] : memref<832x4096xf32, #tpu.memory_space<hbm>> -> memref<1x4096xf32, #tpu.memory_space<hbm>>
    %dma_start3A_113 = tpu.memref_squeeze %dma_start3A_112 : memref<1x4096xf32, #tpu.memory_space<hbm>> -> memref<4096xf32, #tpu.memory_space<hbm>>
    %dma_start3A_114 = arith.constant 0 : i32
    %dma_start3A_115 = tpu.memref_slice %arg4[%add3A_106, %dma_start3A_114] : memref<832x4096xf32, #tpu.memory_space<hbm>> -> memref<1x4096xf32, #tpu.memory_space<hbm>>
    %dma_start3A_116 = tpu.memref_squeeze %dma_start3A_115 : memref<1x4096xf32, #tpu.memory_space<hbm>> -> memref<4096xf32, #tpu.memory_space<hbm>>
    %dma_start3A_117 = arith.constant 0 : i32
    %dma_start3A_118 = tpu.memref_slice %arg7[%dma_start3A_107, %dma_start3A_117] : memref<3x4096xf32, #tpu.memory_space<vmem>> -> memref<1x4096xf32, #tpu.memory_space<vmem>>
    %dma_start3A_119 = tpu.memref_squeeze %dma_start3A_118 : memref<1x4096xf32, #tpu.memory_space<vmem>> -> memref<4096xf32, #tpu.memory_space<vmem>>
    tpu.enqueue_dma source(%dma_start3A_119 : memref<4096xf32, #tpu.memory_space<vmem>>) target(%dma_start3A_116 : memref<4096xf32, #tpu.memory_space<hbm>>) target_semaphore(%arg10 : memref<!tpu.dma_semaphore, #tpu.memory_space<semaphore_mem>>)
    %dma_wait3A_120 = arith.constant 1 : i32
    %dma_wait3A_121 = arith.constant 1 : i32
    %dma_wait3A_122 = arith.constant 0 : i32
    %dma_wait3A_123 = tpu.memref_slice %arg7[%dma_wait3A_121, %dma_wait3A_122] : memref<3x4096xf32, #tpu.memory_space<vmem>> -> memref<1x4096xf32, #tpu.memory_space<vmem>>
    %dma_wait3A_124 = tpu.memref_squeeze %dma_wait3A_123 : memref<1x4096xf32, #tpu.memory_space<vmem>> -> memref<4096xf32, #tpu.memory_space<vmem>>
    %dma_wait3A_125 = arith.constant 0 : i32
    %dma_wait3A_126 = tpu.memref_slice %arg6[%dma_wait3A_120, %dma_wait3A_125] : memref<26x4096xi32, #tpu.memory_space<vmem>> -> memref<1x4096xi32, #tpu.memory_space<vmem>>
    %dma_wait3A_127 = tpu.memref_squeeze %dma_wait3A_126 : memref<1x4096xi32, #tpu.memory_space<vmem>> -> memref<4096xi32, #tpu.memory_space<vmem>>
    %dma_wait3A_128 = arith.constant 0 : i32
    %dma_wait3A_129 = tpu.memref_slice %arg3[%dma_wait3A_128] : memref<83200000xf32, #tpu.memory_space<hbm>> -> memref<83200000xf32, #tpu.memory_space<hbm>>
    tpu.wait_indirect_dma semaphore(%arg9 : memref<!tpu.dma_semaphore, #tpu.memory_space<semaphore_mem>>) src(%dma_wait3A_129 : memref<83200000xf32, #tpu.memory_space<hbm>>) dst(%dma_wait3A_124 : memref<4096xf32, #tpu.memory_space<vmem>>)
    %dma_wait3A_130 = arith.constant 0 : i32
    %dma_wait3A_131 = arith.constant 0 : i32
    %dma_wait3A_132 = tpu.memref_slice %arg7[%dma_wait3A_130, %dma_wait3A_131] : memref<3x4096xf32, #tpu.memory_space<vmem>> -> memref<1x4096xf32, #tpu.memory_space<vmem>>
    %dma_wait3A_133 = tpu.memref_squeeze %dma_wait3A_132 : memref<1x4096xf32, #tpu.memory_space<vmem>> -> memref<4096xf32, #tpu.memory_space<vmem>>
    %dma_wait3A_134 = arith.constant 0 : i32
    %dma_wait3A_135 = tpu.memref_slice %arg4[%add3A_106, %dma_wait3A_134] : memref<832x4096xf32, #tpu.memory_space<hbm>> -> memref<1x4096xf32, #tpu.memory_space<hbm>>
    %dma_wait3A_136 = tpu.memref_squeeze %dma_wait3A_135 : memref<1x4096xf32, #tpu.memory_space<hbm>> -> memref<4096xf32, #tpu.memory_space<hbm>>
    %dma_wait3A_137 = arith.constant 0 : i32
    %dma_wait3A_138 = tpu.memref_slice %arg4[%add3A_106, %dma_wait3A_137] : memref<832x4096xf32, #tpu.memory_space<hbm>> -> memref<1x4096xf32, #tpu.memory_space<hbm>>
    %dma_wait3A_139 = tpu.memref_squeeze %dma_wait3A_138 : memref<1x4096xf32, #tpu.memory_space<hbm>> -> memref<4096xf32, #tpu.memory_space<hbm>>
    %dma_wait3A_140 = arith.constant 0 : i32
    %dma_wait3A_141 = tpu.memref_slice %arg7[%dma_wait3A_130, %dma_wait3A_140] : memref<3x4096xf32, #tpu.memory_space<vmem>> -> memref<1x4096xf32, #tpu.memory_space<vmem>>
    %dma_wait3A_142 = tpu.memref_squeeze %dma_wait3A_141 : memref<1x4096xf32, #tpu.memory_space<vmem>> -> memref<4096xf32, #tpu.memory_space<vmem>>
    tpu.wait_dma2 semaphore(%arg10 : memref<!tpu.dma_semaphore, #tpu.memory_space<semaphore_mem>>) src(%dma_wait3A_142 : memref<4096xf32, #tpu.memory_space<vmem>>) dst(%dma_wait3A_139 : memref<4096xf32, #tpu.memory_space<hbm>>)
    %dma_start3A_143 = arith.constant 3 : i32
    %dma_start3A_144 = arith.constant 0 : i32
    %dma_start3A_145 = arith.constant 0 : i32
    %dma_start3A_146 = tpu.memref_slice %arg7[%dma_start3A_144, %dma_start3A_145] : memref<3x4096xf32, #tpu.memory_space<vmem>> -> memref<1x4096xf32, #tpu.memory_space<vmem>>
    %dma_start3A_147 = tpu.memref_squeeze %dma_start3A_146 : memref<1x4096xf32, #tpu.memory_space<vmem>> -> memref<4096xf32, #tpu.memory_space<vmem>>
    %dma_start3A_148 = arith.constant 0 : i32
    %dma_start3A_149 = tpu.memref_slice %arg6[%dma_start3A_143, %dma_start3A_148] : memref<26x4096xi32, #tpu.memory_space<vmem>> -> memref<1x4096xi32, #tpu.memory_space<vmem>>
    %dma_start3A_150 = tpu.memref_squeeze %dma_start3A_149 : memref<1x4096xi32, #tpu.memory_space<vmem>> -> memref<4096xi32, #tpu.memory_space<vmem>>
    %dma_start3A_151 = arith.constant 0 : i32
    %dma_start3A_152 = tpu.memref_slice %arg3[%dma_start3A_151] : memref<83200000xf32, #tpu.memory_space<hbm>> -> memref<83200000xf32, #tpu.memory_space<hbm>>
    tpu.enqueue_indirect_dma source(%dma_start3A_152 : memref<83200000xf32, #tpu.memory_space<hbm>>) target(%dma_start3A_147 : memref<4096xf32, #tpu.memory_space<vmem>>) offsets(%dma_start3A_150 : memref<4096xi32, #tpu.memory_space<vmem>>) semaphore(%arg9 : memref<!tpu.dma_semaphore, #tpu.memory_space<semaphore_mem>>)
    %add3A_153 = arith.constant 1 : i32
    %add3A_154 = arith.addi %mul3A_2, %add3A_153 : i32
    %dma_start3A_155 = arith.constant 1 : i32
    %dma_start3A_156 = arith.constant 0 : i32
    %dma_start3A_157 = tpu.memref_slice %arg7[%dma_start3A_155, %dma_start3A_156] : memref<3x4096xf32, #tpu.memory_space<vmem>> -> memref<1x4096xf32, #tpu.memory_space<vmem>>
    %dma_start3A_158 = tpu.memref_squeeze %dma_start3A_157 : memref<1x4096xf32, #tpu.memory_space<vmem>> -> memref<4096xf32, #tpu.memory_space<vmem>>
    %dma_start3A_159 = arith.constant 0 : i32
    %dma_start3A_160 = tpu.memref_slice %arg4[%add3A_154, %dma_start3A_159] : memref<832x4096xf32, #tpu.memory_space<hbm>> -> memref<1x4096xf32, #tpu.memory_space<hbm>>
    %dma_start3A_161 = tpu.memref_squeeze %dma_start3A_160 : memref<1x4096xf32, #tpu.memory_space<hbm>> -> memref<4096xf32, #tpu.memory_space<hbm>>
    %dma_start3A_162 = arith.constant 0 : i32
    %dma_start3A_163 = tpu.memref_slice %arg4[%add3A_154, %dma_start3A_162] : memref<832x4096xf32, #tpu.memory_space<hbm>> -> memref<1x4096xf32, #tpu.memory_space<hbm>>
    %dma_start3A_164 = tpu.memref_squeeze %dma_start3A_163 : memref<1x4096xf32, #tpu.memory_space<hbm>> -> memref<4096xf32, #tpu.memory_space<hbm>>
    %dma_start3A_165 = arith.constant 0 : i32
    %dma_start3A_166 = tpu.memref_slice %arg7[%dma_start3A_155, %dma_start3A_165] : memref<3x4096xf32, #tpu.memory_space<vmem>> -> memref<1x4096xf32, #tpu.memory_space<vmem>>
    %dma_start3A_167 = tpu.memref_squeeze %dma_start3A_166 : memref<1x4096xf32, #tpu.memory_space<vmem>> -> memref<4096xf32, #tpu.memory_space<vmem>>
    tpu.enqueue_dma source(%dma_start3A_167 : memref<4096xf32, #tpu.memory_space<vmem>>) target(%dma_start3A_164 : memref<4096xf32, #tpu.memory_space<hbm>>) target_semaphore(%arg10 : memref<!tpu.dma_semaphore, #tpu.memory_space<semaphore_mem>>)
    %dma_wait3A_168 = arith.constant 2 : i32
    %dma_wait3A_169 = arith.constant 2 : i32
    %dma_wait3A_170 = arith.constant 0 : i32
    %dma_wait3A_171 = tpu.memref_slice %arg7[%dma_wait3A_169, %dma_wait3A_170] : memref<3x4096xf32, #tpu.memory_space<vmem>> -> memref<1x4096xf32, #tpu.memory_space<vmem>>
    %dma_wait3A_172 = tpu.memref_squeeze %dma_wait3A_171 : memref<1x4096xf32, #tpu.memory_space<vmem>> -> memref<4096xf32, #tpu.memory_space<vmem>>
    %dma_wait3A_173 = arith.constant 0 : i32
    %dma_wait3A_174 = tpu.memref_slice %arg6[%dma_wait3A_168, %dma_wait3A_173] : memref<26x4096xi32, #tpu.memory_space<vmem>> -> memref<1x4096xi32, #tpu.memory_space<vmem>>
    %dma_wait3A_175 = tpu.memref_squeeze %dma_wait3A_174 : memref<1x4096xi32, #tpu.memory_space<vmem>> -> memref<4096xi32, #tpu.memory_space<vmem>>
    %dma_wait3A_176 = arith.constant 0 : i32
    %dma_wait3A_177 = tpu.memref_slice %arg3[%dma_wait3A_176] : memref<83200000xf32, #tpu.memory_space<hbm>> -> memref<83200000xf32, #tpu.memory_space<hbm>>
    tpu.wait_indirect_dma semaphore(%arg8 : memref<!tpu.dma_semaphore, #tpu.memory_space<semaphore_mem>>) src(%dma_wait3A_177 : memref<83200000xf32, #tpu.memory_space<hbm>>) dst(%dma_wait3A_172 : memref<4096xf32, #tpu.memory_space<vmem>>)
    %dma_wait3A_178 = arith.constant 1 : i32
    %dma_wait3A_179 = arith.constant 0 : i32
    %dma_wait3A_180 = tpu.memref_slice %arg7[%dma_wait3A_178, %dma_wait3A_179] : memref<3x4096xf32, #tpu.memory_space<vmem>> -> memref<1x4096xf32, #tpu.memory_space<vmem>>
    %dma_wait3A_181 = tpu.memref_squeeze %dma_wait3A_180 : memref<1x4096xf32, #tpu.memory_space<vmem>> -> memref<4096xf32, #tpu.memory_space<vmem>>
    %dma_wait3A_182 = arith.constant 0 : i32
    %dma_wait3A_183 = tpu.memref_slice %arg4[%add3A_154, %dma_wait3A_182] : memref<832x4096xf32, #tpu.memory_space<hbm>> -> memref<1x4096xf32, #tpu.memory_space<hbm>>
    %dma_wait3A_184 = tpu.memref_squeeze %dma_wait3A_183 : memref<1x4096xf32, #tpu.memory_space<hbm>> -> memref<4096xf32, #tpu.memory_space<hbm>>
    %dma_wait3A_185 = arith.constant 0 : i32
    %dma_wait3A_186 = tpu.memref_slice %arg4[%add3A_154, %dma_wait3A_185] : memref<832x4096xf32, #tpu.memory_space<hbm>> -> memref<1x4096xf32, #tpu.memory_space<hbm>>
    %dma_wait3A_187 = tpu.memref_squeeze %dma_wait3A_186 : memref<1x4096xf32, #tpu.memory_space<hbm>> -> memref<4096xf32, #tpu.memory_space<hbm>>
    %dma_wait3A_188 = arith.constant 0 : i32
    %dma_wait3A_189 = tpu.memref_slice %arg7[%dma_wait3A_178, %dma_wait3A_188] : memref<3x4096xf32, #tpu.memory_space<vmem>> -> memref<1x4096xf32, #tpu.memory_space<vmem>>
    %dma_wait3A_190 = tpu.memref_squeeze %dma_wait3A_189 : memref<1x4096xf32, #tpu.memory_space<vmem>> -> memref<4096xf32, #tpu.memory_space<vmem>>
    tpu.wait_dma2 semaphore(%arg10 : memref<!tpu.dma_semaphore, #tpu.memory_space<semaphore_mem>>) src(%dma_wait3A_190 : memref<4096xf32, #tpu.memory_space<vmem>>) dst(%dma_wait3A_187 : memref<4096xf32, #tpu.memory_space<hbm>>)
    %dma_start3A_191 = arith.constant 4 : i32
    %dma_start3A_192 = arith.constant 1 : i32
    %dma_start3A_193 = arith.constant 0 : i32
    %dma_start3A_194 = tpu.memref_slice %arg7[%dma_start3A_192, %dma_start3A_193] : memref<3x4096xf32, #tpu.memory_space<vmem>> -> memref<1x4096xf32, #tpu.memory_space<vmem>>
    %dma_start3A_195 = tpu.memref_squeeze %dma_start3A_194 : memref<1x4096xf32, #tpu.memory_space<vmem>> -> memref<4096xf32, #tpu.memory_space<vmem>>
    %dma_start3A_196 = arith.constant 0 : i32
    %dma_start3A_197 = tpu.memref_slice %arg6[%dma_start3A_191, %dma_start3A_196] : memref<26x4096xi32, #tpu.memory_space<vmem>> -> memref<1x4096xi32, #tpu.memory_space<vmem>>
    %dma_start3A_198 = tpu.memref_squeeze %dma_start3A_197 : memref<1x4096xi32, #tpu.memory_space<vmem>> -> memref<4096xi32, #tpu.memory_space<vmem>>
    %dma_start3A_199 = arith.constant 0 : i32
    %dma_start3A_200 = tpu.memref_slice %arg3[%dma_start3A_199] : memref<83200000xf32, #tpu.memory_space<hbm>> -> memref<83200000xf32, #tpu.memory_space<hbm>>
    tpu.enqueue_indirect_dma source(%dma_start3A_200 : memref<83200000xf32, #tpu.memory_space<hbm>>) target(%dma_start3A_195 : memref<4096xf32, #tpu.memory_space<vmem>>) offsets(%dma_start3A_198 : memref<4096xi32, #tpu.memory_space<vmem>>) semaphore(%arg8 : memref<!tpu.dma_semaphore, #tpu.memory_space<semaphore_mem>>)
    %add3A_201 = arith.constant 2 : i32
    %add3A_202 = arith.addi %mul3A_2, %add3A_201 : i32
    %dma_start3A_203 = arith.constant 2 : i32
    %dma_start3A_204 = arith.constant 0 : i32
    %dma_start3A_205 = tpu.memref_slice %arg7[%dma_start3A_203, %dma_start3A_204] : memref<3x4096xf32, #tpu.memory_space<vmem>> -> memref<1x4096xf32, #tpu.memory_space<vmem>>
    %dma_start3A_206 = tpu.memref_squeeze %dma_start3A_205 : memref<1x4096xf32, #tpu.memory_space<vmem>> -> memref<4096xf32, #tpu.memory_space<vmem>>
    %dma_start3A_207 = arith.constant 0 : i32
    %dma_start3A_208 = tpu.memref_slice %arg4[%add3A_202, %dma_start3A_207] : memref<832x4096xf32, #tpu.memory_space<hbm>> -> memref<1x4096xf32, #tpu.memory_space<hbm>>
    %dma_start3A_209 = tpu.memref_squeeze %dma_start3A_208 : memref<1x4096xf32, #tpu.memory_space<hbm>> -> memref<4096xf32, #tpu.memory_space<hbm>>
    %dma_start3A_210 = arith.constant 0 : i32
    %dma_start3A_211 = tpu.memref_slice %arg4[%add3A_202, %dma_start3A_210] : memref<832x4096xf32, #tpu.memory_space<hbm>> -> memref<1x4096xf32, #tpu.memory_space<hbm>>
    %dma_start3A_212 = tpu.memref_squeeze %dma_start3A_211 : memref<1x4096xf32, #tpu.memory_space<hbm>> -> memref<4096xf32, #tpu.memory_space<hbm>>
    %dma_start3A_213 = arith.constant 0 : i32
    %dma_start3A_214 = tpu.memref_slice %arg7[%dma_start3A_203, %dma_start3A_213] : memref<3x4096xf32, #tpu.memory_space<vmem>> -> memref<1x4096xf32, #tpu.memory_space<vmem>>
    %dma_start3A_215 = tpu.memref_squeeze %dma_start3A_214 : memref<1x4096xf32, #tpu.memory_space<vmem>> -> memref<4096xf32, #tpu.memory_space<vmem>>
    tpu.enqueue_dma source(%dma_start3A_215 : memref<4096xf32, #tpu.memory_space<vmem>>) target(%dma_start3A_212 : memref<4096xf32, #tpu.memory_space<hbm>>) target_semaphore(%arg10 : memref<!tpu.dma_semaphore, #tpu.memory_space<semaphore_mem>>)
    %dma_wait3A_216 = arith.constant 3 : i32
    %dma_wait3A_217 = arith.constant 0 : i32
    %dma_wait3A_218 = arith.constant 0 : i32
    %dma_wait3A_219 = tpu.memref_slice %arg7[%dma_wait3A_217, %dma_wait3A_218] : memref<3x4096xf32, #tpu.memory_space<vmem>> -> memref<1x4096xf32, #tpu.memory_space<vmem>>
    %dma_wait3A_220 = tpu.memref_squeeze %dma_wait3A_219 : memref<1x4096xf32, #tpu.memory_space<vmem>> -> memref<4096xf32, #tpu.memory_space<vmem>>
    %dma_wait3A_221 = arith.constant 0 : i32
    %dma_wait3A_222 = tpu.memref_slice %arg6[%dma_wait3A_216, %dma_wait3A_221] : memref<26x4096xi32, #tpu.memory_space<vmem>> -> memref<1x4096xi32, #tpu.memory_space<vmem>>
    %dma_wait3A_223 = tpu.memref_squeeze %dma_wait3A_222 : memref<1x4096xi32, #tpu.memory_space<vmem>> -> memref<4096xi32, #tpu.memory_space<vmem>>
    %dma_wait3A_224 = arith.constant 0 : i32
    %dma_wait3A_225 = tpu.memref_slice %arg3[%dma_wait3A_224] : memref<83200000xf32, #tpu.memory_space<hbm>> -> memref<83200000xf32, #tpu.memory_space<hbm>>
    tpu.wait_indirect_dma semaphore(%arg9 : memref<!tpu.dma_semaphore, #tpu.memory_space<semaphore_mem>>) src(%dma_wait3A_225 : memref<83200000xf32, #tpu.memory_space<hbm>>) dst(%dma_wait3A_220 : memref<4096xf32, #tpu.memory_space<vmem>>)
    %dma_wait3A_226 = arith.constant 2 : i32
    %dma_wait3A_227 = arith.constant 0 : i32
    %dma_wait3A_228 = tpu.memref_slice %arg7[%dma_wait3A_226, %dma_wait3A_227] : memref<3x4096xf32, #tpu.memory_space<vmem>> -> memref<1x4096xf32, #tpu.memory_space<vmem>>
    %dma_wait3A_229 = tpu.memref_squeeze %dma_wait3A_228 : memref<1x4096xf32, #tpu.memory_space<vmem>> -> memref<4096xf32, #tpu.memory_space<vmem>>
    %dma_wait3A_230 = arith.constant 0 : i32
    %dma_wait3A_231 = tpu.memref_slice %arg4[%add3A_202, %dma_wait3A_230] : memref<832x4096xf32, #tpu.memory_space<hbm>> -> memref<1x4096xf32, #tpu.memory_space<hbm>>
    %dma_wait3A_232 = tpu.memref_squeeze %dma_wait3A_231 : memref<1x4096xf32, #tpu.memory_space<hbm>> -> memref<4096xf32, #tpu.memory_space<hbm>>
    %dma_wait3A_233 = arith.constant 0 : i32
    %dma_wait3A_234 = tpu.memref_slice %arg4[%add3A_202, %dma_wait3A_233] : memref<832x4096xf32, #tpu.memory_space<hbm>> -> memref<1x4096xf32, #tpu.memory_space<hbm>>
    %dma_wait3A_235 = tpu.memref_squeeze %dma_wait3A_234 : memref<1x4096xf32, #tpu.memory_space<hbm>> -> memref<4096xf32, #tpu.memory_space<hbm>>
    %dma_wait3A_236 = arith.constant 0 : i32
    %dma_wait3A_237 = tpu.memref_slice %arg7[%dma_wait3A_226, %dma_wait3A_236] : memref<3x4096xf32, #tpu.memory_space<vmem>> -> memref<1x4096xf32, #tpu.memory_space<vmem>>
    %dma_wait3A_238 = tpu.memref_squeeze %dma_wait3A_237 : memref<1x4096xf32, #tpu.memory_space<vmem>> -> memref<4096xf32, #tpu.memory_space<vmem>>
    tpu.wait_dma2 semaphore(%arg10 : memref<!tpu.dma_semaphore, #tpu.memory_space<semaphore_mem>>) src(%dma_wait3A_238 : memref<4096xf32, #tpu.memory_space<vmem>>) dst(%dma_wait3A_235 : memref<4096xf32, #tpu.memory_space<hbm>>)
    %dma_start3A_239 = arith.constant 5 : i32
    %dma_start3A_240 = arith.constant 2 : i32
    %dma_start3A_241 = arith.constant 0 : i32
    %dma_start3A_242 = tpu.memref_slice %arg7[%dma_start3A_240, %dma_start3A_241] : memref<3x4096xf32, #tpu.memory_space<vmem>> -> memref<1x4096xf32, #tpu.memory_space<vmem>>
    %dma_start3A_243 = tpu.memref_squeeze %dma_start3A_242 : memref<1x4096xf32, #tpu.memory_space<vmem>> -> memref<4096xf32, #tpu.memory_space<vmem>>
    %dma_start3A_244 = arith.constant 0 : i32
    %dma_start3A_245 = tpu.memref_slice %arg6[%dma_start3A_239, %dma_start3A_244] : memref<26x4096xi32, #tpu.memory_space<vmem>> -> memref<1x4096xi32, #tpu.memory_space<vmem>>
    %dma_start3A_246 = tpu.memref_squeeze %dma_start3A_245 : memref<1x4096xi32, #tpu.memory_space<vmem>> -> memref<4096xi32, #tpu.memory_space<vmem>>
    %dma_start3A_247 = arith.constant 0 : i32
    %dma_start3A_248 = tpu.memref_slice %arg3[%dma_start3A_247] : memref<83200000xf32, #tpu.memory_space<hbm>> -> memref<83200000xf32, #tpu.memory_space<hbm>>
    tpu.enqueue_indirect_dma source(%dma_start3A_248 : memref<83200000xf32, #tpu.memory_space<hbm>>) target(%dma_start3A_243 : memref<4096xf32, #tpu.memory_space<vmem>>) offsets(%dma_start3A_246 : memref<4096xi32, #tpu.memory_space<vmem>>) semaphore(%arg9 : memref<!tpu.dma_semaphore, #tpu.memory_space<semaphore_mem>>)
    %add3A_249 = arith.constant 3 : i32
    %add3A_250 = arith.addi %mul3A_2, %add3A_249 : i32
    %dma_start3A_251 = arith.constant 0 : i32
    %dma_start3A_252 = arith.constant 0 : i32
    %dma_start3A_253 = tpu.memref_slice %arg7[%dma_start3A_251, %dma_start3A_252] : memref<3x4096xf32, #tpu.memory_space<vmem>> -> memref<1x4096xf32, #tpu.memory_space<vmem>>
    %dma_start3A_254 = tpu.memref_squeeze %dma_start3A_253 : memref<1x4096xf32, #tpu.memory_space<vmem>> -> memref<4096xf32, #tpu.memory_space<vmem>>
    %dma_start3A_255 = arith.constant 0 : i32
    %dma_start3A_256 = tpu.memref_slice %arg4[%add3A_250, %dma_start3A_255] : memref<832x4096xf32, #tpu.memory_space<hbm>> -> memref<1x4096xf32, #tpu.memory_space<hbm>>
    %dma_start3A_257 = tpu.memref_squeeze %dma_start3A_256 : memref<1x4096xf32, #tpu.memory_space<hbm>> -> memref<4096xf32, #tpu.memory_space<hbm>>
    %dma_start3A_258 = arith.constant 0 : i32
    %dma_start3A_259 = tpu.memref_slice %arg4[%add3A_250, %dma_start3A_258] : memref<832x4096xf32, #tpu.memory_space<hbm>> -> memref<1x4096xf32, #tpu.memory_space<hbm>>
    %dma_start3A_260 = tpu.memref_squeeze %dma_start3A_259 : memref<1x4096xf32, #tpu.memory_space<hbm>> -> memref<4096xf32, #tpu.memory_space<hbm>>
    %dma_start3A_261 = arith.constant 0 : i32
    %dma_start3A_262 = tpu.memref_slice %arg7[%dma_start3A_251, %dma_start3A_261] : memref<3x4096xf32, #tpu.memory_space<vmem>> -> memref<1x4096xf32, #tpu.memory_space<vmem>>
    %dma_start3A_263 = tpu.memref_squeeze %dma_start3A_262 : memref<1x4096xf32, #tpu.memory_space<vmem>> -> memref<4096xf32, #tpu.memory_space<vmem>>
    tpu.enqueue_dma source(%dma_start3A_263 : memref<4096xf32, #tpu.memory_space<vmem>>) target(%dma_start3A_260 : memref<4096xf32, #tpu.memory_space<hbm>>) target_semaphore(%arg10 : memref<!tpu.dma_semaphore, #tpu.memory_space<semaphore_mem>>)
    %dma_wait3A_264 = arith.constant 4 : i32
    %dma_wait3A_265 = arith.constant 1 : i32
    %dma_wait3A_266 = arith.constant 0 : i32
    %dma_wait3A_267 = tpu.memref_slice %arg7[%dma_wait3A_265, %dma_wait3A_266] : memref<3x4096xf32, #tpu.memory_space<vmem>> -> memref<1x4096xf32, #tpu.memory_space<vmem>>
    %dma_wait3A_268 = tpu.memref_squeeze %dma_wait3A_267 : memref<1x4096xf32, #tpu.memory_space<vmem>> -> memref<4096xf32, #tpu.memory_space<vmem>>
    %dma_wait3A_269 = arith.constant 0 : i32
    %dma_wait3A_270 = tpu.memref_slice %arg6[%dma_wait3A_264, %dma_wait3A_269] : memref<26x4096xi32, #tpu.memory_space<vmem>> -> memref<1x4096xi32, #tpu.memory_space<vmem>>
    %dma_wait3A_271 = tpu.memref_squeeze %dma_wait3A_270 : memref<1x4096xi32, #tpu.memory_space<vmem>> -> memref<4096xi32, #tpu.memory_space<vmem>>
    %dma_wait3A_272 = arith.constant 0 : i32
    %dma_wait3A_273 = tpu.memref_slice %arg3[%dma_wait3A_272] : memref<83200000xf32, #tpu.memory_space<hbm>> -> memref<83200000xf32, #tpu.memory_space<hbm>>
    tpu.wait_indirect_dma semaphore(%arg8 : memref<!tpu.dma_semaphore, #tpu.memory_space<semaphore_mem>>) src(%dma_wait3A_273 : memref<83200000xf32, #tpu.memory_space<hbm>>) dst(%dma_wait3A_268 : memref<4096xf32, #tpu.memory_space<vmem>>)
    %dma_wait3A_274 = arith.constant 0 : i32
    %dma_wait3A_275 = arith.constant 0 : i32
    %dma_wait3A_276 = tpu.memref_slice %arg7[%dma_wait3A_274, %dma_wait3A_275] : memref<3x4096xf32, #tpu.memory_space<vmem>> -> memref<1x4096xf32, #tpu.memory_space<vmem>>
    %dma_wait3A_277 = tpu.memref_squeeze %dma_wait3A_276 : memref<1x4096xf32, #tpu.memory_space<vmem>> -> memref<4096xf32, #tpu.memory_space<vmem>>
    %dma_wait3A_278 = arith.constant 0 : i32
    %dma_wait3A_279 = tpu.memref_slice %arg4[%add3A_250, %dma_wait3A_278] : memref<832x4096xf32, #tpu.memory_space<hbm>> -> memref<1x4096xf32, #tpu.memory_space<hbm>>
    %dma_wait3A_280 = tpu.memref_squeeze %dma_wait3A_279 : memref<1x4096xf32, #tpu.memory_space<hbm>> -> memref<4096xf32, #tpu.memory_space<hbm>>
    %dma_wait3A_281 = arith.constant 0 : i32
    %dma_wait3A_282 = tpu.memref_slice %arg4[%add3A_250, %dma_wait3A_281] : memref<832x4096xf32, #tpu.memory_space<hbm>> -> memref<1x4096xf32, #tpu.memory_space<hbm>>
    %dma_wait3A_283 = tpu.memref_squeeze %dma_wait3A_282 : memref<1x4096xf32, #tpu.memory_space<hbm>> -> memref<4096xf32, #tpu.memory_space<hbm>>
    %dma_wait3A_284 = arith.constant 0 : i32
    %dma_wait3A_285 = tpu.memref_slice %arg7[%dma_wait3A_274, %dma_wait3A_284] : memref<3x4096xf32, #tpu.memory_space<vmem>> -> memref<1x4096xf32, #tpu.memory_space<vmem>>
    %dma_wait3A_286 = tpu.memref_squeeze %dma_wait3A_285 : memref<1x4096xf32, #tpu.memory_space<vmem>> -> memref<4096xf32, #tpu.memory_space<vmem>>
    tpu.wait_dma2 semaphore(%arg10 : memref<!tpu.dma_semaphore, #tpu.memory_space<semaphore_mem>>) src(%dma_wait3A_286 : memref<4096xf32, #tpu.memory_space<vmem>>) dst(%dma_wait3A_283 : memref<4096xf32, #tpu.memory_space<hbm>>)
    %dma_start3A_287 = arith.constant 6 : i32
    %dma_start3A_288 = arith.constant 0 : i32
    %dma_start3A_289 = arith.constant 0 : i32
    %dma_start3A_290 = tpu.memref_slice %arg7[%dma_start3A_288, %dma_start3A_289] : memref<3x4096xf32, #tpu.memory_space<vmem>> -> memref<1x4096xf32, #tpu.memory_space<vmem>>
    %dma_start3A_291 = tpu.memref_squeeze %dma_start3A_290 : memref<1x4096xf32, #tpu.memory_space<vmem>> -> memref<4096xf32, #tpu.memory_space<vmem>>
    %dma_start3A_292 = arith.constant 0 : i32
    %dma_start3A_293 = tpu.memref_slice %arg6[%dma_start3A_287, %dma_start3A_292] : memref<26x4096xi32, #tpu.memory_space<vmem>> -> memref<1x4096xi32, #tpu.memory_space<vmem>>
    %dma_start3A_294 = tpu.memref_squeeze %dma_start3A_293 : memref<1x4096xi32, #tpu.memory_space<vmem>> -> memref<4096xi32, #tpu.memory_space<vmem>>
    %dma_start3A_295 = arith.constant 0 : i32
    %dma_start3A_296 = tpu.memref_slice %arg3[%dma_start3A_295] : memref<83200000xf32, #tpu.memory_space<hbm>> -> memref<83200000xf32, #tpu.memory_space<hbm>>
    tpu.enqueue_indirect_dma source(%dma_start3A_296 : memref<83200000xf32, #tpu.memory_space<hbm>>) target(%dma_start3A_291 : memref<4096xf32, #tpu.memory_space<vmem>>) offsets(%dma_start3A_294 : memref<4096xi32, #tpu.memory_space<vmem>>) semaphore(%arg8 : memref<!tpu.dma_semaphore, #tpu.memory_space<semaphore_mem>>)
    %add3A_297 = arith.constant 4 : i32
    %add3A_298 = arith.addi %mul3A_2, %add3A_297 : i32
    %dma_start3A_299 = arith.constant 1 : i32
    %dma_start3A_300 = arith.constant 0 : i32
    %dma_start3A_301 = tpu.memref_slice %arg7[%dma_start3A_299, %dma_start3A_300] : memref<3x4096xf32, #tpu.memory_space<vmem>> -> memref<1x4096xf32, #tpu.memory_space<vmem>>
    %dma_start3A_302 = tpu.memref_squeeze %dma_start3A_301 : memref<1x4096xf32, #tpu.memory_space<vmem>> -> memref<4096xf32, #tpu.memory_space<vmem>>
    %dma_start3A_303 = arith.constant 0 : i32
    %dma_start3A_304 = tpu.memref_slice %arg4[%add3A_298, %dma_start3A_303] : memref<832x4096xf32, #tpu.memory_space<hbm>> -> memref<1x4096xf32, #tpu.memory_space<hbm>>
    %dma_start3A_305 = tpu.memref_squeeze %dma_start3A_304 : memref<1x4096xf32, #tpu.memory_space<hbm>> -> memref<4096xf32, #tpu.memory_space<hbm>>
    %dma_start3A_306 = arith.constant 0 : i32
    %dma_start3A_307 = tpu.memref_slice %arg4[%add3A_298, %dma_start3A_306] : memref<832x4096xf32, #tpu.memory_space<hbm>> -> memref<1x4096xf32, #tpu.memory_space<hbm>>
    %dma_start3A_308 = tpu.memref_squeeze %dma_start3A_307 : memref<1x4096xf32, #tpu.memory_space<hbm>> -> memref<4096xf32, #tpu.memory_space<hbm>>
    %dma_start3A_309 = arith.constant 0 : i32
    %dma_start3A_310 = tpu.memref_slice %arg7[%dma_start3A_299, %dma_start3A_309] : memref<3x4096xf32, #tpu.memory_space<vmem>> -> memref<1x4096xf32, #tpu.memory_space<vmem>>
    %dma_start3A_311 = tpu.memref_squeeze %dma_start3A_310 : memref<1x4096xf32, #tpu.memory_space<vmem>> -> memref<4096xf32, #tpu.memory_space<vmem>>
    tpu.enqueue_dma source(%dma_start3A_311 : memref<4096xf32, #tpu.memory_space<vmem>>) target(%dma_start3A_308 : memref<4096xf32, #tpu.memory_space<hbm>>) target_semaphore(%arg10 : memref<!tpu.dma_semaphore, #tpu.memory_space<semaphore_mem>>)
    %dma_wait3A_312 = arith.constant 5 : i32
    %dma_wait3A_313 = arith.constant 2 : i32
    %dma_wait3A_314 = arith.constant 0 : i32
    %dma_wait3A_315 = tpu.memref_slice %arg7[%dma_wait3A_313, %dma_wait3A_314] : memref<3x4096xf32, #tpu.memory_space<vmem>> -> memref<1x4096xf32, #tpu.memory_space<vmem>>
    %dma_wait3A_316 = tpu.memref_squeeze %dma_wait3A_315 : memref<1x4096xf32, #tpu.memory_space<vmem>> -> memref<4096xf32, #tpu.memory_space<vmem>>
    %dma_wait3A_317 = arith.constant 0 : i32
    %dma_wait3A_318 = tpu.memref_slice %arg6[%dma_wait3A_312, %dma_wait3A_317] : memref<26x4096xi32, #tpu.memory_space<vmem>> -> memref<1x4096xi32, #tpu.memory_space<vmem>>
    %dma_wait3A_319 = tpu.memref_squeeze %dma_wait3A_318 : memref<1x4096xi32, #tpu.memory_space<vmem>> -> memref<4096xi32, #tpu.memory_space<vmem>>
    %dma_wait3A_320 = arith.constant 0 : i32
    %dma_wait3A_321 = tpu.memref_slice %arg3[%dma_wait3A_320] : memref<83200000xf32, #tpu.memory_space<hbm>> -> memref<83200000xf32, #tpu.memory_space<hbm>>
    tpu.wait_indirect_dma semaphore(%arg9 : memref<!tpu.dma_semaphore, #tpu.memory_space<semaphore_mem>>) src(%dma_wait3A_321 : memref<83200000xf32, #tpu.memory_space<hbm>>) dst(%dma_wait3A_316 : memref<4096xf32, #tpu.memory_space<vmem>>)
    %dma_wait3A_322 = arith.constant 1 : i32
    %dma_wait3A_323 = arith.constant 0 : i32
    %dma_wait3A_324 = tpu.memref_slice %arg7[%dma_wait3A_322, %dma_wait3A_323] : memref<3x4096xf32, #tpu.memory_space<vmem>> -> memref<1x4096xf32, #tpu.memory_space<vmem>>
    %dma_wait3A_325 = tpu.memref_squeeze %dma_wait3A_324 : memref<1x4096xf32, #tpu.memory_space<vmem>> -> memref<4096xf32, #tpu.memory_space<vmem>>
    %dma_wait3A_326 = arith.constant 0 : i32
    %dma_wait3A_327 = tpu.memref_slice %arg4[%add3A_298, %dma_wait3A_326] : memref<832x4096xf32, #tpu.memory_space<hbm>> -> memref<1x4096xf32, #tpu.memory_space<hbm>>
    %dma_wait3A_328 = tpu.memref_squeeze %dma_wait3A_327 : memref<1x4096xf32, #tpu.memory_space<hbm>> -> memref<4096xf32, #tpu.memory_space<hbm>>
    %dma_wait3A_329 = arith.constant 0 : i32
    %dma_wait3A_330 = tpu.memref_slice %arg4[%add3A_298, %dma_wait3A_329] : memref<832x4096xf32, #tpu.memory_space<hbm>> -> memref<1x4096xf32, #tpu.memory_space<hbm>>
    %dma_wait3A_331 = tpu.memref_squeeze %dma_wait3A_330 : memref<1x4096xf32, #tpu.memory_space<hbm>> -> memref<4096xf32, #tpu.memory_space<hbm>>
    %dma_wait3A_332 = arith.constant 0 : i32
    %dma_wait3A_333 = tpu.memref_slice %arg7[%dma_wait3A_322, %dma_wait3A_332] : memref<3x4096xf32, #tpu.memory_space<vmem>> -> memref<1x4096xf32, #tpu.memory_space<vmem>>
    %dma_wait3A_334 = tpu.memref_squeeze %dma_wait3A_333 : memref<1x4096xf32, #tpu.memory_space<vmem>> -> memref<4096xf32, #tpu.memory_space<vmem>>
    tpu.wait_dma2 semaphore(%arg10 : memref<!tpu.dma_semaphore, #tpu.memory_space<semaphore_mem>>) src(%dma_wait3A_334 : memref<4096xf32, #tpu.memory_space<vmem>>) dst(%dma_wait3A_331 : memref<4096xf32, #tpu.memory_space<hbm>>)
    %dma_start3A_335 = arith.constant 7 : i32
    %dma_start3A_336 = arith.constant 1 : i32
    %dma_start3A_337 = arith.constant 0 : i32
    %dma_start3A_338 = tpu.memref_slice %arg7[%dma_start3A_336, %dma_start3A_337] : memref<3x4096xf32, #tpu.memory_space<vmem>> -> memref<1x4096xf32, #tpu.memory_space<vmem>>
    %dma_start3A_339 = tpu.memref_squeeze %dma_start3A_338 : memref<1x4096xf32, #tpu.memory_space<vmem>> -> memref<4096xf32, #tpu.memory_space<vmem>>
    %dma_start3A_340 = arith.constant 0 : i32
    %dma_start3A_341 = tpu.memref_slice %arg6[%dma_start3A_335, %dma_start3A_340] : memref<26x4096xi32, #tpu.memory_space<vmem>> -> memref<1x4096xi32, #tpu.memory_space<vmem>>
    %dma_start3A_342 = tpu.memref_squeeze %dma_start3A_341 : memref<1x4096xi32, #tpu.memory_space<vmem>> -> memref<4096xi32, #tpu.memory_space<vmem>>
    %dma_start3A_343 = arith.constant 0 : i32
    %dma_start3A_344 = tpu.memref_slice %arg3[%dma_start3A_343] : memref<83200000xf32, #tpu.memory_space<hbm>> -> memref<83200000xf32, #tpu.memory_space<hbm>>
    tpu.enqueue_indirect_dma source(%dma_start3A_344 : memref<83200000xf32, #tpu.memory_space<hbm>>) target(%dma_start3A_339 : memref<4096xf32, #tpu.memory_space<vmem>>) offsets(%dma_start3A_342 : memref<4096xi32, #tpu.memory_space<vmem>>) semaphore(%arg9 : memref<!tpu.dma_semaphore, #tpu.memory_space<semaphore_mem>>)
    %add3A_345 = arith.constant 5 : i32
    %add3A_346 = arith.addi %mul3A_2, %add3A_345 : i32
    %dma_start3A_347 = arith.constant 2 : i32
    %dma_start3A_348 = arith.constant 0 : i32
    %dma_start3A_349 = tpu.memref_slice %arg7[%dma_start3A_347, %dma_start3A_348] : memref<3x4096xf32, #tpu.memory_space<vmem>> -> memref<1x4096xf32, #tpu.memory_space<vmem>>
    %dma_start3A_350 = tpu.memref_squeeze %dma_start3A_349 : memref<1x4096xf32, #tpu.memory_space<vmem>> -> memref<4096xf32, #tpu.memory_space<vmem>>
    %dma_start3A_351 = arith.constant 0 : i32
    %dma_start3A_352 = tpu.memref_slice %arg4[%add3A_346, %dma_start3A_351] : memref<832x4096xf32, #tpu.memory_space<hbm>> -> memref<1x4096xf32, #tpu.memory_space<hbm>>
    %dma_start3A_353 = tpu.memref_squeeze %dma_start3A_352 : memref<1x4096xf32, #tpu.memory_space<hbm>> -> memref<4096xf32, #tpu.memory_space<hbm>>
    %dma_start3A_354 = arith.constant 0 : i32
    %dma_start3A_355 = tpu.memref_slice %arg4[%add3A_346, %dma_start3A_354] : memref<832x4096xf32, #tpu.memory_space<hbm>> -> memref<1x4096xf32, #tpu.memory_space<hbm>>
    %dma_start3A_356 = tpu.memref_squeeze %dma_start3A_355 : memref<1x4096xf32, #tpu.memory_space<hbm>> -> memref<4096xf32, #tpu.memory_space<hbm>>
    %dma_start3A_357 = arith.constant 0 : i32
    %dma_start3A_358 = tpu.memref_slice %arg7[%dma_start3A_347, %dma_start3A_357] : memref<3x4096xf32, #tpu.memory_space<vmem>> -> memref<1x4096xf32, #tpu.memory_space<vmem>>
    %dma_start3A_359 = tpu.memref_squeeze %dma_start3A_358 : memref<1x4096xf32, #tpu.memory_space<vmem>> -> memref<4096xf32, #tpu.memory_space<vmem>>
    tpu.enqueue_dma source(%dma_start3A_359 : memref<4096xf32, #tpu.memory_space<vmem>>) target(%dma_start3A_356 : memref<4096xf32, #tpu.memory_space<hbm>>) target_semaphore(%arg10 : memref<!tpu.dma_semaphore, #tpu.memory_space<semaphore_mem>>)
    %dma_wait3A_360 = arith.constant 6 : i32
    %dma_wait3A_361 = arith.constant 0 : i32
    %dma_wait3A_362 = arith.constant 0 : i32
    %dma_wait3A_363 = tpu.memref_slice %arg7[%dma_wait3A_361, %dma_wait3A_362] : memref<3x4096xf32, #tpu.memory_space<vmem>> -> memref<1x4096xf32, #tpu.memory_space<vmem>>
    %dma_wait3A_364 = tpu.memref_squeeze %dma_wait3A_363 : memref<1x4096xf32, #tpu.memory_space<vmem>> -> memref<4096xf32, #tpu.memory_space<vmem>>
    %dma_wait3A_365 = arith.constant 0 : i32
    %dma_wait3A_366 = tpu.memref_slice %arg6[%dma_wait3A_360, %dma_wait3A_365] : memref<26x4096xi32, #tpu.memory_space<vmem>> -> memref<1x4096xi32, #tpu.memory_space<vmem>>
    %dma_wait3A_367 = tpu.memref_squeeze %dma_wait3A_366 : memref<1x4096xi32, #tpu.memory_space<vmem>> -> memref<4096xi32, #tpu.memory_space<vmem>>
    %dma_wait3A_368 = arith.constant 0 : i32
    %dma_wait3A_369 = tpu.memref_slice %arg3[%dma_wait3A_368] : memref<83200000xf32, #tpu.memory_space<hbm>> -> memref<83200000xf32, #tpu.memory_space<hbm>>
    tpu.wait_indirect_dma semaphore(%arg8 : memref<!tpu.dma_semaphore, #tpu.memory_space<semaphore_mem>>) src(%dma_wait3A_369 : memref<83200000xf32, #tpu.memory_space<hbm>>) dst(%dma_wait3A_364 : memref<4096xf32, #tpu.memory_space<vmem>>)
    %dma_wait3A_370 = arith.constant 2 : i32
    %dma_wait3A_371 = arith.constant 0 : i32
    %dma_wait3A_372 = tpu.memref_slice %arg7[%dma_wait3A_370, %dma_wait3A_371] : memref<3x4096xf32, #tpu.memory_space<vmem>> -> memref<1x4096xf32, #tpu.memory_space<vmem>>
    %dma_wait3A_373 = tpu.memref_squeeze %dma_wait3A_372 : memref<1x4096xf32, #tpu.memory_space<vmem>> -> memref<4096xf32, #tpu.memory_space<vmem>>
    %dma_wait3A_374 = arith.constant 0 : i32
    %dma_wait3A_375 = tpu.memref_slice %arg4[%add3A_346, %dma_wait3A_374] : memref<832x4096xf32, #tpu.memory_space<hbm>> -> memref<1x4096xf32, #tpu.memory_space<hbm>>
    %dma_wait3A_376 = tpu.memref_squeeze %dma_wait3A_375 : memref<1x4096xf32, #tpu.memory_space<hbm>> -> memref<4096xf32, #tpu.memory_space<hbm>>
    %dma_wait3A_377 = arith.constant 0 : i32
    %dma_wait3A_378 = tpu.memref_slice %arg4[%add3A_346, %dma_wait3A_377] : memref<832x4096xf32, #tpu.memory_space<hbm>> -> memref<1x4096xf32, #tpu.memory_space<hbm>>
    %dma_wait3A_379 = tpu.memref_squeeze %dma_wait3A_378 : memref<1x4096xf32, #tpu.memory_space<hbm>> -> memref<4096xf32, #tpu.memory_space<hbm>>
    %dma_wait3A_380 = arith.constant 0 : i32
    %dma_wait3A_381 = tpu.memref_slice %arg7[%dma_wait3A_370, %dma_wait3A_380] : memref<3x4096xf32, #tpu.memory_space<vmem>> -> memref<1x4096xf32, #tpu.memory_space<vmem>>
    %dma_wait3A_382 = tpu.memref_squeeze %dma_wait3A_381 : memref<1x4096xf32, #tpu.memory_space<vmem>> -> memref<4096xf32, #tpu.memory_space<vmem>>
    tpu.wait_dma2 semaphore(%arg10 : memref<!tpu.dma_semaphore, #tpu.memory_space<semaphore_mem>>) src(%dma_wait3A_382 : memref<4096xf32, #tpu.memory_space<vmem>>) dst(%dma_wait3A_379 : memref<4096xf32, #tpu.memory_space<hbm>>)
    %dma_start3A_383 = arith.constant 8 : i32
    %dma_start3A_384 = arith.constant 2 : i32
    %dma_start3A_385 = arith.constant 0 : i32
    %dma_start3A_386 = tpu.memref_slice %arg7[%dma_start3A_384, %dma_start3A_385] : memref<3x4096xf32, #tpu.memory_space<vmem>> -> memref<1x4096xf32, #tpu.memory_space<vmem>>
    %dma_start3A_387 = tpu.memref_squeeze %dma_start3A_386 : memref<1x4096xf32, #tpu.memory_space<vmem>> -> memref<4096xf32, #tpu.memory_space<vmem>>
    %dma_start3A_388 = arith.constant 0 : i32
    %dma_start3A_389 = tpu.memref_slice %arg6[%dma_start3A_383, %dma_start3A_388] : memref<26x4096xi32, #tpu.memory_space<vmem>> -> memref<1x4096xi32, #tpu.memory_space<vmem>>
    %dma_start3A_390 = tpu.memref_squeeze %dma_start3A_389 : memref<1x4096xi32, #tpu.memory_space<vmem>> -> memref<4096xi32, #tpu.memory_space<vmem>>
    %dma_start3A_391 = arith.constant 0 : i32
    %dma_start3A_392 = tpu.memref_slice %arg3[%dma_start3A_391] : memref<83200000xf32, #tpu.memory_space<hbm>> -> memref<83200000xf32, #tpu.memory_space<hbm>>
    tpu.enqueue_indirect_dma source(%dma_start3A_392 : memref<83200000xf32, #tpu.memory_space<hbm>>) target(%dma_start3A_387 : memref<4096xf32, #tpu.memory_space<vmem>>) offsets(%dma_start3A_390 : memref<4096xi32, #tpu.memory_space<vmem>>) semaphore(%arg8 : memref<!tpu.dma_semaphore, #tpu.memory_space<semaphore_mem>>)
    %add3A_393 = arith.constant 6 : i32
    %add3A_394 = arith.addi %mul3A_2, %add3A_393 : i32
    %dma_start3A_395 = arith.constant 0 : i32
    %dma_start3A_396 = arith.constant 0 : i32
    %dma_start3A_397 = tpu.memref_slice %arg7[%dma_start3A_395, %dma_start3A_396] : memref<3x4096xf32, #tpu.memory_space<vmem>> -> memref<1x4096xf32, #tpu.memory_space<vmem>>
    %dma_start3A_398 = tpu.memref_squeeze %dma_start3A_397 : memref<1x4096xf32, #tpu.memory_space<vmem>> -> memref<4096xf32, #tpu.memory_space<vmem>>
    %dma_start3A_399 = arith.constant 0 : i32
    %dma_start3A_400 = tpu.memref_slice %arg4[%add3A_394, %dma_start3A_399] : memref<832x4096xf32, #tpu.memory_space<hbm>> -> memref<1x4096xf32, #tpu.memory_space<hbm>>
    %dma_start3A_401 = tpu.memref_squeeze %dma_start3A_400 : memref<1x4096xf32, #tpu.memory_space<hbm>> -> memref<4096xf32, #tpu.memory_space<hbm>>
    %dma_start3A_402 = arith.constant 0 : i32
    %dma_start3A_403 = tpu.memref_slice %arg4[%add3A_394, %dma_start3A_402] : memref<832x4096xf32, #tpu.memory_space<hbm>> -> memref<1x4096xf32, #tpu.memory_space<hbm>>
    %dma_start3A_404 = tpu.memref_squeeze %dma_start3A_403 : memref<1x4096xf32, #tpu.memory_space<hbm>> -> memref<4096xf32, #tpu.memory_space<hbm>>
    %dma_start3A_405 = arith.constant 0 : i32
    %dma_start3A_406 = tpu.memref_slice %arg7[%dma_start3A_395, %dma_start3A_405] : memref<3x4096xf32, #tpu.memory_space<vmem>> -> memref<1x4096xf32, #tpu.memory_space<vmem>>
    %dma_start3A_407 = tpu.memref_squeeze %dma_start3A_406 : memref<1x4096xf32, #tpu.memory_space<vmem>> -> memref<4096xf32, #tpu.memory_space<vmem>>
    tpu.enqueue_dma source(%dma_start3A_407 : memref<4096xf32, #tpu.memory_space<vmem>>) target(%dma_start3A_404 : memref<4096xf32, #tpu.memory_space<hbm>>) target_semaphore(%arg10 : memref<!tpu.dma_semaphore, #tpu.memory_space<semaphore_mem>>)
    %dma_wait3A_408 = arith.constant 7 : i32
    %dma_wait3A_409 = arith.constant 1 : i32
    %dma_wait3A_410 = arith.constant 0 : i32
    %dma_wait3A_411 = tpu.memref_slice %arg7[%dma_wait3A_409, %dma_wait3A_410] : memref<3x4096xf32, #tpu.memory_space<vmem>> -> memref<1x4096xf32, #tpu.memory_space<vmem>>
    %dma_wait3A_412 = tpu.memref_squeeze %dma_wait3A_411 : memref<1x4096xf32, #tpu.memory_space<vmem>> -> memref<4096xf32, #tpu.memory_space<vmem>>
    %dma_wait3A_413 = arith.constant 0 : i32
    %dma_wait3A_414 = tpu.memref_slice %arg6[%dma_wait3A_408, %dma_wait3A_413] : memref<26x4096xi32, #tpu.memory_space<vmem>> -> memref<1x4096xi32, #tpu.memory_space<vmem>>
    %dma_wait3A_415 = tpu.memref_squeeze %dma_wait3A_414 : memref<1x4096xi32, #tpu.memory_space<vmem>> -> memref<4096xi32, #tpu.memory_space<vmem>>
    %dma_wait3A_416 = arith.constant 0 : i32
    %dma_wait3A_417 = tpu.memref_slice %arg3[%dma_wait3A_416] : memref<83200000xf32, #tpu.memory_space<hbm>> -> memref<83200000xf32, #tpu.memory_space<hbm>>
    tpu.wait_indirect_dma semaphore(%arg9 : memref<!tpu.dma_semaphore, #tpu.memory_space<semaphore_mem>>) src(%dma_wait3A_417 : memref<83200000xf32, #tpu.memory_space<hbm>>) dst(%dma_wait3A_412 : memref<4096xf32, #tpu.memory_space<vmem>>)
    %dma_wait3A_418 = arith.constant 0 : i32
    %dma_wait3A_419 = arith.constant 0 : i32
    %dma_wait3A_420 = tpu.memref_slice %arg7[%dma_wait3A_418, %dma_wait3A_419] : memref<3x4096xf32, #tpu.memory_space<vmem>> -> memref<1x4096xf32, #tpu.memory_space<vmem>>
    %dma_wait3A_421 = tpu.memref_squeeze %dma_wait3A_420 : memref<1x4096xf32, #tpu.memory_space<vmem>> -> memref<4096xf32, #tpu.memory_space<vmem>>
    %dma_wait3A_422 = arith.constant 0 : i32
    %dma_wait3A_423 = tpu.memref_slice %arg4[%add3A_394, %dma_wait3A_422] : memref<832x4096xf32, #tpu.memory_space<hbm>> -> memref<1x4096xf32, #tpu.memory_space<hbm>>
    %dma_wait3A_424 = tpu.memref_squeeze %dma_wait3A_423 : memref<1x4096xf32, #tpu.memory_space<hbm>> -> memref<4096xf32, #tpu.memory_space<hbm>>
    %dma_wait3A_425 = arith.constant 0 : i32
    %dma_wait3A_426 = tpu.memref_slice %arg4[%add3A_394, %dma_wait3A_425] : memref<832x4096xf32, #tpu.memory_space<hbm>> -> memref<1x4096xf32, #tpu.memory_space<hbm>>
    %dma_wait3A_427 = tpu.memref_squeeze %dma_wait3A_426 : memref<1x4096xf32, #tpu.memory_space<hbm>> -> memref<4096xf32, #tpu.memory_space<hbm>>
    %dma_wait3A_428 = arith.constant 0 : i32
    %dma_wait3A_429 = tpu.memref_slice %arg7[%dma_wait3A_418, %dma_wait3A_428] : memref<3x4096xf32, #tpu.memory_space<vmem>> -> memref<1x4096xf32, #tpu.memory_space<vmem>>
    %dma_wait3A_430 = tpu.memref_squeeze %dma_wait3A_429 : memref<1x4096xf32, #tpu.memory_space<vmem>> -> memref<4096xf32, #tpu.memory_space<vmem>>
    tpu.wait_dma2 semaphore(%arg10 : memref<!tpu.dma_semaphore, #tpu.memory_space<semaphore_mem>>) src(%dma_wait3A_430 : memref<4096xf32, #tpu.memory_space<vmem>>) dst(%dma_wait3A_427 : memref<4096xf32, #tpu.memory_space<hbm>>)
    %dma_start3A_431 = arith.constant 9 : i32
    %dma_start3A_432 = arith.constant 0 : i32
    %dma_start3A_433 = arith.constant 0 : i32
    %dma_start3A_434 = tpu.memref_slice %arg7[%dma_start3A_432, %dma_start3A_433] : memref<3x4096xf32, #tpu.memory_space<vmem>> -> memref<1x4096xf32, #tpu.memory_space<vmem>>
    %dma_start3A_435 = tpu.memref_squeeze %dma_start3A_434 : memref<1x4096xf32, #tpu.memory_space<vmem>> -> memref<4096xf32, #tpu.memory_space<vmem>>
    %dma_start3A_436 = arith.constant 0 : i32
    %dma_start3A_437 = tpu.memref_slice %arg6[%dma_start3A_431, %dma_start3A_436] : memref<26x4096xi32, #tpu.memory_space<vmem>> -> memref<1x4096xi32, #tpu.memory_space<vmem>>
    %dma_start3A_438 = tpu.memref_squeeze %dma_start3A_437 : memref<1x4096xi32, #tpu.memory_space<vmem>> -> memref<4096xi32, #tpu.memory_space<vmem>>
    %dma_start3A_439 = arith.constant 0 : i32
    %dma_start3A_440 = tpu.memref_slice %arg3[%dma_start3A_439] : memref<83200000xf32, #tpu.memory_space<hbm>> -> memref<83200000xf32, #tpu.memory_space<hbm>>
    tpu.enqueue_indirect_dma source(%dma_start3A_440 : memref<83200000xf32, #tpu.memory_space<hbm>>) target(%dma_start3A_435 : memref<4096xf32, #tpu.memory_space<vmem>>) offsets(%dma_start3A_438 : memref<4096xi32, #tpu.memory_space<vmem>>) semaphore(%arg9 : memref<!tpu.dma_semaphore, #tpu.memory_space<semaphore_mem>>)
    %add3A_441 = arith.constant 7 : i32
    %add3A_442 = arith.addi %mul3A_2, %add3A_441 : i32
    %dma_start3A_443 = arith.constant 1 : i32
    %dma_start3A_444 = arith.constant 0 : i32
    %dma_start3A_445 = tpu.memref_slice %arg7[%dma_start3A_443, %dma_start3A_444] : memref<3x4096xf32, #tpu.memory_space<vmem>> -> memref<1x4096xf32, #tpu.memory_space<vmem>>
    %dma_start3A_446 = tpu.memref_squeeze %dma_start3A_445 : memref<1x4096xf32, #tpu.memory_space<vmem>> -> memref<4096xf32, #tpu.memory_space<vmem>>
    %dma_start3A_447 = arith.constant 0 : i32
    %dma_start3A_448 = tpu.memref_slice %arg4[%add3A_442, %dma_start3A_447] : memref<832x4096xf32, #tpu.memory_space<hbm>> -> memref<1x4096xf32, #tpu.memory_space<hbm>>
    %dma_start3A_449 = tpu.memref_squeeze %dma_start3A_448 : memref<1x4096xf32, #tpu.memory_space<hbm>> -> memref<4096xf32, #tpu.memory_space<hbm>>
    %dma_start3A_450 = arith.constant 0 : i32
    %dma_start3A_451 = tpu.memref_slice %arg4[%add3A_442, %dma_start3A_450] : memref<832x4096xf32, #tpu.memory_space<hbm>> -> memref<1x4096xf32, #tpu.memory_space<hbm>>
    %dma_start3A_452 = tpu.memref_squeeze %dma_start3A_451 : memref<1x4096xf32, #tpu.memory_space<hbm>> -> memref<4096xf32, #tpu.memory_space<hbm>>
    %dma_start3A_453 = arith.constant 0 : i32
    %dma_start3A_454 = tpu.memref_slice %arg7[%dma_start3A_443, %dma_start3A_453] : memref<3x4096xf32, #tpu.memory_space<vmem>> -> memref<1x4096xf32, #tpu.memory_space<vmem>>
    %dma_start3A_455 = tpu.memref_squeeze %dma_start3A_454 : memref<1x4096xf32, #tpu.memory_space<vmem>> -> memref<4096xf32, #tpu.memory_space<vmem>>
    tpu.enqueue_dma source(%dma_start3A_455 : memref<4096xf32, #tpu.memory_space<vmem>>) target(%dma_start3A_452 : memref<4096xf32, #tpu.memory_space<hbm>>) target_semaphore(%arg10 : memref<!tpu.dma_semaphore, #tpu.memory_space<semaphore_mem>>)
    %dma_wait3A_456 = arith.constant 8 : i32
    %dma_wait3A_457 = arith.constant 2 : i32
    %dma_wait3A_458 = arith.constant 0 : i32
    %dma_wait3A_459 = tpu.memref_slice %arg7[%dma_wait3A_457, %dma_wait3A_458] : memref<3x4096xf32, #tpu.memory_space<vmem>> -> memref<1x4096xf32, #tpu.memory_space<vmem>>
    %dma_wait3A_460 = tpu.memref_squeeze %dma_wait3A_459 : memref<1x4096xf32, #tpu.memory_space<vmem>> -> memref<4096xf32, #tpu.memory_space<vmem>>
    %dma_wait3A_461 = arith.constant 0 : i32
    %dma_wait3A_462 = tpu.memref_slice %arg6[%dma_wait3A_456, %dma_wait3A_461] : memref<26x4096xi32, #tpu.memory_space<vmem>> -> memref<1x4096xi32, #tpu.memory_space<vmem>>
    %dma_wait3A_463 = tpu.memref_squeeze %dma_wait3A_462 : memref<1x4096xi32, #tpu.memory_space<vmem>> -> memref<4096xi32, #tpu.memory_space<vmem>>
    %dma_wait3A_464 = arith.constant 0 : i32
    %dma_wait3A_465 = tpu.memref_slice %arg3[%dma_wait3A_464] : memref<83200000xf32, #tpu.memory_space<hbm>> -> memref<83200000xf32, #tpu.memory_space<hbm>>
    tpu.wait_indirect_dma semaphore(%arg8 : memref<!tpu.dma_semaphore, #tpu.memory_space<semaphore_mem>>) src(%dma_wait3A_465 : memref<83200000xf32, #tpu.memory_space<hbm>>) dst(%dma_wait3A_460 : memref<4096xf32, #tpu.memory_space<vmem>>)
    %dma_wait3A_466 = arith.constant 1 : i32
    %dma_wait3A_467 = arith.constant 0 : i32
    %dma_wait3A_468 = tpu.memref_slice %arg7[%dma_wait3A_466, %dma_wait3A_467] : memref<3x4096xf32, #tpu.memory_space<vmem>> -> memref<1x4096xf32, #tpu.memory_space<vmem>>
    %dma_wait3A_469 = tpu.memref_squeeze %dma_wait3A_468 : memref<1x4096xf32, #tpu.memory_space<vmem>> -> memref<4096xf32, #tpu.memory_space<vmem>>
    %dma_wait3A_470 = arith.constant 0 : i32
    %dma_wait3A_471 = tpu.memref_slice %arg4[%add3A_442, %dma_wait3A_470] : memref<832x4096xf32, #tpu.memory_space<hbm>> -> memref<1x4096xf32, #tpu.memory_space<hbm>>
    %dma_wait3A_472 = tpu.memref_squeeze %dma_wait3A_471 : memref<1x4096xf32, #tpu.memory_space<hbm>> -> memref<4096xf32, #tpu.memory_space<hbm>>
    %dma_wait3A_473 = arith.constant 0 : i32
    %dma_wait3A_474 = tpu.memref_slice %arg4[%add3A_442, %dma_wait3A_473] : memref<832x4096xf32, #tpu.memory_space<hbm>> -> memref<1x4096xf32, #tpu.memory_space<hbm>>
    %dma_wait3A_475 = tpu.memref_squeeze %dma_wait3A_474 : memref<1x4096xf32, #tpu.memory_space<hbm>> -> memref<4096xf32, #tpu.memory_space<hbm>>
    %dma_wait3A_476 = arith.constant 0 : i32
    %dma_wait3A_477 = tpu.memref_slice %arg7[%dma_wait3A_466, %dma_wait3A_476] : memref<3x4096xf32, #tpu.memory_space<vmem>> -> memref<1x4096xf32, #tpu.memory_space<vmem>>
    %dma_wait3A_478 = tpu.memref_squeeze %dma_wait3A_477 : memref<1x4096xf32, #tpu.memory_space<vmem>> -> memref<4096xf32, #tpu.memory_space<vmem>>
    tpu.wait_dma2 semaphore(%arg10 : memref<!tpu.dma_semaphore, #tpu.memory_space<semaphore_mem>>) src(%dma_wait3A_478 : memref<4096xf32, #tpu.memory_space<vmem>>) dst(%dma_wait3A_475 : memref<4096xf32, #tpu.memory_space<hbm>>)
    %dma_start3A_479 = arith.constant 10 : i32
    %dma_start3A_480 = arith.constant 1 : i32
    %dma_start3A_481 = arith.constant 0 : i32
    %dma_start3A_482 = tpu.memref_slice %arg7[%dma_start3A_480, %dma_start3A_481] : memref<3x4096xf32, #tpu.memory_space<vmem>> -> memref<1x4096xf32, #tpu.memory_space<vmem>>
    %dma_start3A_483 = tpu.memref_squeeze %dma_start3A_482 : memref<1x4096xf32, #tpu.memory_space<vmem>> -> memref<4096xf32, #tpu.memory_space<vmem>>
    %dma_start3A_484 = arith.constant 0 : i32
    %dma_start3A_485 = tpu.memref_slice %arg6[%dma_start3A_479, %dma_start3A_484] : memref<26x4096xi32, #tpu.memory_space<vmem>> -> memref<1x4096xi32, #tpu.memory_space<vmem>>
    %dma_start3A_486 = tpu.memref_squeeze %dma_start3A_485 : memref<1x4096xi32, #tpu.memory_space<vmem>> -> memref<4096xi32, #tpu.memory_space<vmem>>
    %dma_start3A_487 = arith.constant 0 : i32
    %dma_start3A_488 = tpu.memref_slice %arg3[%dma_start3A_487] : memref<83200000xf32, #tpu.memory_space<hbm>> -> memref<83200000xf32, #tpu.memory_space<hbm>>
    tpu.enqueue_indirect_dma source(%dma_start3A_488 : memref<83200000xf32, #tpu.memory_space<hbm>>) target(%dma_start3A_483 : memref<4096xf32, #tpu.memory_space<vmem>>) offsets(%dma_start3A_486 : memref<4096xi32, #tpu.memory_space<vmem>>) semaphore(%arg8 : memref<!tpu.dma_semaphore, #tpu.memory_space<semaphore_mem>>)
    %add3A_489 = arith.constant 8 : i32
    %add3A_490 = arith.addi %mul3A_2, %add3A_489 : i32
    %dma_start3A_491 = arith.constant 2 : i32
    %dma_start3A_492 = arith.constant 0 : i32
    %dma_start3A_493 = tpu.memref_slice %arg7[%dma_start3A_491, %dma_start3A_492] : memref<3x4096xf32, #tpu.memory_space<vmem>> -> memref<1x4096xf32, #tpu.memory_space<vmem>>
    %dma_start3A_494 = tpu.memref_squeeze %dma_start3A_493 : memref<1x4096xf32, #tpu.memory_space<vmem>> -> memref<4096xf32, #tpu.memory_space<vmem>>
    %dma_start3A_495 = arith.constant 0 : i32
    %dma_start3A_496 = tpu.memref_slice %arg4[%add3A_490, %dma_start3A_495] : memref<832x4096xf32, #tpu.memory_space<hbm>> -> memref<1x4096xf32, #tpu.memory_space<hbm>>
    %dma_start3A_497 = tpu.memref_squeeze %dma_start3A_496 : memref<1x4096xf32, #tpu.memory_space<hbm>> -> memref<4096xf32, #tpu.memory_space<hbm>>
    %dma_start3A_498 = arith.constant 0 : i32
    %dma_start3A_499 = tpu.memref_slice %arg4[%add3A_490, %dma_start3A_498] : memref<832x4096xf32, #tpu.memory_space<hbm>> -> memref<1x4096xf32, #tpu.memory_space<hbm>>
    %dma_start3A_500 = tpu.memref_squeeze %dma_start3A_499 : memref<1x4096xf32, #tpu.memory_space<hbm>> -> memref<4096xf32, #tpu.memory_space<hbm>>
    %dma_start3A_501 = arith.constant 0 : i32
    %dma_start3A_502 = tpu.memref_slice %arg7[%dma_start3A_491, %dma_start3A_501] : memref<3x4096xf32, #tpu.memory_space<vmem>> -> memref<1x4096xf32, #tpu.memory_space<vmem>>
    %dma_start3A_503 = tpu.memref_squeeze %dma_start3A_502 : memref<1x4096xf32, #tpu.memory_space<vmem>> -> memref<4096xf32, #tpu.memory_space<vmem>>
    tpu.enqueue_dma source(%dma_start3A_503 : memref<4096xf32, #tpu.memory_space<vmem>>) target(%dma_start3A_500 : memref<4096xf32, #tpu.memory_space<hbm>>) target_semaphore(%arg10 : memref<!tpu.dma_semaphore, #tpu.memory_space<semaphore_mem>>)
    %dma_wait3A_504 = arith.constant 9 : i32
    %dma_wait3A_505 = arith.constant 0 : i32
    %dma_wait3A_506 = arith.constant 0 : i32
    %dma_wait3A_507 = tpu.memref_slice %arg7[%dma_wait3A_505, %dma_wait3A_506] : memref<3x4096xf32, #tpu.memory_space<vmem>> -> memref<1x4096xf32, #tpu.memory_space<vmem>>
    %dma_wait3A_508 = tpu.memref_squeeze %dma_wait3A_507 : memref<1x4096xf32, #tpu.memory_space<vmem>> -> memref<4096xf32, #tpu.memory_space<vmem>>
    %dma_wait3A_509 = arith.constant 0 : i32
    %dma_wait3A_510 = tpu.memref_slice %arg6[%dma_wait3A_504, %dma_wait3A_509] : memref<26x4096xi32, #tpu.memory_space<vmem>> -> memref<1x4096xi32, #tpu.memory_space<vmem>>
    %dma_wait3A_511 = tpu.memref_squeeze %dma_wait3A_510 : memref<1x4096xi32, #tpu.memory_space<vmem>> -> memref<4096xi32, #tpu.memory_space<vmem>>
    %dma_wait3A_512 = arith.constant 0 : i32
    %dma_wait3A_513 = tpu.memref_slice %arg3[%dma_wait3A_512] : memref<83200000xf32, #tpu.memory_space<hbm>> -> memref<83200000xf32, #tpu.memory_space<hbm>>
    tpu.wait_indirect_dma semaphore(%arg9 : memref<!tpu.dma_semaphore, #tpu.memory_space<semaphore_mem>>) src(%dma_wait3A_513 : memref<83200000xf32, #tpu.memory_space<hbm>>) dst(%dma_wait3A_508 : memref<4096xf32, #tpu.memory_space<vmem>>)
    %dma_wait3A_514 = arith.constant 2 : i32
    %dma_wait3A_515 = arith.constant 0 : i32
    %dma_wait3A_516 = tpu.memref_slice %arg7[%dma_wait3A_514, %dma_wait3A_515] : memref<3x4096xf32, #tpu.memory_space<vmem>> -> memref<1x4096xf32, #tpu.memory_space<vmem>>
    %dma_wait3A_517 = tpu.memref_squeeze %dma_wait3A_516 : memref<1x4096xf32, #tpu.memory_space<vmem>> -> memref<4096xf32, #tpu.memory_space<vmem>>
    %dma_wait3A_518 = arith.constant 0 : i32
    %dma_wait3A_519 = tpu.memref_slice %arg4[%add3A_490, %dma_wait3A_518] : memref<832x4096xf32, #tpu.memory_space<hbm>> -> memref<1x4096xf32, #tpu.memory_space<hbm>>
    %dma_wait3A_520 = tpu.memref_squeeze %dma_wait3A_519 : memref<1x4096xf32, #tpu.memory_space<hbm>> -> memref<4096xf32, #tpu.memory_space<hbm>>
    %dma_wait3A_521 = arith.constant 0 : i32
    %dma_wait3A_522 = tpu.memref_slice %arg4[%add3A_490, %dma_wait3A_521] : memref<832x4096xf32, #tpu.memory_space<hbm>> -> memref<1x4096xf32, #tpu.memory_space<hbm>>
    %dma_wait3A_523 = tpu.memref_squeeze %dma_wait3A_522 : memref<1x4096xf32, #tpu.memory_space<hbm>> -> memref<4096xf32, #tpu.memory_space<hbm>>
    %dma_wait3A_524 = arith.constant 0 : i32
    %dma_wait3A_525 = tpu.memref_slice %arg7[%dma_wait3A_514, %dma_wait3A_524] : memref<3x4096xf32, #tpu.memory_space<vmem>> -> memref<1x4096xf32, #tpu.memory_space<vmem>>
    %dma_wait3A_526 = tpu.memref_squeeze %dma_wait3A_525 : memref<1x4096xf32, #tpu.memory_space<vmem>> -> memref<4096xf32, #tpu.memory_space<vmem>>
    tpu.wait_dma2 semaphore(%arg10 : memref<!tpu.dma_semaphore, #tpu.memory_space<semaphore_mem>>) src(%dma_wait3A_526 : memref<4096xf32, #tpu.memory_space<vmem>>) dst(%dma_wait3A_523 : memref<4096xf32, #tpu.memory_space<hbm>>)
    %dma_start3A_527 = arith.constant 11 : i32
    %dma_start3A_528 = arith.constant 2 : i32
    %dma_start3A_529 = arith.constant 0 : i32
    %dma_start3A_530 = tpu.memref_slice %arg7[%dma_start3A_528, %dma_start3A_529] : memref<3x4096xf32, #tpu.memory_space<vmem>> -> memref<1x4096xf32, #tpu.memory_space<vmem>>
    %dma_start3A_531 = tpu.memref_squeeze %dma_start3A_530 : memref<1x4096xf32, #tpu.memory_space<vmem>> -> memref<4096xf32, #tpu.memory_space<vmem>>
    %dma_start3A_532 = arith.constant 0 : i32
    %dma_start3A_533 = tpu.memref_slice %arg6[%dma_start3A_527, %dma_start3A_532] : memref<26x4096xi32, #tpu.memory_space<vmem>> -> memref<1x4096xi32, #tpu.memory_space<vmem>>
    %dma_start3A_534 = tpu.memref_squeeze %dma_start3A_533 : memref<1x4096xi32, #tpu.memory_space<vmem>> -> memref<4096xi32, #tpu.memory_space<vmem>>
    %dma_start3A_535 = arith.constant 0 : i32
    %dma_start3A_536 = tpu.memref_slice %arg3[%dma_start3A_535] : memref<83200000xf32, #tpu.memory_space<hbm>> -> memref<83200000xf32, #tpu.memory_space<hbm>>
    tpu.enqueue_indirect_dma source(%dma_start3A_536 : memref<83200000xf32, #tpu.memory_space<hbm>>) target(%dma_start3A_531 : memref<4096xf32, #tpu.memory_space<vmem>>) offsets(%dma_start3A_534 : memref<4096xi32, #tpu.memory_space<vmem>>) semaphore(%arg9 : memref<!tpu.dma_semaphore, #tpu.memory_space<semaphore_mem>>)
    %add3A_537 = arith.constant 9 : i32
    %add3A_538 = arith.addi %mul3A_2, %add3A_537 : i32
    %dma_start3A_539 = arith.constant 0 : i32
    %dma_start3A_540 = arith.constant 0 : i32
    %dma_start3A_541 = tpu.memref_slice %arg7[%dma_start3A_539, %dma_start3A_540] : memref<3x4096xf32, #tpu.memory_space<vmem>> -> memref<1x4096xf32, #tpu.memory_space<vmem>>
    %dma_start3A_542 = tpu.memref_squeeze %dma_start3A_541 : memref<1x4096xf32, #tpu.memory_space<vmem>> -> memref<4096xf32, #tpu.memory_space<vmem>>
    %dma_start3A_543 = arith.constant 0 : i32
    %dma_start3A_544 = tpu.memref_slice %arg4[%add3A_538, %dma_start3A_543] : memref<832x4096xf32, #tpu.memory_space<hbm>> -> memref<1x4096xf32, #tpu.memory_space<hbm>>
    %dma_start3A_545 = tpu.memref_squeeze %dma_start3A_544 : memref<1x4096xf32, #tpu.memory_space<hbm>> -> memref<4096xf32, #tpu.memory_space<hbm>>
    %dma_start3A_546 = arith.constant 0 : i32
    %dma_start3A_547 = tpu.memref_slice %arg4[%add3A_538, %dma_start3A_546] : memref<832x4096xf32, #tpu.memory_space<hbm>> -> memref<1x4096xf32, #tpu.memory_space<hbm>>
    %dma_start3A_548 = tpu.memref_squeeze %dma_start3A_547 : memref<1x4096xf32, #tpu.memory_space<hbm>> -> memref<4096xf32, #tpu.memory_space<hbm>>
    %dma_start3A_549 = arith.constant 0 : i32
    %dma_start3A_550 = tpu.memref_slice %arg7[%dma_start3A_539, %dma_start3A_549] : memref<3x4096xf32, #tpu.memory_space<vmem>> -> memref<1x4096xf32, #tpu.memory_space<vmem>>
    %dma_start3A_551 = tpu.memref_squeeze %dma_start3A_550 : memref<1x4096xf32, #tpu.memory_space<vmem>> -> memref<4096xf32, #tpu.memory_space<vmem>>
    tpu.enqueue_dma source(%dma_start3A_551 : memref<4096xf32, #tpu.memory_space<vmem>>) target(%dma_start3A_548 : memref<4096xf32, #tpu.memory_space<hbm>>) target_semaphore(%arg10 : memref<!tpu.dma_semaphore, #tpu.memory_space<semaphore_mem>>)
    %dma_wait3A_552 = arith.constant 10 : i32
    %dma_wait3A_553 = arith.constant 1 : i32
    %dma_wait3A_554 = arith.constant 0 : i32
    %dma_wait3A_555 = tpu.memref_slice %arg7[%dma_wait3A_553, %dma_wait3A_554] : memref<3x4096xf32, #tpu.memory_space<vmem>> -> memref<1x4096xf32, #tpu.memory_space<vmem>>
    %dma_wait3A_556 = tpu.memref_squeeze %dma_wait3A_555 : memref<1x4096xf32, #tpu.memory_space<vmem>> -> memref<4096xf32, #tpu.memory_space<vmem>>
    %dma_wait3A_557 = arith.constant 0 : i32
    %dma_wait3A_558 = tpu.memref_slice %arg6[%dma_wait3A_552, %dma_wait3A_557] : memref<26x4096xi32, #tpu.memory_space<vmem>> -> memref<1x4096xi32, #tpu.memory_space<vmem>>
    %dma_wait3A_559 = tpu.memref_squeeze %dma_wait3A_558 : memref<1x4096xi32, #tpu.memory_space<vmem>> -> memref<4096xi32, #tpu.memory_space<vmem>>
    %dma_wait3A_560 = arith.constant 0 : i32
    %dma_wait3A_561 = tpu.memref_slice %arg3[%dma_wait3A_560] : memref<83200000xf32, #tpu.memory_space<hbm>> -> memref<83200000xf32, #tpu.memory_space<hbm>>
    tpu.wait_indirect_dma semaphore(%arg8 : memref<!tpu.dma_semaphore, #tpu.memory_space<semaphore_mem>>) src(%dma_wait3A_561 : memref<83200000xf32, #tpu.memory_space<hbm>>) dst(%dma_wait3A_556 : memref<4096xf32, #tpu.memory_space<vmem>>)
    %dma_wait3A_562 = arith.constant 0 : i32
    %dma_wait3A_563 = arith.constant 0 : i32
    %dma_wait3A_564 = tpu.memref_slice %arg7[%dma_wait3A_562, %dma_wait3A_563] : memref<3x4096xf32, #tpu.memory_space<vmem>> -> memref<1x4096xf32, #tpu.memory_space<vmem>>
    %dma_wait3A_565 = tpu.memref_squeeze %dma_wait3A_564 : memref<1x4096xf32, #tpu.memory_space<vmem>> -> memref<4096xf32, #tpu.memory_space<vmem>>
    %dma_wait3A_566 = arith.constant 0 : i32
    %dma_wait3A_567 = tpu.memref_slice %arg4[%add3A_538, %dma_wait3A_566] : memref<832x4096xf32, #tpu.memory_space<hbm>> -> memref<1x4096xf32, #tpu.memory_space<hbm>>
    %dma_wait3A_568 = tpu.memref_squeeze %dma_wait3A_567 : memref<1x4096xf32, #tpu.memory_space<hbm>> -> memref<4096xf32, #tpu.memory_space<hbm>>
    %dma_wait3A_569 = arith.constant 0 : i32
    %dma_wait3A_570 = tpu.memref_slice %arg4[%add3A_538, %dma_wait3A_569] : memref<832x4096xf32, #tpu.memory_space<hbm>> -> memref<1x4096xf32, #tpu.memory_space<hbm>>
    %dma_wait3A_571 = tpu.memref_squeeze %dma_wait3A_570 : memref<1x4096xf32, #tpu.memory_space<hbm>> -> memref<4096xf32, #tpu.memory_space<hbm>>
    %dma_wait3A_572 = arith.constant 0 : i32
    %dma_wait3A_573 = tpu.memref_slice %arg7[%dma_wait3A_562, %dma_wait3A_572] : memref<3x4096xf32, #tpu.memory_space<vmem>> -> memref<1x4096xf32, #tpu.memory_space<vmem>>
    %dma_wait3A_574 = tpu.memref_squeeze %dma_wait3A_573 : memref<1x4096xf32, #tpu.memory_space<vmem>> -> memref<4096xf32, #tpu.memory_space<vmem>>
    tpu.wait_dma2 semaphore(%arg10 : memref<!tpu.dma_semaphore, #tpu.memory_space<semaphore_mem>>) src(%dma_wait3A_574 : memref<4096xf32, #tpu.memory_space<vmem>>) dst(%dma_wait3A_571 : memref<4096xf32, #tpu.memory_space<hbm>>)
    %dma_start3A_575 = arith.constant 12 : i32
    %dma_start3A_576 = arith.constant 0 : i32
    %dma_start3A_577 = arith.constant 0 : i32
    %dma_start3A_578 = tpu.memref_slice %arg7[%dma_start3A_576, %dma_start3A_577] : memref<3x4096xf32, #tpu.memory_space<vmem>> -> memref<1x4096xf32, #tpu.memory_space<vmem>>
    %dma_start3A_579 = tpu.memref_squeeze %dma_start3A_578 : memref<1x4096xf32, #tpu.memory_space<vmem>> -> memref<4096xf32, #tpu.memory_space<vmem>>
    %dma_start3A_580 = arith.constant 0 : i32
    %dma_start3A_581 = tpu.memref_slice %arg6[%dma_start3A_575, %dma_start3A_580] : memref<26x4096xi32, #tpu.memory_space<vmem>> -> memref<1x4096xi32, #tpu.memory_space<vmem>>
    %dma_start3A_582 = tpu.memref_squeeze %dma_start3A_581 : memref<1x4096xi32, #tpu.memory_space<vmem>> -> memref<4096xi32, #tpu.memory_space<vmem>>
    %dma_start3A_583 = arith.constant 0 : i32
    %dma_start3A_584 = tpu.memref_slice %arg3[%dma_start3A_583] : memref<83200000xf32, #tpu.memory_space<hbm>> -> memref<83200000xf32, #tpu.memory_space<hbm>>
    tpu.enqueue_indirect_dma source(%dma_start3A_584 : memref<83200000xf32, #tpu.memory_space<hbm>>) target(%dma_start3A_579 : memref<4096xf32, #tpu.memory_space<vmem>>) offsets(%dma_start3A_582 : memref<4096xi32, #tpu.memory_space<vmem>>) semaphore(%arg8 : memref<!tpu.dma_semaphore, #tpu.memory_space<semaphore_mem>>)
    %add3A_585 = arith.constant 10 : i32
    %add3A_586 = arith.addi %mul3A_2, %add3A_585 : i32
    %dma_start3A_587 = arith.constant 1 : i32
    %dma_start3A_588 = arith.constant 0 : i32
    %dma_start3A_589 = tpu.memref_slice %arg7[%dma_start3A_587, %dma_start3A_588] : memref<3x4096xf32, #tpu.memory_space<vmem>> -> memref<1x4096xf32, #tpu.memory_space<vmem>>
    %dma_start3A_590 = tpu.memref_squeeze %dma_start3A_589 : memref<1x4096xf32, #tpu.memory_space<vmem>> -> memref<4096xf32, #tpu.memory_space<vmem>>
    %dma_start3A_591 = arith.constant 0 : i32
    %dma_start3A_592 = tpu.memref_slice %arg4[%add3A_586, %dma_start3A_591] : memref<832x4096xf32, #tpu.memory_space<hbm>> -> memref<1x4096xf32, #tpu.memory_space<hbm>>
    %dma_start3A_593 = tpu.memref_squeeze %dma_start3A_592 : memref<1x4096xf32, #tpu.memory_space<hbm>> -> memref<4096xf32, #tpu.memory_space<hbm>>
    %dma_start3A_594 = arith.constant 0 : i32
    %dma_start3A_595 = tpu.memref_slice %arg4[%add3A_586, %dma_start3A_594] : memref<832x4096xf32, #tpu.memory_space<hbm>> -> memref<1x4096xf32, #tpu.memory_space<hbm>>
    %dma_start3A_596 = tpu.memref_squeeze %dma_start3A_595 : memref<1x4096xf32, #tpu.memory_space<hbm>> -> memref<4096xf32, #tpu.memory_space<hbm>>
    %dma_start3A_597 = arith.constant 0 : i32
    %dma_start3A_598 = tpu.memref_slice %arg7[%dma_start3A_587, %dma_start3A_597] : memref<3x4096xf32, #tpu.memory_space<vmem>> -> memref<1x4096xf32, #tpu.memory_space<vmem>>
    %dma_start3A_599 = tpu.memref_squeeze %dma_start3A_598 : memref<1x4096xf32, #tpu.memory_space<vmem>> -> memref<4096xf32, #tpu.memory_space<vmem>>
    tpu.enqueue_dma source(%dma_start3A_599 : memref<4096xf32, #tpu.memory_space<vmem>>) target(%dma_start3A_596 : memref<4096xf32, #tpu.memory_space<hbm>>) target_semaphore(%arg10 : memref<!tpu.dma_semaphore, #tpu.memory_space<semaphore_mem>>)
    %dma_wait3A_600 = arith.constant 11 : i32
    %dma_wait3A_601 = arith.constant 2 : i32
    %dma_wait3A_602 = arith.constant 0 : i32
    %dma_wait3A_603 = tpu.memref_slice %arg7[%dma_wait3A_601, %dma_wait3A_602] : memref<3x4096xf32, #tpu.memory_space<vmem>> -> memref<1x4096xf32, #tpu.memory_space<vmem>>
    %dma_wait3A_604 = tpu.memref_squeeze %dma_wait3A_603 : memref<1x4096xf32, #tpu.memory_space<vmem>> -> memref<4096xf32, #tpu.memory_space<vmem>>
    %dma_wait3A_605 = arith.constant 0 : i32
    %dma_wait3A_606 = tpu.memref_slice %arg6[%dma_wait3A_600, %dma_wait3A_605] : memref<26x4096xi32, #tpu.memory_space<vmem>> -> memref<1x4096xi32, #tpu.memory_space<vmem>>
    %dma_wait3A_607 = tpu.memref_squeeze %dma_wait3A_606 : memref<1x4096xi32, #tpu.memory_space<vmem>> -> memref<4096xi32, #tpu.memory_space<vmem>>
    %dma_wait3A_608 = arith.constant 0 : i32
    %dma_wait3A_609 = tpu.memref_slice %arg3[%dma_wait3A_608] : memref<83200000xf32, #tpu.memory_space<hbm>> -> memref<83200000xf32, #tpu.memory_space<hbm>>
    tpu.wait_indirect_dma semaphore(%arg9 : memref<!tpu.dma_semaphore, #tpu.memory_space<semaphore_mem>>) src(%dma_wait3A_609 : memref<83200000xf32, #tpu.memory_space<hbm>>) dst(%dma_wait3A_604 : memref<4096xf32, #tpu.memory_space<vmem>>)
    %dma_wait3A_610 = arith.constant 1 : i32
    %dma_wait3A_611 = arith.constant 0 : i32
    %dma_wait3A_612 = tpu.memref_slice %arg7[%dma_wait3A_610, %dma_wait3A_611] : memref<3x4096xf32, #tpu.memory_space<vmem>> -> memref<1x4096xf32, #tpu.memory_space<vmem>>
    %dma_wait3A_613 = tpu.memref_squeeze %dma_wait3A_612 : memref<1x4096xf32, #tpu.memory_space<vmem>> -> memref<4096xf32, #tpu.memory_space<vmem>>
    %dma_wait3A_614 = arith.constant 0 : i32
    %dma_wait3A_615 = tpu.memref_slice %arg4[%add3A_586, %dma_wait3A_614] : memref<832x4096xf32, #tpu.memory_space<hbm>> -> memref<1x4096xf32, #tpu.memory_space<hbm>>
    %dma_wait3A_616 = tpu.memref_squeeze %dma_wait3A_615 : memref<1x4096xf32, #tpu.memory_space<hbm>> -> memref<4096xf32, #tpu.memory_space<hbm>>
    %dma_wait3A_617 = arith.constant 0 : i32
    %dma_wait3A_618 = tpu.memref_slice %arg4[%add3A_586, %dma_wait3A_617] : memref<832x4096xf32, #tpu.memory_space<hbm>> -> memref<1x4096xf32, #tpu.memory_space<hbm>>
    %dma_wait3A_619 = tpu.memref_squeeze %dma_wait3A_618 : memref<1x4096xf32, #tpu.memory_space<hbm>> -> memref<4096xf32, #tpu.memory_space<hbm>>
    %dma_wait3A_620 = arith.constant 0 : i32
    %dma_wait3A_621 = tpu.memref_slice %arg7[%dma_wait3A_610, %dma_wait3A_620] : memref<3x4096xf32, #tpu.memory_space<vmem>> -> memref<1x4096xf32, #tpu.memory_space<vmem>>
    %dma_wait3A_622 = tpu.memref_squeeze %dma_wait3A_621 : memref<1x4096xf32, #tpu.memory_space<vmem>> -> memref<4096xf32, #tpu.memory_space<vmem>>
    tpu.wait_dma2 semaphore(%arg10 : memref<!tpu.dma_semaphore, #tpu.memory_space<semaphore_mem>>) src(%dma_wait3A_622 : memref<4096xf32, #tpu.memory_space<vmem>>) dst(%dma_wait3A_619 : memref<4096xf32, #tpu.memory_space<hbm>>)
    %dma_start3A_623 = arith.constant 13 : i32
    %dma_start3A_624 = arith.constant 1 : i32
    %dma_start3A_625 = arith.constant 0 : i32
    %dma_start3A_626 = tpu.memref_slice %arg7[%dma_start3A_624, %dma_start3A_625] : memref<3x4096xf32, #tpu.memory_space<vmem>> -> memref<1x4096xf32, #tpu.memory_space<vmem>>
    %dma_start3A_627 = tpu.memref_squeeze %dma_start3A_626 : memref<1x4096xf32, #tpu.memory_space<vmem>> -> memref<4096xf32, #tpu.memory_space<vmem>>
    %dma_start3A_628 = arith.constant 0 : i32
    %dma_start3A_629 = tpu.memref_slice %arg6[%dma_start3A_623, %dma_start3A_628] : memref<26x4096xi32, #tpu.memory_space<vmem>> -> memref<1x4096xi32, #tpu.memory_space<vmem>>
    %dma_start3A_630 = tpu.memref_squeeze %dma_start3A_629 : memref<1x4096xi32, #tpu.memory_space<vmem>> -> memref<4096xi32, #tpu.memory_space<vmem>>
    %dma_start3A_631 = arith.constant 0 : i32
    %dma_start3A_632 = tpu.memref_slice %arg3[%dma_start3A_631] : memref<83200000xf32, #tpu.memory_space<hbm>> -> memref<83200000xf32, #tpu.memory_space<hbm>>
    tpu.enqueue_indirect_dma source(%dma_start3A_632 : memref<83200000xf32, #tpu.memory_space<hbm>>) target(%dma_start3A_627 : memref<4096xf32, #tpu.memory_space<vmem>>) offsets(%dma_start3A_630 : memref<4096xi32, #tpu.memory_space<vmem>>) semaphore(%arg9 : memref<!tpu.dma_semaphore, #tpu.memory_space<semaphore_mem>>)
    %add3A_633 = arith.constant 11 : i32
    %add3A_634 = arith.addi %mul3A_2, %add3A_633 : i32
    %dma_start3A_635 = arith.constant 2 : i32
    %dma_start3A_636 = arith.constant 0 : i32
    %dma_start3A_637 = tpu.memref_slice %arg7[%dma_start3A_635, %dma_start3A_636] : memref<3x4096xf32, #tpu.memory_space<vmem>> -> memref<1x4096xf32, #tpu.memory_space<vmem>>
    %dma_start3A_638 = tpu.memref_squeeze %dma_start3A_637 : memref<1x4096xf32, #tpu.memory_space<vmem>> -> memref<4096xf32, #tpu.memory_space<vmem>>
    %dma_start3A_639 = arith.constant 0 : i32
    %dma_start3A_640 = tpu.memref_slice %arg4[%add3A_634, %dma_start3A_639] : memref<832x4096xf32, #tpu.memory_space<hbm>> -> memref<1x4096xf32, #tpu.memory_space<hbm>>
    %dma_start3A_641 = tpu.memref_squeeze %dma_start3A_640 : memref<1x4096xf32, #tpu.memory_space<hbm>> -> memref<4096xf32, #tpu.memory_space<hbm>>
    %dma_start3A_642 = arith.constant 0 : i32
    %dma_start3A_643 = tpu.memref_slice %arg4[%add3A_634, %dma_start3A_642] : memref<832x4096xf32, #tpu.memory_space<hbm>> -> memref<1x4096xf32, #tpu.memory_space<hbm>>
    %dma_start3A_644 = tpu.memref_squeeze %dma_start3A_643 : memref<1x4096xf32, #tpu.memory_space<hbm>> -> memref<4096xf32, #tpu.memory_space<hbm>>
    %dma_start3A_645 = arith.constant 0 : i32
    %dma_start3A_646 = tpu.memref_slice %arg7[%dma_start3A_635, %dma_start3A_645] : memref<3x4096xf32, #tpu.memory_space<vmem>> -> memref<1x4096xf32, #tpu.memory_space<vmem>>
    %dma_start3A_647 = tpu.memref_squeeze %dma_start3A_646 : memref<1x4096xf32, #tpu.memory_space<vmem>> -> memref<4096xf32, #tpu.memory_space<vmem>>
    tpu.enqueue_dma source(%dma_start3A_647 : memref<4096xf32, #tpu.memory_space<vmem>>) target(%dma_start3A_644 : memref<4096xf32, #tpu.memory_space<hbm>>) target_semaphore(%arg10 : memref<!tpu.dma_semaphore, #tpu.memory_space<semaphore_mem>>)
    %dma_wait3A_648 = arith.constant 12 : i32
    %dma_wait3A_649 = arith.constant 0 : i32
    %dma_wait3A_650 = arith.constant 0 : i32
    %dma_wait3A_651 = tpu.memref_slice %arg7[%dma_wait3A_649, %dma_wait3A_650] : memref<3x4096xf32, #tpu.memory_space<vmem>> -> memref<1x4096xf32, #tpu.memory_space<vmem>>
    %dma_wait3A_652 = tpu.memref_squeeze %dma_wait3A_651 : memref<1x4096xf32, #tpu.memory_space<vmem>> -> memref<4096xf32, #tpu.memory_space<vmem>>
    %dma_wait3A_653 = arith.constant 0 : i32
    %dma_wait3A_654 = tpu.memref_slice %arg6[%dma_wait3A_648, %dma_wait3A_653] : memref<26x4096xi32, #tpu.memory_space<vmem>> -> memref<1x4096xi32, #tpu.memory_space<vmem>>
    %dma_wait3A_655 = tpu.memref_squeeze %dma_wait3A_654 : memref<1x4096xi32, #tpu.memory_space<vmem>> -> memref<4096xi32, #tpu.memory_space<vmem>>
    %dma_wait3A_656 = arith.constant 0 : i32
    %dma_wait3A_657 = tpu.memref_slice %arg3[%dma_wait3A_656] : memref<83200000xf32, #tpu.memory_space<hbm>> -> memref<83200000xf32, #tpu.memory_space<hbm>>
    tpu.wait_indirect_dma semaphore(%arg8 : memref<!tpu.dma_semaphore, #tpu.memory_space<semaphore_mem>>) src(%dma_wait3A_657 : memref<83200000xf32, #tpu.memory_space<hbm>>) dst(%dma_wait3A_652 : memref<4096xf32, #tpu.memory_space<vmem>>)
    %dma_wait3A_658 = arith.constant 2 : i32
    %dma_wait3A_659 = arith.constant 0 : i32
    %dma_wait3A_660 = tpu.memref_slice %arg7[%dma_wait3A_658, %dma_wait3A_659] : memref<3x4096xf32, #tpu.memory_space<vmem>> -> memref<1x4096xf32, #tpu.memory_space<vmem>>
    %dma_wait3A_661 = tpu.memref_squeeze %dma_wait3A_660 : memref<1x4096xf32, #tpu.memory_space<vmem>> -> memref<4096xf32, #tpu.memory_space<vmem>>
    %dma_wait3A_662 = arith.constant 0 : i32
    %dma_wait3A_663 = tpu.memref_slice %arg4[%add3A_634, %dma_wait3A_662] : memref<832x4096xf32, #tpu.memory_space<hbm>> -> memref<1x4096xf32, #tpu.memory_space<hbm>>
    %dma_wait3A_664 = tpu.memref_squeeze %dma_wait3A_663 : memref<1x4096xf32, #tpu.memory_space<hbm>> -> memref<4096xf32, #tpu.memory_space<hbm>>
    %dma_wait3A_665 = arith.constant 0 : i32
    %dma_wait3A_666 = tpu.memref_slice %arg4[%add3A_634, %dma_wait3A_665] : memref<832x4096xf32, #tpu.memory_space<hbm>> -> memref<1x4096xf32, #tpu.memory_space<hbm>>
    %dma_wait3A_667 = tpu.memref_squeeze %dma_wait3A_666 : memref<1x4096xf32, #tpu.memory_space<hbm>> -> memref<4096xf32, #tpu.memory_space<hbm>>
    %dma_wait3A_668 = arith.constant 0 : i32
    %dma_wait3A_669 = tpu.memref_slice %arg7[%dma_wait3A_658, %dma_wait3A_668] : memref<3x4096xf32, #tpu.memory_space<vmem>> -> memref<1x4096xf32, #tpu.memory_space<vmem>>
    %dma_wait3A_670 = tpu.memref_squeeze %dma_wait3A_669 : memref<1x4096xf32, #tpu.memory_space<vmem>> -> memref<4096xf32, #tpu.memory_space<vmem>>
    tpu.wait_dma2 semaphore(%arg10 : memref<!tpu.dma_semaphore, #tpu.memory_space<semaphore_mem>>) src(%dma_wait3A_670 : memref<4096xf32, #tpu.memory_space<vmem>>) dst(%dma_wait3A_667 : memref<4096xf32, #tpu.memory_space<hbm>>)
    %dma_start3A_671 = arith.constant 14 : i32
    %dma_start3A_672 = arith.constant 2 : i32
    %dma_start3A_673 = arith.constant 0 : i32
    %dma_start3A_674 = tpu.memref_slice %arg7[%dma_start3A_672, %dma_start3A_673] : memref<3x4096xf32, #tpu.memory_space<vmem>> -> memref<1x4096xf32, #tpu.memory_space<vmem>>
    %dma_start3A_675 = tpu.memref_squeeze %dma_start3A_674 : memref<1x4096xf32, #tpu.memory_space<vmem>> -> memref<4096xf32, #tpu.memory_space<vmem>>
    %dma_start3A_676 = arith.constant 0 : i32
    %dma_start3A_677 = tpu.memref_slice %arg6[%dma_start3A_671, %dma_start3A_676] : memref<26x4096xi32, #tpu.memory_space<vmem>> -> memref<1x4096xi32, #tpu.memory_space<vmem>>
    %dma_start3A_678 = tpu.memref_squeeze %dma_start3A_677 : memref<1x4096xi32, #tpu.memory_space<vmem>> -> memref<4096xi32, #tpu.memory_space<vmem>>
    %dma_start3A_679 = arith.constant 0 : i32
    %dma_start3A_680 = tpu.memref_slice %arg3[%dma_start3A_679] : memref<83200000xf32, #tpu.memory_space<hbm>> -> memref<83200000xf32, #tpu.memory_space<hbm>>
    tpu.enqueue_indirect_dma source(%dma_start3A_680 : memref<83200000xf32, #tpu.memory_space<hbm>>) target(%dma_start3A_675 : memref<4096xf32, #tpu.memory_space<vmem>>) offsets(%dma_start3A_678 : memref<4096xi32, #tpu.memory_space<vmem>>) semaphore(%arg8 : memref<!tpu.dma_semaphore, #tpu.memory_space<semaphore_mem>>)
    %add3A_681 = arith.constant 12 : i32
    %add3A_682 = arith.addi %mul3A_2, %add3A_681 : i32
    %dma_start3A_683 = arith.constant 0 : i32
    %dma_start3A_684 = arith.constant 0 : i32
    %dma_start3A_685 = tpu.memref_slice %arg7[%dma_start3A_683, %dma_start3A_684] : memref<3x4096xf32, #tpu.memory_space<vmem>> -> memref<1x4096xf32, #tpu.memory_space<vmem>>
    %dma_start3A_686 = tpu.memref_squeeze %dma_start3A_685 : memref<1x4096xf32, #tpu.memory_space<vmem>> -> memref<4096xf32, #tpu.memory_space<vmem>>
    %dma_start3A_687 = arith.constant 0 : i32
    %dma_start3A_688 = tpu.memref_slice %arg4[%add3A_682, %dma_start3A_687] : memref<832x4096xf32, #tpu.memory_space<hbm>> -> memref<1x4096xf32, #tpu.memory_space<hbm>>
    %dma_start3A_689 = tpu.memref_squeeze %dma_start3A_688 : memref<1x4096xf32, #tpu.memory_space<hbm>> -> memref<4096xf32, #tpu.memory_space<hbm>>
    %dma_start3A_690 = arith.constant 0 : i32
    %dma_start3A_691 = tpu.memref_slice %arg4[%add3A_682, %dma_start3A_690] : memref<832x4096xf32, #tpu.memory_space<hbm>> -> memref<1x4096xf32, #tpu.memory_space<hbm>>
    %dma_start3A_692 = tpu.memref_squeeze %dma_start3A_691 : memref<1x4096xf32, #tpu.memory_space<hbm>> -> memref<4096xf32, #tpu.memory_space<hbm>>
    %dma_start3A_693 = arith.constant 0 : i32
    %dma_start3A_694 = tpu.memref_slice %arg7[%dma_start3A_683, %dma_start3A_693] : memref<3x4096xf32, #tpu.memory_space<vmem>> -> memref<1x4096xf32, #tpu.memory_space<vmem>>
    %dma_start3A_695 = tpu.memref_squeeze %dma_start3A_694 : memref<1x4096xf32, #tpu.memory_space<vmem>> -> memref<4096xf32, #tpu.memory_space<vmem>>
    tpu.enqueue_dma source(%dma_start3A_695 : memref<4096xf32, #tpu.memory_space<vmem>>) target(%dma_start3A_692 : memref<4096xf32, #tpu.memory_space<hbm>>) target_semaphore(%arg10 : memref<!tpu.dma_semaphore, #tpu.memory_space<semaphore_mem>>)
    %dma_wait3A_696 = arith.constant 13 : i32
    %dma_wait3A_697 = arith.constant 1 : i32
    %dma_wait3A_698 = arith.constant 0 : i32
    %dma_wait3A_699 = tpu.memref_slice %arg7[%dma_wait3A_697, %dma_wait3A_698] : memref<3x4096xf32, #tpu.memory_space<vmem>> -> memref<1x4096xf32, #tpu.memory_space<vmem>>
    %dma_wait3A_700 = tpu.memref_squeeze %dma_wait3A_699 : memref<1x4096xf32, #tpu.memory_space<vmem>> -> memref<4096xf32, #tpu.memory_space<vmem>>
    %dma_wait3A_701 = arith.constant 0 : i32
    %dma_wait3A_702 = tpu.memref_slice %arg6[%dma_wait3A_696, %dma_wait3A_701] : memref<26x4096xi32, #tpu.memory_space<vmem>> -> memref<1x4096xi32, #tpu.memory_space<vmem>>
    %dma_wait3A_703 = tpu.memref_squeeze %dma_wait3A_702 : memref<1x4096xi32, #tpu.memory_space<vmem>> -> memref<4096xi32, #tpu.memory_space<vmem>>
    %dma_wait3A_704 = arith.constant 0 : i32
    %dma_wait3A_705 = tpu.memref_slice %arg3[%dma_wait3A_704] : memref<83200000xf32, #tpu.memory_space<hbm>> -> memref<83200000xf32, #tpu.memory_space<hbm>>
    tpu.wait_indirect_dma semaphore(%arg9 : memref<!tpu.dma_semaphore, #tpu.memory_space<semaphore_mem>>) src(%dma_wait3A_705 : memref<83200000xf32, #tpu.memory_space<hbm>>) dst(%dma_wait3A_700 : memref<4096xf32, #tpu.memory_space<vmem>>)
    %dma_wait3A_706 = arith.constant 0 : i32
    %dma_wait3A_707 = arith.constant 0 : i32
    %dma_wait3A_708 = tpu.memref_slice %arg7[%dma_wait3A_706, %dma_wait3A_707] : memref<3x4096xf32, #tpu.memory_space<vmem>> -> memref<1x4096xf32, #tpu.memory_space<vmem>>
    %dma_wait3A_709 = tpu.memref_squeeze %dma_wait3A_708 : memref<1x4096xf32, #tpu.memory_space<vmem>> -> memref<4096xf32, #tpu.memory_space<vmem>>
    %dma_wait3A_710 = arith.constant 0 : i32
    %dma_wait3A_711 = tpu.memref_slice %arg4[%add3A_682, %dma_wait3A_710] : memref<832x4096xf32, #tpu.memory_space<hbm>> -> memref<1x4096xf32, #tpu.memory_space<hbm>>
    %dma_wait3A_712 = tpu.memref_squeeze %dma_wait3A_711 : memref<1x4096xf32, #tpu.memory_space<hbm>> -> memref<4096xf32, #tpu.memory_space<hbm>>
    %dma_wait3A_713 = arith.constant 0 : i32
    %dma_wait3A_714 = tpu.memref_slice %arg4[%add3A_682, %dma_wait3A_713] : memref<832x4096xf32, #tpu.memory_space<hbm>> -> memref<1x4096xf32, #tpu.memory_space<hbm>>
    %dma_wait3A_715 = tpu.memref_squeeze %dma_wait3A_714 : memref<1x4096xf32, #tpu.memory_space<hbm>> -> memref<4096xf32, #tpu.memory_space<hbm>>
    %dma_wait3A_716 = arith.constant 0 : i32
    %dma_wait3A_717 = tpu.memref_slice %arg7[%dma_wait3A_706, %dma_wait3A_716] : memref<3x4096xf32, #tpu.memory_space<vmem>> -> memref<1x4096xf32, #tpu.memory_space<vmem>>
    %dma_wait3A_718 = tpu.memref_squeeze %dma_wait3A_717 : memref<1x4096xf32, #tpu.memory_space<vmem>> -> memref<4096xf32, #tpu.memory_space<vmem>>
    tpu.wait_dma2 semaphore(%arg10 : memref<!tpu.dma_semaphore, #tpu.memory_space<semaphore_mem>>) src(%dma_wait3A_718 : memref<4096xf32, #tpu.memory_space<vmem>>) dst(%dma_wait3A_715 : memref<4096xf32, #tpu.memory_space<hbm>>)
    %dma_start3A_719 = arith.constant 15 : i32
    %dma_start3A_720 = arith.constant 0 : i32
    %dma_start3A_721 = arith.constant 0 : i32
    %dma_start3A_722 = tpu.memref_slice %arg7[%dma_start3A_720, %dma_start3A_721] : memref<3x4096xf32, #tpu.memory_space<vmem>> -> memref<1x4096xf32, #tpu.memory_space<vmem>>
    %dma_start3A_723 = tpu.memref_squeeze %dma_start3A_722 : memref<1x4096xf32, #tpu.memory_space<vmem>> -> memref<4096xf32, #tpu.memory_space<vmem>>
    %dma_start3A_724 = arith.constant 0 : i32
    %dma_start3A_725 = tpu.memref_slice %arg6[%dma_start3A_719, %dma_start3A_724] : memref<26x4096xi32, #tpu.memory_space<vmem>> -> memref<1x4096xi32, #tpu.memory_space<vmem>>
    %dma_start3A_726 = tpu.memref_squeeze %dma_start3A_725 : memref<1x4096xi32, #tpu.memory_space<vmem>> -> memref<4096xi32, #tpu.memory_space<vmem>>
    %dma_start3A_727 = arith.constant 0 : i32
    %dma_start3A_728 = tpu.memref_slice %arg3[%dma_start3A_727] : memref<83200000xf32, #tpu.memory_space<hbm>> -> memref<83200000xf32, #tpu.memory_space<hbm>>
    tpu.enqueue_indirect_dma source(%dma_start3A_728 : memref<83200000xf32, #tpu.memory_space<hbm>>) target(%dma_start3A_723 : memref<4096xf32, #tpu.memory_space<vmem>>) offsets(%dma_start3A_726 : memref<4096xi32, #tpu.memory_space<vmem>>) semaphore(%arg9 : memref<!tpu.dma_semaphore, #tpu.memory_space<semaphore_mem>>)
    %add3A_729 = arith.constant 13 : i32
    %add3A_730 = arith.addi %mul3A_2, %add3A_729 : i32
    %dma_start3A_731 = arith.constant 1 : i32
    %dma_start3A_732 = arith.constant 0 : i32
    %dma_start3A_733 = tpu.memref_slice %arg7[%dma_start3A_731, %dma_start3A_732] : memref<3x4096xf32, #tpu.memory_space<vmem>> -> memref<1x4096xf32, #tpu.memory_space<vmem>>
    %dma_start3A_734 = tpu.memref_squeeze %dma_start3A_733 : memref<1x4096xf32, #tpu.memory_space<vmem>> -> memref<4096xf32, #tpu.memory_space<vmem>>
    %dma_start3A_735 = arith.constant 0 : i32
    %dma_start3A_736 = tpu.memref_slice %arg4[%add3A_730, %dma_start3A_735] : memref<832x4096xf32, #tpu.memory_space<hbm>> -> memref<1x4096xf32, #tpu.memory_space<hbm>>
    %dma_start3A_737 = tpu.memref_squeeze %dma_start3A_736 : memref<1x4096xf32, #tpu.memory_space<hbm>> -> memref<4096xf32, #tpu.memory_space<hbm>>
    %dma_start3A_738 = arith.constant 0 : i32
    %dma_start3A_739 = tpu.memref_slice %arg4[%add3A_730, %dma_start3A_738] : memref<832x4096xf32, #tpu.memory_space<hbm>> -> memref<1x4096xf32, #tpu.memory_space<hbm>>
    %dma_start3A_740 = tpu.memref_squeeze %dma_start3A_739 : memref<1x4096xf32, #tpu.memory_space<hbm>> -> memref<4096xf32, #tpu.memory_space<hbm>>
    %dma_start3A_741 = arith.constant 0 : i32
    %dma_start3A_742 = tpu.memref_slice %arg7[%dma_start3A_731, %dma_start3A_741] : memref<3x4096xf32, #tpu.memory_space<vmem>> -> memref<1x4096xf32, #tpu.memory_space<vmem>>
    %dma_start3A_743 = tpu.memref_squeeze %dma_start3A_742 : memref<1x4096xf32, #tpu.memory_space<vmem>> -> memref<4096xf32, #tpu.memory_space<vmem>>
    tpu.enqueue_dma source(%dma_start3A_743 : memref<4096xf32, #tpu.memory_space<vmem>>) target(%dma_start3A_740 : memref<4096xf32, #tpu.memory_space<hbm>>) target_semaphore(%arg10 : memref<!tpu.dma_semaphore, #tpu.memory_space<semaphore_mem>>)
    %dma_wait3A_744 = arith.constant 14 : i32
    %dma_wait3A_745 = arith.constant 2 : i32
    %dma_wait3A_746 = arith.constant 0 : i32
    %dma_wait3A_747 = tpu.memref_slice %arg7[%dma_wait3A_745, %dma_wait3A_746] : memref<3x4096xf32, #tpu.memory_space<vmem>> -> memref<1x4096xf32, #tpu.memory_space<vmem>>
    %dma_wait3A_748 = tpu.memref_squeeze %dma_wait3A_747 : memref<1x4096xf32, #tpu.memory_space<vmem>> -> memref<4096xf32, #tpu.memory_space<vmem>>
    %dma_wait3A_749 = arith.constant 0 : i32
    %dma_wait3A_750 = tpu.memref_slice %arg6[%dma_wait3A_744, %dma_wait3A_749] : memref<26x4096xi32, #tpu.memory_space<vmem>> -> memref<1x4096xi32, #tpu.memory_space<vmem>>
    %dma_wait3A_751 = tpu.memref_squeeze %dma_wait3A_750 : memref<1x4096xi32, #tpu.memory_space<vmem>> -> memref<4096xi32, #tpu.memory_space<vmem>>
    %dma_wait3A_752 = arith.constant 0 : i32
    %dma_wait3A_753 = tpu.memref_slice %arg3[%dma_wait3A_752] : memref<83200000xf32, #tpu.memory_space<hbm>> -> memref<83200000xf32, #tpu.memory_space<hbm>>
    tpu.wait_indirect_dma semaphore(%arg8 : memref<!tpu.dma_semaphore, #tpu.memory_space<semaphore_mem>>) src(%dma_wait3A_753 : memref<83200000xf32, #tpu.memory_space<hbm>>) dst(%dma_wait3A_748 : memref<4096xf32, #tpu.memory_space<vmem>>)
    %dma_wait3A_754 = arith.constant 1 : i32
    %dma_wait3A_755 = arith.constant 0 : i32
    %dma_wait3A_756 = tpu.memref_slice %arg7[%dma_wait3A_754, %dma_wait3A_755] : memref<3x4096xf32, #tpu.memory_space<vmem>> -> memref<1x4096xf32, #tpu.memory_space<vmem>>
    %dma_wait3A_757 = tpu.memref_squeeze %dma_wait3A_756 : memref<1x4096xf32, #tpu.memory_space<vmem>> -> memref<4096xf32, #tpu.memory_space<vmem>>
    %dma_wait3A_758 = arith.constant 0 : i32
    %dma_wait3A_759 = tpu.memref_slice %arg4[%add3A_730, %dma_wait3A_758] : memref<832x4096xf32, #tpu.memory_space<hbm>> -> memref<1x4096xf32, #tpu.memory_space<hbm>>
    %dma_wait3A_760 = tpu.memref_squeeze %dma_wait3A_759 : memref<1x4096xf32, #tpu.memory_space<hbm>> -> memref<4096xf32, #tpu.memory_space<hbm>>
    %dma_wait3A_761 = arith.constant 0 : i32
    %dma_wait3A_762 = tpu.memref_slice %arg4[%add3A_730, %dma_wait3A_761] : memref<832x4096xf32, #tpu.memory_space<hbm>> -> memref<1x4096xf32, #tpu.memory_space<hbm>>
    %dma_wait3A_763 = tpu.memref_squeeze %dma_wait3A_762 : memref<1x4096xf32, #tpu.memory_space<hbm>> -> memref<4096xf32, #tpu.memory_space<hbm>>
    %dma_wait3A_764 = arith.constant 0 : i32
    %dma_wait3A_765 = tpu.memref_slice %arg7[%dma_wait3A_754, %dma_wait3A_764] : memref<3x4096xf32, #tpu.memory_space<vmem>> -> memref<1x4096xf32, #tpu.memory_space<vmem>>
    %dma_wait3A_766 = tpu.memref_squeeze %dma_wait3A_765 : memref<1x4096xf32, #tpu.memory_space<vmem>> -> memref<4096xf32, #tpu.memory_space<vmem>>
    tpu.wait_dma2 semaphore(%arg10 : memref<!tpu.dma_semaphore, #tpu.memory_space<semaphore_mem>>) src(%dma_wait3A_766 : memref<4096xf32, #tpu.memory_space<vmem>>) dst(%dma_wait3A_763 : memref<4096xf32, #tpu.memory_space<hbm>>)
    %dma_start3A_767 = arith.constant 16 : i32
    %dma_start3A_768 = arith.constant 1 : i32
    %dma_start3A_769 = arith.constant 0 : i32
    %dma_start3A_770 = tpu.memref_slice %arg7[%dma_start3A_768, %dma_start3A_769] : memref<3x4096xf32, #tpu.memory_space<vmem>> -> memref<1x4096xf32, #tpu.memory_space<vmem>>
    %dma_start3A_771 = tpu.memref_squeeze %dma_start3A_770 : memref<1x4096xf32, #tpu.memory_space<vmem>> -> memref<4096xf32, #tpu.memory_space<vmem>>
    %dma_start3A_772 = arith.constant 0 : i32
    %dma_start3A_773 = tpu.memref_slice %arg6[%dma_start3A_767, %dma_start3A_772] : memref<26x4096xi32, #tpu.memory_space<vmem>> -> memref<1x4096xi32, #tpu.memory_space<vmem>>
    %dma_start3A_774 = tpu.memref_squeeze %dma_start3A_773 : memref<1x4096xi32, #tpu.memory_space<vmem>> -> memref<4096xi32, #tpu.memory_space<vmem>>
    %dma_start3A_775 = arith.constant 0 : i32
    %dma_start3A_776 = tpu.memref_slice %arg3[%dma_start3A_775] : memref<83200000xf32, #tpu.memory_space<hbm>> -> memref<83200000xf32, #tpu.memory_space<hbm>>
    tpu.enqueue_indirect_dma source(%dma_start3A_776 : memref<83200000xf32, #tpu.memory_space<hbm>>) target(%dma_start3A_771 : memref<4096xf32, #tpu.memory_space<vmem>>) offsets(%dma_start3A_774 : memref<4096xi32, #tpu.memory_space<vmem>>) semaphore(%arg8 : memref<!tpu.dma_semaphore, #tpu.memory_space<semaphore_mem>>)
    %add3A_777 = arith.constant 14 : i32
    %add3A_778 = arith.addi %mul3A_2, %add3A_777 : i32
    %dma_start3A_779 = arith.constant 2 : i32
    %dma_start3A_780 = arith.constant 0 : i32
    %dma_start3A_781 = tpu.memref_slice %arg7[%dma_start3A_779, %dma_start3A_780] : memref<3x4096xf32, #tpu.memory_space<vmem>> -> memref<1x4096xf32, #tpu.memory_space<vmem>>
    %dma_start3A_782 = tpu.memref_squeeze %dma_start3A_781 : memref<1x4096xf32, #tpu.memory_space<vmem>> -> memref<4096xf32, #tpu.memory_space<vmem>>
    %dma_start3A_783 = arith.constant 0 : i32
    %dma_start3A_784 = tpu.memref_slice %arg4[%add3A_778, %dma_start3A_783] : memref<832x4096xf32, #tpu.memory_space<hbm>> -> memref<1x4096xf32, #tpu.memory_space<hbm>>
    %dma_start3A_785 = tpu.memref_squeeze %dma_start3A_784 : memref<1x4096xf32, #tpu.memory_space<hbm>> -> memref<4096xf32, #tpu.memory_space<hbm>>
    %dma_start3A_786 = arith.constant 0 : i32
    %dma_start3A_787 = tpu.memref_slice %arg4[%add3A_778, %dma_start3A_786] : memref<832x4096xf32, #tpu.memory_space<hbm>> -> memref<1x4096xf32, #tpu.memory_space<hbm>>
    %dma_start3A_788 = tpu.memref_squeeze %dma_start3A_787 : memref<1x4096xf32, #tpu.memory_space<hbm>> -> memref<4096xf32, #tpu.memory_space<hbm>>
    %dma_start3A_789 = arith.constant 0 : i32
    %dma_start3A_790 = tpu.memref_slice %arg7[%dma_start3A_779, %dma_start3A_789] : memref<3x4096xf32, #tpu.memory_space<vmem>> -> memref<1x4096xf32, #tpu.memory_space<vmem>>
    %dma_start3A_791 = tpu.memref_squeeze %dma_start3A_790 : memref<1x4096xf32, #tpu.memory_space<vmem>> -> memref<4096xf32, #tpu.memory_space<vmem>>
    tpu.enqueue_dma source(%dma_start3A_791 : memref<4096xf32, #tpu.memory_space<vmem>>) target(%dma_start3A_788 : memref<4096xf32, #tpu.memory_space<hbm>>) target_semaphore(%arg10 : memref<!tpu.dma_semaphore, #tpu.memory_space<semaphore_mem>>)
    %dma_wait3A_792 = arith.constant 15 : i32
    %dma_wait3A_793 = arith.constant 0 : i32
    %dma_wait3A_794 = arith.constant 0 : i32
    %dma_wait3A_795 = tpu.memref_slice %arg7[%dma_wait3A_793, %dma_wait3A_794] : memref<3x4096xf32, #tpu.memory_space<vmem>> -> memref<1x4096xf32, #tpu.memory_space<vmem>>
    %dma_wait3A_796 = tpu.memref_squeeze %dma_wait3A_795 : memref<1x4096xf32, #tpu.memory_space<vmem>> -> memref<4096xf32, #tpu.memory_space<vmem>>
    %dma_wait3A_797 = arith.constant 0 : i32
    %dma_wait3A_798 = tpu.memref_slice %arg6[%dma_wait3A_792, %dma_wait3A_797] : memref<26x4096xi32, #tpu.memory_space<vmem>> -> memref<1x4096xi32, #tpu.memory_space<vmem>>
    %dma_wait3A_799 = tpu.memref_squeeze %dma_wait3A_798 : memref<1x4096xi32, #tpu.memory_space<vmem>> -> memref<4096xi32, #tpu.memory_space<vmem>>
    %dma_wait3A_800 = arith.constant 0 : i32
    %dma_wait3A_801 = tpu.memref_slice %arg3[%dma_wait3A_800] : memref<83200000xf32, #tpu.memory_space<hbm>> -> memref<83200000xf32, #tpu.memory_space<hbm>>
    tpu.wait_indirect_dma semaphore(%arg9 : memref<!tpu.dma_semaphore, #tpu.memory_space<semaphore_mem>>) src(%dma_wait3A_801 : memref<83200000xf32, #tpu.memory_space<hbm>>) dst(%dma_wait3A_796 : memref<4096xf32, #tpu.memory_space<vmem>>)
    %dma_wait3A_802 = arith.constant 2 : i32
    %dma_wait3A_803 = arith.constant 0 : i32
    %dma_wait3A_804 = tpu.memref_slice %arg7[%dma_wait3A_802, %dma_wait3A_803] : memref<3x4096xf32, #tpu.memory_space<vmem>> -> memref<1x4096xf32, #tpu.memory_space<vmem>>
    %dma_wait3A_805 = tpu.memref_squeeze %dma_wait3A_804 : memref<1x4096xf32, #tpu.memory_space<vmem>> -> memref<4096xf32, #tpu.memory_space<vmem>>
    %dma_wait3A_806 = arith.constant 0 : i32
    %dma_wait3A_807 = tpu.memref_slice %arg4[%add3A_778, %dma_wait3A_806] : memref<832x4096xf32, #tpu.memory_space<hbm>> -> memref<1x4096xf32, #tpu.memory_space<hbm>>
    %dma_wait3A_808 = tpu.memref_squeeze %dma_wait3A_807 : memref<1x4096xf32, #tpu.memory_space<hbm>> -> memref<4096xf32, #tpu.memory_space<hbm>>
    %dma_wait3A_809 = arith.constant 0 : i32
    %dma_wait3A_810 = tpu.memref_slice %arg4[%add3A_778, %dma_wait3A_809] : memref<832x4096xf32, #tpu.memory_space<hbm>> -> memref<1x4096xf32, #tpu.memory_space<hbm>>
    %dma_wait3A_811 = tpu.memref_squeeze %dma_wait3A_810 : memref<1x4096xf32, #tpu.memory_space<hbm>> -> memref<4096xf32, #tpu.memory_space<hbm>>
    %dma_wait3A_812 = arith.constant 0 : i32
    %dma_wait3A_813 = tpu.memref_slice %arg7[%dma_wait3A_802, %dma_wait3A_812] : memref<3x4096xf32, #tpu.memory_space<vmem>> -> memref<1x4096xf32, #tpu.memory_space<vmem>>
    %dma_wait3A_814 = tpu.memref_squeeze %dma_wait3A_813 : memref<1x4096xf32, #tpu.memory_space<vmem>> -> memref<4096xf32, #tpu.memory_space<vmem>>
    tpu.wait_dma2 semaphore(%arg10 : memref<!tpu.dma_semaphore, #tpu.memory_space<semaphore_mem>>) src(%dma_wait3A_814 : memref<4096xf32, #tpu.memory_space<vmem>>) dst(%dma_wait3A_811 : memref<4096xf32, #tpu.memory_space<hbm>>)
    %dma_start3A_815 = arith.constant 17 : i32
    %dma_start3A_816 = arith.constant 2 : i32
    %dma_start3A_817 = arith.constant 0 : i32
    %dma_start3A_818 = tpu.memref_slice %arg7[%dma_start3A_816, %dma_start3A_817] : memref<3x4096xf32, #tpu.memory_space<vmem>> -> memref<1x4096xf32, #tpu.memory_space<vmem>>
    %dma_start3A_819 = tpu.memref_squeeze %dma_start3A_818 : memref<1x4096xf32, #tpu.memory_space<vmem>> -> memref<4096xf32, #tpu.memory_space<vmem>>
    %dma_start3A_820 = arith.constant 0 : i32
    %dma_start3A_821 = tpu.memref_slice %arg6[%dma_start3A_815, %dma_start3A_820] : memref<26x4096xi32, #tpu.memory_space<vmem>> -> memref<1x4096xi32, #tpu.memory_space<vmem>>
    %dma_start3A_822 = tpu.memref_squeeze %dma_start3A_821 : memref<1x4096xi32, #tpu.memory_space<vmem>> -> memref<4096xi32, #tpu.memory_space<vmem>>
    %dma_start3A_823 = arith.constant 0 : i32
    %dma_start3A_824 = tpu.memref_slice %arg3[%dma_start3A_823] : memref<83200000xf32, #tpu.memory_space<hbm>> -> memref<83200000xf32, #tpu.memory_space<hbm>>
    tpu.enqueue_indirect_dma source(%dma_start3A_824 : memref<83200000xf32, #tpu.memory_space<hbm>>) target(%dma_start3A_819 : memref<4096xf32, #tpu.memory_space<vmem>>) offsets(%dma_start3A_822 : memref<4096xi32, #tpu.memory_space<vmem>>) semaphore(%arg9 : memref<!tpu.dma_semaphore, #tpu.memory_space<semaphore_mem>>)
    %add3A_825 = arith.constant 15 : i32
    %add3A_826 = arith.addi %mul3A_2, %add3A_825 : i32
    %dma_start3A_827 = arith.constant 0 : i32
    %dma_start3A_828 = arith.constant 0 : i32
    %dma_start3A_829 = tpu.memref_slice %arg7[%dma_start3A_827, %dma_start3A_828] : memref<3x4096xf32, #tpu.memory_space<vmem>> -> memref<1x4096xf32, #tpu.memory_space<vmem>>
    %dma_start3A_830 = tpu.memref_squeeze %dma_start3A_829 : memref<1x4096xf32, #tpu.memory_space<vmem>> -> memref<4096xf32, #tpu.memory_space<vmem>>
    %dma_start3A_831 = arith.constant 0 : i32
    %dma_start3A_832 = tpu.memref_slice %arg4[%add3A_826, %dma_start3A_831] : memref<832x4096xf32, #tpu.memory_space<hbm>> -> memref<1x4096xf32, #tpu.memory_space<hbm>>
    %dma_start3A_833 = tpu.memref_squeeze %dma_start3A_832 : memref<1x4096xf32, #tpu.memory_space<hbm>> -> memref<4096xf32, #tpu.memory_space<hbm>>
    %dma_start3A_834 = arith.constant 0 : i32
    %dma_start3A_835 = tpu.memref_slice %arg4[%add3A_826, %dma_start3A_834] : memref<832x4096xf32, #tpu.memory_space<hbm>> -> memref<1x4096xf32, #tpu.memory_space<hbm>>
    %dma_start3A_836 = tpu.memref_squeeze %dma_start3A_835 : memref<1x4096xf32, #tpu.memory_space<hbm>> -> memref<4096xf32, #tpu.memory_space<hbm>>
    %dma_start3A_837 = arith.constant 0 : i32
    %dma_start3A_838 = tpu.memref_slice %arg7[%dma_start3A_827, %dma_start3A_837] : memref<3x4096xf32, #tpu.memory_space<vmem>> -> memref<1x4096xf32, #tpu.memory_space<vmem>>
    %dma_start3A_839 = tpu.memref_squeeze %dma_start3A_838 : memref<1x4096xf32, #tpu.memory_space<vmem>> -> memref<4096xf32, #tpu.memory_space<vmem>>
    tpu.enqueue_dma source(%dma_start3A_839 : memref<4096xf32, #tpu.memory_space<vmem>>) target(%dma_start3A_836 : memref<4096xf32, #tpu.memory_space<hbm>>) target_semaphore(%arg10 : memref<!tpu.dma_semaphore, #tpu.memory_space<semaphore_mem>>)
    %dma_wait3A_840 = arith.constant 16 : i32
    %dma_wait3A_841 = arith.constant 1 : i32
    %dma_wait3A_842 = arith.constant 0 : i32
    %dma_wait3A_843 = tpu.memref_slice %arg7[%dma_wait3A_841, %dma_wait3A_842] : memref<3x4096xf32, #tpu.memory_space<vmem>> -> memref<1x4096xf32, #tpu.memory_space<vmem>>
    %dma_wait3A_844 = tpu.memref_squeeze %dma_wait3A_843 : memref<1x4096xf32, #tpu.memory_space<vmem>> -> memref<4096xf32, #tpu.memory_space<vmem>>
    %dma_wait3A_845 = arith.constant 0 : i32
    %dma_wait3A_846 = tpu.memref_slice %arg6[%dma_wait3A_840, %dma_wait3A_845] : memref<26x4096xi32, #tpu.memory_space<vmem>> -> memref<1x4096xi32, #tpu.memory_space<vmem>>
    %dma_wait3A_847 = tpu.memref_squeeze %dma_wait3A_846 : memref<1x4096xi32, #tpu.memory_space<vmem>> -> memref<4096xi32, #tpu.memory_space<vmem>>
    %dma_wait3A_848 = arith.constant 0 : i32
    %dma_wait3A_849 = tpu.memref_slice %arg3[%dma_wait3A_848] : memref<83200000xf32, #tpu.memory_space<hbm>> -> memref<83200000xf32, #tpu.memory_space<hbm>>
    tpu.wait_indirect_dma semaphore(%arg8 : memref<!tpu.dma_semaphore, #tpu.memory_space<semaphore_mem>>) src(%dma_wait3A_849 : memref<83200000xf32, #tpu.memory_space<hbm>>) dst(%dma_wait3A_844 : memref<4096xf32, #tpu.memory_space<vmem>>)
    %dma_wait3A_850 = arith.constant 0 : i32
    %dma_wait3A_851 = arith.constant 0 : i32
    %dma_wait3A_852 = tpu.memref_slice %arg7[%dma_wait3A_850, %dma_wait3A_851] : memref<3x4096xf32, #tpu.memory_space<vmem>> -> memref<1x4096xf32, #tpu.memory_space<vmem>>
    %dma_wait3A_853 = tpu.memref_squeeze %dma_wait3A_852 : memref<1x4096xf32, #tpu.memory_space<vmem>> -> memref<4096xf32, #tpu.memory_space<vmem>>
    %dma_wait3A_854 = arith.constant 0 : i32
    %dma_wait3A_855 = tpu.memref_slice %arg4[%add3A_826, %dma_wait3A_854] : memref<832x4096xf32, #tpu.memory_space<hbm>> -> memref<1x4096xf32, #tpu.memory_space<hbm>>
    %dma_wait3A_856 = tpu.memref_squeeze %dma_wait3A_855 : memref<1x4096xf32, #tpu.memory_space<hbm>> -> memref<4096xf32, #tpu.memory_space<hbm>>
    %dma_wait3A_857 = arith.constant 0 : i32
    %dma_wait3A_858 = tpu.memref_slice %arg4[%add3A_826, %dma_wait3A_857] : memref<832x4096xf32, #tpu.memory_space<hbm>> -> memref<1x4096xf32, #tpu.memory_space<hbm>>
    %dma_wait3A_859 = tpu.memref_squeeze %dma_wait3A_858 : memref<1x4096xf32, #tpu.memory_space<hbm>> -> memref<4096xf32, #tpu.memory_space<hbm>>
    %dma_wait3A_860 = arith.constant 0 : i32
    %dma_wait3A_861 = tpu.memref_slice %arg7[%dma_wait3A_850, %dma_wait3A_860] : memref<3x4096xf32, #tpu.memory_space<vmem>> -> memref<1x4096xf32, #tpu.memory_space<vmem>>
    %dma_wait3A_862 = tpu.memref_squeeze %dma_wait3A_861 : memref<1x4096xf32, #tpu.memory_space<vmem>> -> memref<4096xf32, #tpu.memory_space<vmem>>
    tpu.wait_dma2 semaphore(%arg10 : memref<!tpu.dma_semaphore, #tpu.memory_space<semaphore_mem>>) src(%dma_wait3A_862 : memref<4096xf32, #tpu.memory_space<vmem>>) dst(%dma_wait3A_859 : memref<4096xf32, #tpu.memory_space<hbm>>)
    %dma_start3A_863 = arith.constant 18 : i32
    %dma_start3A_864 = arith.constant 0 : i32
    %dma_start3A_865 = arith.constant 0 : i32
    %dma_start3A_866 = tpu.memref_slice %arg7[%dma_start3A_864, %dma_start3A_865] : memref<3x4096xf32, #tpu.memory_space<vmem>> -> memref<1x4096xf32, #tpu.memory_space<vmem>>
    %dma_start3A_867 = tpu.memref_squeeze %dma_start3A_866 : memref<1x4096xf32, #tpu.memory_space<vmem>> -> memref<4096xf32, #tpu.memory_space<vmem>>
    %dma_start3A_868 = arith.constant 0 : i32
    %dma_start3A_869 = tpu.memref_slice %arg6[%dma_start3A_863, %dma_start3A_868] : memref<26x4096xi32, #tpu.memory_space<vmem>> -> memref<1x4096xi32, #tpu.memory_space<vmem>>
    %dma_start3A_870 = tpu.memref_squeeze %dma_start3A_869 : memref<1x4096xi32, #tpu.memory_space<vmem>> -> memref<4096xi32, #tpu.memory_space<vmem>>
    %dma_start3A_871 = arith.constant 0 : i32
    %dma_start3A_872 = tpu.memref_slice %arg3[%dma_start3A_871] : memref<83200000xf32, #tpu.memory_space<hbm>> -> memref<83200000xf32, #tpu.memory_space<hbm>>
    tpu.enqueue_indirect_dma source(%dma_start3A_872 : memref<83200000xf32, #tpu.memory_space<hbm>>) target(%dma_start3A_867 : memref<4096xf32, #tpu.memory_space<vmem>>) offsets(%dma_start3A_870 : memref<4096xi32, #tpu.memory_space<vmem>>) semaphore(%arg8 : memref<!tpu.dma_semaphore, #tpu.memory_space<semaphore_mem>>)
    %add3A_873 = arith.constant 16 : i32
    %add3A_874 = arith.addi %mul3A_2, %add3A_873 : i32
    %dma_start3A_875 = arith.constant 1 : i32
    %dma_start3A_876 = arith.constant 0 : i32
    %dma_start3A_877 = tpu.memref_slice %arg7[%dma_start3A_875, %dma_start3A_876] : memref<3x4096xf32, #tpu.memory_space<vmem>> -> memref<1x4096xf32, #tpu.memory_space<vmem>>
    %dma_start3A_878 = tpu.memref_squeeze %dma_start3A_877 : memref<1x4096xf32, #tpu.memory_space<vmem>> -> memref<4096xf32, #tpu.memory_space<vmem>>
    %dma_start3A_879 = arith.constant 0 : i32
    %dma_start3A_880 = tpu.memref_slice %arg4[%add3A_874, %dma_start3A_879] : memref<832x4096xf32, #tpu.memory_space<hbm>> -> memref<1x4096xf32, #tpu.memory_space<hbm>>
    %dma_start3A_881 = tpu.memref_squeeze %dma_start3A_880 : memref<1x4096xf32, #tpu.memory_space<hbm>> -> memref<4096xf32, #tpu.memory_space<hbm>>
    %dma_start3A_882 = arith.constant 0 : i32
    %dma_start3A_883 = tpu.memref_slice %arg4[%add3A_874, %dma_start3A_882] : memref<832x4096xf32, #tpu.memory_space<hbm>> -> memref<1x4096xf32, #tpu.memory_space<hbm>>
    %dma_start3A_884 = tpu.memref_squeeze %dma_start3A_883 : memref<1x4096xf32, #tpu.memory_space<hbm>> -> memref<4096xf32, #tpu.memory_space<hbm>>
    %dma_start3A_885 = arith.constant 0 : i32
    %dma_start3A_886 = tpu.memref_slice %arg7[%dma_start3A_875, %dma_start3A_885] : memref<3x4096xf32, #tpu.memory_space<vmem>> -> memref<1x4096xf32, #tpu.memory_space<vmem>>
    %dma_start3A_887 = tpu.memref_squeeze %dma_start3A_886 : memref<1x4096xf32, #tpu.memory_space<vmem>> -> memref<4096xf32, #tpu.memory_space<vmem>>
    tpu.enqueue_dma source(%dma_start3A_887 : memref<4096xf32, #tpu.memory_space<vmem>>) target(%dma_start3A_884 : memref<4096xf32, #tpu.memory_space<hbm>>) target_semaphore(%arg10 : memref<!tpu.dma_semaphore, #tpu.memory_space<semaphore_mem>>)
    %dma_wait3A_888 = arith.constant 17 : i32
    %dma_wait3A_889 = arith.constant 2 : i32
    %dma_wait3A_890 = arith.constant 0 : i32
    %dma_wait3A_891 = tpu.memref_slice %arg7[%dma_wait3A_889, %dma_wait3A_890] : memref<3x4096xf32, #tpu.memory_space<vmem>> -> memref<1x4096xf32, #tpu.memory_space<vmem>>
    %dma_wait3A_892 = tpu.memref_squeeze %dma_wait3A_891 : memref<1x4096xf32, #tpu.memory_space<vmem>> -> memref<4096xf32, #tpu.memory_space<vmem>>
    %dma_wait3A_893 = arith.constant 0 : i32
    %dma_wait3A_894 = tpu.memref_slice %arg6[%dma_wait3A_888, %dma_wait3A_893] : memref<26x4096xi32, #tpu.memory_space<vmem>> -> memref<1x4096xi32, #tpu.memory_space<vmem>>
    %dma_wait3A_895 = tpu.memref_squeeze %dma_wait3A_894 : memref<1x4096xi32, #tpu.memory_space<vmem>> -> memref<4096xi32, #tpu.memory_space<vmem>>
    %dma_wait3A_896 = arith.constant 0 : i32
    %dma_wait3A_897 = tpu.memref_slice %arg3[%dma_wait3A_896] : memref<83200000xf32, #tpu.memory_space<hbm>> -> memref<83200000xf32, #tpu.memory_space<hbm>>
    tpu.wait_indirect_dma semaphore(%arg9 : memref<!tpu.dma_semaphore, #tpu.memory_space<semaphore_mem>>) src(%dma_wait3A_897 : memref<83200000xf32, #tpu.memory_space<hbm>>) dst(%dma_wait3A_892 : memref<4096xf32, #tpu.memory_space<vmem>>)
    %dma_wait3A_898 = arith.constant 1 : i32
    %dma_wait3A_899 = arith.constant 0 : i32
    %dma_wait3A_900 = tpu.memref_slice %arg7[%dma_wait3A_898, %dma_wait3A_899] : memref<3x4096xf32, #tpu.memory_space<vmem>> -> memref<1x4096xf32, #tpu.memory_space<vmem>>
    %dma_wait3A_901 = tpu.memref_squeeze %dma_wait3A_900 : memref<1x4096xf32, #tpu.memory_space<vmem>> -> memref<4096xf32, #tpu.memory_space<vmem>>
    %dma_wait3A_902 = arith.constant 0 : i32
    %dma_wait3A_903 = tpu.memref_slice %arg4[%add3A_874, %dma_wait3A_902] : memref<832x4096xf32, #tpu.memory_space<hbm>> -> memref<1x4096xf32, #tpu.memory_space<hbm>>
    %dma_wait3A_904 = tpu.memref_squeeze %dma_wait3A_903 : memref<1x4096xf32, #tpu.memory_space<hbm>> -> memref<4096xf32, #tpu.memory_space<hbm>>
    %dma_wait3A_905 = arith.constant 0 : i32
    %dma_wait3A_906 = tpu.memref_slice %arg4[%add3A_874, %dma_wait3A_905] : memref<832x4096xf32, #tpu.memory_space<hbm>> -> memref<1x4096xf32, #tpu.memory_space<hbm>>
    %dma_wait3A_907 = tpu.memref_squeeze %dma_wait3A_906 : memref<1x4096xf32, #tpu.memory_space<hbm>> -> memref<4096xf32, #tpu.memory_space<hbm>>
    %dma_wait3A_908 = arith.constant 0 : i32
    %dma_wait3A_909 = tpu.memref_slice %arg7[%dma_wait3A_898, %dma_wait3A_908] : memref<3x4096xf32, #tpu.memory_space<vmem>> -> memref<1x4096xf32, #tpu.memory_space<vmem>>
    %dma_wait3A_910 = tpu.memref_squeeze %dma_wait3A_909 : memref<1x4096xf32, #tpu.memory_space<vmem>> -> memref<4096xf32, #tpu.memory_space<vmem>>
    tpu.wait_dma2 semaphore(%arg10 : memref<!tpu.dma_semaphore, #tpu.memory_space<semaphore_mem>>) src(%dma_wait3A_910 : memref<4096xf32, #tpu.memory_space<vmem>>) dst(%dma_wait3A_907 : memref<4096xf32, #tpu.memory_space<hbm>>)
    %dma_start3A_911 = arith.constant 19 : i32
    %dma_start3A_912 = arith.constant 1 : i32
    %dma_start3A_913 = arith.constant 0 : i32
    %dma_start3A_914 = tpu.memref_slice %arg7[%dma_start3A_912, %dma_start3A_913] : memref<3x4096xf32, #tpu.memory_space<vmem>> -> memref<1x4096xf32, #tpu.memory_space<vmem>>
    %dma_start3A_915 = tpu.memref_squeeze %dma_start3A_914 : memref<1x4096xf32, #tpu.memory_space<vmem>> -> memref<4096xf32, #tpu.memory_space<vmem>>
    %dma_start3A_916 = arith.constant 0 : i32
    %dma_start3A_917 = tpu.memref_slice %arg6[%dma_start3A_911, %dma_start3A_916] : memref<26x4096xi32, #tpu.memory_space<vmem>> -> memref<1x4096xi32, #tpu.memory_space<vmem>>
    %dma_start3A_918 = tpu.memref_squeeze %dma_start3A_917 : memref<1x4096xi32, #tpu.memory_space<vmem>> -> memref<4096xi32, #tpu.memory_space<vmem>>
    %dma_start3A_919 = arith.constant 0 : i32
    %dma_start3A_920 = tpu.memref_slice %arg3[%dma_start3A_919] : memref<83200000xf32, #tpu.memory_space<hbm>> -> memref<83200000xf32, #tpu.memory_space<hbm>>
    tpu.enqueue_indirect_dma source(%dma_start3A_920 : memref<83200000xf32, #tpu.memory_space<hbm>>) target(%dma_start3A_915 : memref<4096xf32, #tpu.memory_space<vmem>>) offsets(%dma_start3A_918 : memref<4096xi32, #tpu.memory_space<vmem>>) semaphore(%arg9 : memref<!tpu.dma_semaphore, #tpu.memory_space<semaphore_mem>>)
    %add3A_921 = arith.constant 17 : i32
    %add3A_922 = arith.addi %mul3A_2, %add3A_921 : i32
    %dma_start3A_923 = arith.constant 2 : i32
    %dma_start3A_924 = arith.constant 0 : i32
    %dma_start3A_925 = tpu.memref_slice %arg7[%dma_start3A_923, %dma_start3A_924] : memref<3x4096xf32, #tpu.memory_space<vmem>> -> memref<1x4096xf32, #tpu.memory_space<vmem>>
    %dma_start3A_926 = tpu.memref_squeeze %dma_start3A_925 : memref<1x4096xf32, #tpu.memory_space<vmem>> -> memref<4096xf32, #tpu.memory_space<vmem>>
    %dma_start3A_927 = arith.constant 0 : i32
    %dma_start3A_928 = tpu.memref_slice %arg4[%add3A_922, %dma_start3A_927] : memref<832x4096xf32, #tpu.memory_space<hbm>> -> memref<1x4096xf32, #tpu.memory_space<hbm>>
    %dma_start3A_929 = tpu.memref_squeeze %dma_start3A_928 : memref<1x4096xf32, #tpu.memory_space<hbm>> -> memref<4096xf32, #tpu.memory_space<hbm>>
    %dma_start3A_930 = arith.constant 0 : i32
    %dma_start3A_931 = tpu.memref_slice %arg4[%add3A_922, %dma_start3A_930] : memref<832x4096xf32, #tpu.memory_space<hbm>> -> memref<1x4096xf32, #tpu.memory_space<hbm>>
    %dma_start3A_932 = tpu.memref_squeeze %dma_start3A_931 : memref<1x4096xf32, #tpu.memory_space<hbm>> -> memref<4096xf32, #tpu.memory_space<hbm>>
    %dma_start3A_933 = arith.constant 0 : i32
    %dma_start3A_934 = tpu.memref_slice %arg7[%dma_start3A_923, %dma_start3A_933] : memref<3x4096xf32, #tpu.memory_space<vmem>> -> memref<1x4096xf32, #tpu.memory_space<vmem>>
    %dma_start3A_935 = tpu.memref_squeeze %dma_start3A_934 : memref<1x4096xf32, #tpu.memory_space<vmem>> -> memref<4096xf32, #tpu.memory_space<vmem>>
    tpu.enqueue_dma source(%dma_start3A_935 : memref<4096xf32, #tpu.memory_space<vmem>>) target(%dma_start3A_932 : memref<4096xf32, #tpu.memory_space<hbm>>) target_semaphore(%arg10 : memref<!tpu.dma_semaphore, #tpu.memory_space<semaphore_mem>>)
    %dma_wait3A_936 = arith.constant 18 : i32
    %dma_wait3A_937 = arith.constant 0 : i32
    %dma_wait3A_938 = arith.constant 0 : i32
    %dma_wait3A_939 = tpu.memref_slice %arg7[%dma_wait3A_937, %dma_wait3A_938] : memref<3x4096xf32, #tpu.memory_space<vmem>> -> memref<1x4096xf32, #tpu.memory_space<vmem>>
    %dma_wait3A_940 = tpu.memref_squeeze %dma_wait3A_939 : memref<1x4096xf32, #tpu.memory_space<vmem>> -> memref<4096xf32, #tpu.memory_space<vmem>>
    %dma_wait3A_941 = arith.constant 0 : i32
    %dma_wait3A_942 = tpu.memref_slice %arg6[%dma_wait3A_936, %dma_wait3A_941] : memref<26x4096xi32, #tpu.memory_space<vmem>> -> memref<1x4096xi32, #tpu.memory_space<vmem>>
    %dma_wait3A_943 = tpu.memref_squeeze %dma_wait3A_942 : memref<1x4096xi32, #tpu.memory_space<vmem>> -> memref<4096xi32, #tpu.memory_space<vmem>>
    %dma_wait3A_944 = arith.constant 0 : i32
    %dma_wait3A_945 = tpu.memref_slice %arg3[%dma_wait3A_944] : memref<83200000xf32, #tpu.memory_space<hbm>> -> memref<83200000xf32, #tpu.memory_space<hbm>>
    tpu.wait_indirect_dma semaphore(%arg8 : memref<!tpu.dma_semaphore, #tpu.memory_space<semaphore_mem>>) src(%dma_wait3A_945 : memref<83200000xf32, #tpu.memory_space<hbm>>) dst(%dma_wait3A_940 : memref<4096xf32, #tpu.memory_space<vmem>>)
    %dma_wait3A_946 = arith.constant 2 : i32
    %dma_wait3A_947 = arith.constant 0 : i32
    %dma_wait3A_948 = tpu.memref_slice %arg7[%dma_wait3A_946, %dma_wait3A_947] : memref<3x4096xf32, #tpu.memory_space<vmem>> -> memref<1x4096xf32, #tpu.memory_space<vmem>>
    %dma_wait3A_949 = tpu.memref_squeeze %dma_wait3A_948 : memref<1x4096xf32, #tpu.memory_space<vmem>> -> memref<4096xf32, #tpu.memory_space<vmem>>
    %dma_wait3A_950 = arith.constant 0 : i32
    %dma_wait3A_951 = tpu.memref_slice %arg4[%add3A_922, %dma_wait3A_950] : memref<832x4096xf32, #tpu.memory_space<hbm>> -> memref<1x4096xf32, #tpu.memory_space<hbm>>
    %dma_wait3A_952 = tpu.memref_squeeze %dma_wait3A_951 : memref<1x4096xf32, #tpu.memory_space<hbm>> -> memref<4096xf32, #tpu.memory_space<hbm>>
    %dma_wait3A_953 = arith.constant 0 : i32
    %dma_wait3A_954 = tpu.memref_slice %arg4[%add3A_922, %dma_wait3A_953] : memref<832x4096xf32, #tpu.memory_space<hbm>> -> memref<1x4096xf32, #tpu.memory_space<hbm>>
    %dma_wait3A_955 = tpu.memref_squeeze %dma_wait3A_954 : memref<1x4096xf32, #tpu.memory_space<hbm>> -> memref<4096xf32, #tpu.memory_space<hbm>>
    %dma_wait3A_956 = arith.constant 0 : i32
    %dma_wait3A_957 = tpu.memref_slice %arg7[%dma_wait3A_946, %dma_wait3A_956] : memref<3x4096xf32, #tpu.memory_space<vmem>> -> memref<1x4096xf32, #tpu.memory_space<vmem>>
    %dma_wait3A_958 = tpu.memref_squeeze %dma_wait3A_957 : memref<1x4096xf32, #tpu.memory_space<vmem>> -> memref<4096xf32, #tpu.memory_space<vmem>>
    tpu.wait_dma2 semaphore(%arg10 : memref<!tpu.dma_semaphore, #tpu.memory_space<semaphore_mem>>) src(%dma_wait3A_958 : memref<4096xf32, #tpu.memory_space<vmem>>) dst(%dma_wait3A_955 : memref<4096xf32, #tpu.memory_space<hbm>>)
    %dma_start3A_959 = arith.constant 20 : i32
    %dma_start3A_960 = arith.constant 2 : i32
    %dma_start3A_961 = arith.constant 0 : i32
    %dma_start3A_962 = tpu.memref_slice %arg7[%dma_start3A_960, %dma_start3A_961] : memref<3x4096xf32, #tpu.memory_space<vmem>> -> memref<1x4096xf32, #tpu.memory_space<vmem>>
    %dma_start3A_963 = tpu.memref_squeeze %dma_start3A_962 : memref<1x4096xf32, #tpu.memory_space<vmem>> -> memref<4096xf32, #tpu.memory_space<vmem>>
    %dma_start3A_964 = arith.constant 0 : i32
    %dma_start3A_965 = tpu.memref_slice %arg6[%dma_start3A_959, %dma_start3A_964] : memref<26x4096xi32, #tpu.memory_space<vmem>> -> memref<1x4096xi32, #tpu.memory_space<vmem>>
    %dma_start3A_966 = tpu.memref_squeeze %dma_start3A_965 : memref<1x4096xi32, #tpu.memory_space<vmem>> -> memref<4096xi32, #tpu.memory_space<vmem>>
    %dma_start3A_967 = arith.constant 0 : i32
    %dma_start3A_968 = tpu.memref_slice %arg3[%dma_start3A_967] : memref<83200000xf32, #tpu.memory_space<hbm>> -> memref<83200000xf32, #tpu.memory_space<hbm>>
    tpu.enqueue_indirect_dma source(%dma_start3A_968 : memref<83200000xf32, #tpu.memory_space<hbm>>) target(%dma_start3A_963 : memref<4096xf32, #tpu.memory_space<vmem>>) offsets(%dma_start3A_966 : memref<4096xi32, #tpu.memory_space<vmem>>) semaphore(%arg8 : memref<!tpu.dma_semaphore, #tpu.memory_space<semaphore_mem>>)
    %add3A_969 = arith.constant 18 : i32
    %add3A_970 = arith.addi %mul3A_2, %add3A_969 : i32
    %dma_start3A_971 = arith.constant 0 : i32
    %dma_start3A_972 = arith.constant 0 : i32
    %dma_start3A_973 = tpu.memref_slice %arg7[%dma_start3A_971, %dma_start3A_972] : memref<3x4096xf32, #tpu.memory_space<vmem>> -> memref<1x4096xf32, #tpu.memory_space<vmem>>
    %dma_start3A_974 = tpu.memref_squeeze %dma_start3A_973 : memref<1x4096xf32, #tpu.memory_space<vmem>> -> memref<4096xf32, #tpu.memory_space<vmem>>
    %dma_start3A_975 = arith.constant 0 : i32
    %dma_start3A_976 = tpu.memref_slice %arg4[%add3A_970, %dma_start3A_975] : memref<832x4096xf32, #tpu.memory_space<hbm>> -> memref<1x4096xf32, #tpu.memory_space<hbm>>
    %dma_start3A_977 = tpu.memref_squeeze %dma_start3A_976 : memref<1x4096xf32, #tpu.memory_space<hbm>> -> memref<4096xf32, #tpu.memory_space<hbm>>
    %dma_start3A_978 = arith.constant 0 : i32
    %dma_start3A_979 = tpu.memref_slice %arg4[%add3A_970, %dma_start3A_978] : memref<832x4096xf32, #tpu.memory_space<hbm>> -> memref<1x4096xf32, #tpu.memory_space<hbm>>
    %dma_start3A_980 = tpu.memref_squeeze %dma_start3A_979 : memref<1x4096xf32, #tpu.memory_space<hbm>> -> memref<4096xf32, #tpu.memory_space<hbm>>
    %dma_start3A_981 = arith.constant 0 : i32
    %dma_start3A_982 = tpu.memref_slice %arg7[%dma_start3A_971, %dma_start3A_981] : memref<3x4096xf32, #tpu.memory_space<vmem>> -> memref<1x4096xf32, #tpu.memory_space<vmem>>
    %dma_start3A_983 = tpu.memref_squeeze %dma_start3A_982 : memref<1x4096xf32, #tpu.memory_space<vmem>> -> memref<4096xf32, #tpu.memory_space<vmem>>
    tpu.enqueue_dma source(%dma_start3A_983 : memref<4096xf32, #tpu.memory_space<vmem>>) target(%dma_start3A_980 : memref<4096xf32, #tpu.memory_space<hbm>>) target_semaphore(%arg10 : memref<!tpu.dma_semaphore, #tpu.memory_space<semaphore_mem>>)
    %dma_wait3A_984 = arith.constant 19 : i32
    %dma_wait3A_985 = arith.constant 1 : i32
    %dma_wait3A_986 = arith.constant 0 : i32
    %dma_wait3A_987 = tpu.memref_slice %arg7[%dma_wait3A_985, %dma_wait3A_986] : memref<3x4096xf32, #tpu.memory_space<vmem>> -> memref<1x4096xf32, #tpu.memory_space<vmem>>
    %dma_wait3A_988 = tpu.memref_squeeze %dma_wait3A_987 : memref<1x4096xf32, #tpu.memory_space<vmem>> -> memref<4096xf32, #tpu.memory_space<vmem>>
    %dma_wait3A_989 = arith.constant 0 : i32
    %dma_wait3A_990 = tpu.memref_slice %arg6[%dma_wait3A_984, %dma_wait3A_989] : memref<26x4096xi32, #tpu.memory_space<vmem>> -> memref<1x4096xi32, #tpu.memory_space<vmem>>
    %dma_wait3A_991 = tpu.memref_squeeze %dma_wait3A_990 : memref<1x4096xi32, #tpu.memory_space<vmem>> -> memref<4096xi32, #tpu.memory_space<vmem>>
    %dma_wait3A_992 = arith.constant 0 : i32
    %dma_wait3A_993 = tpu.memref_slice %arg3[%dma_wait3A_992] : memref<83200000xf32, #tpu.memory_space<hbm>> -> memref<83200000xf32, #tpu.memory_space<hbm>>
    tpu.wait_indirect_dma semaphore(%arg9 : memref<!tpu.dma_semaphore, #tpu.memory_space<semaphore_mem>>) src(%dma_wait3A_993 : memref<83200000xf32, #tpu.memory_space<hbm>>) dst(%dma_wait3A_988 : memref<4096xf32, #tpu.memory_space<vmem>>)
    %dma_wait3A_994 = arith.constant 0 : i32
    %dma_wait3A_995 = arith.constant 0 : i32
    %dma_wait3A_996 = tpu.memref_slice %arg7[%dma_wait3A_994, %dma_wait3A_995] : memref<3x4096xf32, #tpu.memory_space<vmem>> -> memref<1x4096xf32, #tpu.memory_space<vmem>>
    %dma_wait3A_997 = tpu.memref_squeeze %dma_wait3A_996 : memref<1x4096xf32, #tpu.memory_space<vmem>> -> memref<4096xf32, #tpu.memory_space<vmem>>
    %dma_wait3A_998 = arith.constant 0 : i32
    %dma_wait3A_999 = tpu.memref_slice %arg4[%add3A_970, %dma_wait3A_998] : memref<832x4096xf32, #tpu.memory_space<hbm>> -> memref<1x4096xf32, #tpu.memory_space<hbm>>
    %dma_wait3A_1000 = tpu.memref_squeeze %dma_wait3A_999 : memref<1x4096xf32, #tpu.memory_space<hbm>> -> memref<4096xf32, #tpu.memory_space<hbm>>
    %dma_wait3A_1001 = arith.constant 0 : i32
    %dma_wait3A_1002 = tpu.memref_slice %arg4[%add3A_970, %dma_wait3A_1001] : memref<832x4096xf32, #tpu.memory_space<hbm>> -> memref<1x4096xf32, #tpu.memory_space<hbm>>
    %dma_wait3A_1003 = tpu.memref_squeeze %dma_wait3A_1002 : memref<1x4096xf32, #tpu.memory_space<hbm>> -> memref<4096xf32, #tpu.memory_space<hbm>>
    %dma_wait3A_1004 = arith.constant 0 : i32
    %dma_wait3A_1005 = tpu.memref_slice %arg7[%dma_wait3A_994, %dma_wait3A_1004] : memref<3x4096xf32, #tpu.memory_space<vmem>> -> memref<1x4096xf32, #tpu.memory_space<vmem>>
    %dma_wait3A_1006 = tpu.memref_squeeze %dma_wait3A_1005 : memref<1x4096xf32, #tpu.memory_space<vmem>> -> memref<4096xf32, #tpu.memory_space<vmem>>
    tpu.wait_dma2 semaphore(%arg10 : memref<!tpu.dma_semaphore, #tpu.memory_space<semaphore_mem>>) src(%dma_wait3A_1006 : memref<4096xf32, #tpu.memory_space<vmem>>) dst(%dma_wait3A_1003 : memref<4096xf32, #tpu.memory_space<hbm>>)
    %dma_start3A_1007 = arith.constant 21 : i32
    %dma_start3A_1008 = arith.constant 0 : i32
    %dma_start3A_1009 = arith.constant 0 : i32
    %dma_start3A_1010 = tpu.memref_slice %arg7[%dma_start3A_1008, %dma_start3A_1009] : memref<3x4096xf32, #tpu.memory_space<vmem>> -> memref<1x4096xf32, #tpu.memory_space<vmem>>
    %dma_start3A_1011 = tpu.memref_squeeze %dma_start3A_1010 : memref<1x4096xf32, #tpu.memory_space<vmem>> -> memref<4096xf32, #tpu.memory_space<vmem>>
    %dma_start3A_1012 = arith.constant 0 : i32
    %dma_start3A_1013 = tpu.memref_slice %arg6[%dma_start3A_1007, %dma_start3A_1012] : memref<26x4096xi32, #tpu.memory_space<vmem>> -> memref<1x4096xi32, #tpu.memory_space<vmem>>
    %dma_start3A_1014 = tpu.memref_squeeze %dma_start3A_1013 : memref<1x4096xi32, #tpu.memory_space<vmem>> -> memref<4096xi32, #tpu.memory_space<vmem>>
    %dma_start3A_1015 = arith.constant 0 : i32
    %dma_start3A_1016 = tpu.memref_slice %arg3[%dma_start3A_1015] : memref<83200000xf32, #tpu.memory_space<hbm>> -> memref<83200000xf32, #tpu.memory_space<hbm>>
    tpu.enqueue_indirect_dma source(%dma_start3A_1016 : memref<83200000xf32, #tpu.memory_space<hbm>>) target(%dma_start3A_1011 : memref<4096xf32, #tpu.memory_space<vmem>>) offsets(%dma_start3A_1014 : memref<4096xi32, #tpu.memory_space<vmem>>) semaphore(%arg9 : memref<!tpu.dma_semaphore, #tpu.memory_space<semaphore_mem>>)
    %add3A_1017 = arith.constant 19 : i32
    %add3A_1018 = arith.addi %mul3A_2, %add3A_1017 : i32
    %dma_start3A_1019 = arith.constant 1 : i32
    %dma_start3A_1020 = arith.constant 0 : i32
    %dma_start3A_1021 = tpu.memref_slice %arg7[%dma_start3A_1019, %dma_start3A_1020] : memref<3x4096xf32, #tpu.memory_space<vmem>> -> memref<1x4096xf32, #tpu.memory_space<vmem>>
    %dma_start3A_1022 = tpu.memref_squeeze %dma_start3A_1021 : memref<1x4096xf32, #tpu.memory_space<vmem>> -> memref<4096xf32, #tpu.memory_space<vmem>>
    %dma_start3A_1023 = arith.constant 0 : i32
    %dma_start3A_1024 = tpu.memref_slice %arg4[%add3A_1018, %dma_start3A_1023] : memref<832x4096xf32, #tpu.memory_space<hbm>> -> memref<1x4096xf32, #tpu.memory_space<hbm>>
    %dma_start3A_1025 = tpu.memref_squeeze %dma_start3A_1024 : memref<1x4096xf32, #tpu.memory_space<hbm>> -> memref<4096xf32, #tpu.memory_space<hbm>>
    %dma_start3A_1026 = arith.constant 0 : i32
    %dma_start3A_1027 = tpu.memref_slice %arg4[%add3A_1018, %dma_start3A_1026] : memref<832x4096xf32, #tpu.memory_space<hbm>> -> memref<1x4096xf32, #tpu.memory_space<hbm>>
    %dma_start3A_1028 = tpu.memref_squeeze %dma_start3A_1027 : memref<1x4096xf32, #tpu.memory_space<hbm>> -> memref<4096xf32, #tpu.memory_space<hbm>>
    %dma_start3A_1029 = arith.constant 0 : i32
    %dma_start3A_1030 = tpu.memref_slice %arg7[%dma_start3A_1019, %dma_start3A_1029] : memref<3x4096xf32, #tpu.memory_space<vmem>> -> memref<1x4096xf32, #tpu.memory_space<vmem>>
    %dma_start3A_1031 = tpu.memref_squeeze %dma_start3A_1030 : memref<1x4096xf32, #tpu.memory_space<vmem>> -> memref<4096xf32, #tpu.memory_space<vmem>>
    tpu.enqueue_dma source(%dma_start3A_1031 : memref<4096xf32, #tpu.memory_space<vmem>>) target(%dma_start3A_1028 : memref<4096xf32, #tpu.memory_space<hbm>>) target_semaphore(%arg10 : memref<!tpu.dma_semaphore, #tpu.memory_space<semaphore_mem>>)
    %dma_wait3A_1032 = arith.constant 20 : i32
    %dma_wait3A_1033 = arith.constant 2 : i32
    %dma_wait3A_1034 = arith.constant 0 : i32
    %dma_wait3A_1035 = tpu.memref_slice %arg7[%dma_wait3A_1033, %dma_wait3A_1034] : memref<3x4096xf32, #tpu.memory_space<vmem>> -> memref<1x4096xf32, #tpu.memory_space<vmem>>
    %dma_wait3A_1036 = tpu.memref_squeeze %dma_wait3A_1035 : memref<1x4096xf32, #tpu.memory_space<vmem>> -> memref<4096xf32, #tpu.memory_space<vmem>>
    %dma_wait3A_1037 = arith.constant 0 : i32
    %dma_wait3A_1038 = tpu.memref_slice %arg6[%dma_wait3A_1032, %dma_wait3A_1037] : memref<26x4096xi32, #tpu.memory_space<vmem>> -> memref<1x4096xi32, #tpu.memory_space<vmem>>
    %dma_wait3A_1039 = tpu.memref_squeeze %dma_wait3A_1038 : memref<1x4096xi32, #tpu.memory_space<vmem>> -> memref<4096xi32, #tpu.memory_space<vmem>>
    %dma_wait3A_1040 = arith.constant 0 : i32
    %dma_wait3A_1041 = tpu.memref_slice %arg3[%dma_wait3A_1040] : memref<83200000xf32, #tpu.memory_space<hbm>> -> memref<83200000xf32, #tpu.memory_space<hbm>>
    tpu.wait_indirect_dma semaphore(%arg8 : memref<!tpu.dma_semaphore, #tpu.memory_space<semaphore_mem>>) src(%dma_wait3A_1041 : memref<83200000xf32, #tpu.memory_space<hbm>>) dst(%dma_wait3A_1036 : memref<4096xf32, #tpu.memory_space<vmem>>)
    %dma_wait3A_1042 = arith.constant 1 : i32
    %dma_wait3A_1043 = arith.constant 0 : i32
    %dma_wait3A_1044 = tpu.memref_slice %arg7[%dma_wait3A_1042, %dma_wait3A_1043] : memref<3x4096xf32, #tpu.memory_space<vmem>> -> memref<1x4096xf32, #tpu.memory_space<vmem>>
    %dma_wait3A_1045 = tpu.memref_squeeze %dma_wait3A_1044 : memref<1x4096xf32, #tpu.memory_space<vmem>> -> memref<4096xf32, #tpu.memory_space<vmem>>
    %dma_wait3A_1046 = arith.constant 0 : i32
    %dma_wait3A_1047 = tpu.memref_slice %arg4[%add3A_1018, %dma_wait3A_1046] : memref<832x4096xf32, #tpu.memory_space<hbm>> -> memref<1x4096xf32, #tpu.memory_space<hbm>>
    %dma_wait3A_1048 = tpu.memref_squeeze %dma_wait3A_1047 : memref<1x4096xf32, #tpu.memory_space<hbm>> -> memref<4096xf32, #tpu.memory_space<hbm>>
    %dma_wait3A_1049 = arith.constant 0 : i32
    %dma_wait3A_1050 = tpu.memref_slice %arg4[%add3A_1018, %dma_wait3A_1049] : memref<832x4096xf32, #tpu.memory_space<hbm>> -> memref<1x4096xf32, #tpu.memory_space<hbm>>
    %dma_wait3A_1051 = tpu.memref_squeeze %dma_wait3A_1050 : memref<1x4096xf32, #tpu.memory_space<hbm>> -> memref<4096xf32, #tpu.memory_space<hbm>>
    %dma_wait3A_1052 = arith.constant 0 : i32
    %dma_wait3A_1053 = tpu.memref_slice %arg7[%dma_wait3A_1042, %dma_wait3A_1052] : memref<3x4096xf32, #tpu.memory_space<vmem>> -> memref<1x4096xf32, #tpu.memory_space<vmem>>
    %dma_wait3A_1054 = tpu.memref_squeeze %dma_wait3A_1053 : memref<1x4096xf32, #tpu.memory_space<vmem>> -> memref<4096xf32, #tpu.memory_space<vmem>>
    tpu.wait_dma2 semaphore(%arg10 : memref<!tpu.dma_semaphore, #tpu.memory_space<semaphore_mem>>) src(%dma_wait3A_1054 : memref<4096xf32, #tpu.memory_space<vmem>>) dst(%dma_wait3A_1051 : memref<4096xf32, #tpu.memory_space<hbm>>)
    %dma_start3A_1055 = arith.constant 22 : i32
    %dma_start3A_1056 = arith.constant 1 : i32
    %dma_start3A_1057 = arith.constant 0 : i32
    %dma_start3A_1058 = tpu.memref_slice %arg7[%dma_start3A_1056, %dma_start3A_1057] : memref<3x4096xf32, #tpu.memory_space<vmem>> -> memref<1x4096xf32, #tpu.memory_space<vmem>>
    %dma_start3A_1059 = tpu.memref_squeeze %dma_start3A_1058 : memref<1x4096xf32, #tpu.memory_space<vmem>> -> memref<4096xf32, #tpu.memory_space<vmem>>
    %dma_start3A_1060 = arith.constant 0 : i32
    %dma_start3A_1061 = tpu.memref_slice %arg6[%dma_start3A_1055, %dma_start3A_1060] : memref<26x4096xi32, #tpu.memory_space<vmem>> -> memref<1x4096xi32, #tpu.memory_space<vmem>>
    %dma_start3A_1062 = tpu.memref_squeeze %dma_start3A_1061 : memref<1x4096xi32, #tpu.memory_space<vmem>> -> memref<4096xi32, #tpu.memory_space<vmem>>
    %dma_start3A_1063 = arith.constant 0 : i32
    %dma_start3A_1064 = tpu.memref_slice %arg3[%dma_start3A_1063] : memref<83200000xf32, #tpu.memory_space<hbm>> -> memref<83200000xf32, #tpu.memory_space<hbm>>
    tpu.enqueue_indirect_dma source(%dma_start3A_1064 : memref<83200000xf32, #tpu.memory_space<hbm>>) target(%dma_start3A_1059 : memref<4096xf32, #tpu.memory_space<vmem>>) offsets(%dma_start3A_1062 : memref<4096xi32, #tpu.memory_space<vmem>>) semaphore(%arg8 : memref<!tpu.dma_semaphore, #tpu.memory_space<semaphore_mem>>)
    %add3A_1065 = arith.constant 20 : i32
    %add3A_1066 = arith.addi %mul3A_2, %add3A_1065 : i32
    %dma_start3A_1067 = arith.constant 2 : i32
    %dma_start3A_1068 = arith.constant 0 : i32
    %dma_start3A_1069 = tpu.memref_slice %arg7[%dma_start3A_1067, %dma_start3A_1068] : memref<3x4096xf32, #tpu.memory_space<vmem>> -> memref<1x4096xf32, #tpu.memory_space<vmem>>
    %dma_start3A_1070 = tpu.memref_squeeze %dma_start3A_1069 : memref<1x4096xf32, #tpu.memory_space<vmem>> -> memref<4096xf32, #tpu.memory_space<vmem>>
    %dma_start3A_1071 = arith.constant 0 : i32
    %dma_start3A_1072 = tpu.memref_slice %arg4[%add3A_1066, %dma_start3A_1071] : memref<832x4096xf32, #tpu.memory_space<hbm>> -> memref<1x4096xf32, #tpu.memory_space<hbm>>
    %dma_start3A_1073 = tpu.memref_squeeze %dma_start3A_1072 : memref<1x4096xf32, #tpu.memory_space<hbm>> -> memref<4096xf32, #tpu.memory_space<hbm>>
    %dma_start3A_1074 = arith.constant 0 : i32
    %dma_start3A_1075 = tpu.memref_slice %arg4[%add3A_1066, %dma_start3A_1074] : memref<832x4096xf32, #tpu.memory_space<hbm>> -> memref<1x4096xf32, #tpu.memory_space<hbm>>
    %dma_start3A_1076 = tpu.memref_squeeze %dma_start3A_1075 : memref<1x4096xf32, #tpu.memory_space<hbm>> -> memref<4096xf32, #tpu.memory_space<hbm>>
    %dma_start3A_1077 = arith.constant 0 : i32
    %dma_start3A_1078 = tpu.memref_slice %arg7[%dma_start3A_1067, %dma_start3A_1077] : memref<3x4096xf32, #tpu.memory_space<vmem>> -> memref<1x4096xf32, #tpu.memory_space<vmem>>
    %dma_start3A_1079 = tpu.memref_squeeze %dma_start3A_1078 : memref<1x4096xf32, #tpu.memory_space<vmem>> -> memref<4096xf32, #tpu.memory_space<vmem>>
    tpu.enqueue_dma source(%dma_start3A_1079 : memref<4096xf32, #tpu.memory_space<vmem>>) target(%dma_start3A_1076 : memref<4096xf32, #tpu.memory_space<hbm>>) target_semaphore(%arg10 : memref<!tpu.dma_semaphore, #tpu.memory_space<semaphore_mem>>)
    %dma_wait3A_1080 = arith.constant 21 : i32
    %dma_wait3A_1081 = arith.constant 0 : i32
    %dma_wait3A_1082 = arith.constant 0 : i32
    %dma_wait3A_1083 = tpu.memref_slice %arg7[%dma_wait3A_1081, %dma_wait3A_1082] : memref<3x4096xf32, #tpu.memory_space<vmem>> -> memref<1x4096xf32, #tpu.memory_space<vmem>>
    %dma_wait3A_1084 = tpu.memref_squeeze %dma_wait3A_1083 : memref<1x4096xf32, #tpu.memory_space<vmem>> -> memref<4096xf32, #tpu.memory_space<vmem>>
    %dma_wait3A_1085 = arith.constant 0 : i32
    %dma_wait3A_1086 = tpu.memref_slice %arg6[%dma_wait3A_1080, %dma_wait3A_1085] : memref<26x4096xi32, #tpu.memory_space<vmem>> -> memref<1x4096xi32, #tpu.memory_space<vmem>>
    %dma_wait3A_1087 = tpu.memref_squeeze %dma_wait3A_1086 : memref<1x4096xi32, #tpu.memory_space<vmem>> -> memref<4096xi32, #tpu.memory_space<vmem>>
    %dma_wait3A_1088 = arith.constant 0 : i32
    %dma_wait3A_1089 = tpu.memref_slice %arg3[%dma_wait3A_1088] : memref<83200000xf32, #tpu.memory_space<hbm>> -> memref<83200000xf32, #tpu.memory_space<hbm>>
    tpu.wait_indirect_dma semaphore(%arg9 : memref<!tpu.dma_semaphore, #tpu.memory_space<semaphore_mem>>) src(%dma_wait3A_1089 : memref<83200000xf32, #tpu.memory_space<hbm>>) dst(%dma_wait3A_1084 : memref<4096xf32, #tpu.memory_space<vmem>>)
    %dma_wait3A_1090 = arith.constant 2 : i32
    %dma_wait3A_1091 = arith.constant 0 : i32
    %dma_wait3A_1092 = tpu.memref_slice %arg7[%dma_wait3A_1090, %dma_wait3A_1091] : memref<3x4096xf32, #tpu.memory_space<vmem>> -> memref<1x4096xf32, #tpu.memory_space<vmem>>
    %dma_wait3A_1093 = tpu.memref_squeeze %dma_wait3A_1092 : memref<1x4096xf32, #tpu.memory_space<vmem>> -> memref<4096xf32, #tpu.memory_space<vmem>>
    %dma_wait3A_1094 = arith.constant 0 : i32
    %dma_wait3A_1095 = tpu.memref_slice %arg4[%add3A_1066, %dma_wait3A_1094] : memref<832x4096xf32, #tpu.memory_space<hbm>> -> memref<1x4096xf32, #tpu.memory_space<hbm>>
    %dma_wait3A_1096 = tpu.memref_squeeze %dma_wait3A_1095 : memref<1x4096xf32, #tpu.memory_space<hbm>> -> memref<4096xf32, #tpu.memory_space<hbm>>
    %dma_wait3A_1097 = arith.constant 0 : i32
    %dma_wait3A_1098 = tpu.memref_slice %arg4[%add3A_1066, %dma_wait3A_1097] : memref<832x4096xf32, #tpu.memory_space<hbm>> -> memref<1x4096xf32, #tpu.memory_space<hbm>>
    %dma_wait3A_1099 = tpu.memref_squeeze %dma_wait3A_1098 : memref<1x4096xf32, #tpu.memory_space<hbm>> -> memref<4096xf32, #tpu.memory_space<hbm>>
    %dma_wait3A_1100 = arith.constant 0 : i32
    %dma_wait3A_1101 = tpu.memref_slice %arg7[%dma_wait3A_1090, %dma_wait3A_1100] : memref<3x4096xf32, #tpu.memory_space<vmem>> -> memref<1x4096xf32, #tpu.memory_space<vmem>>
    %dma_wait3A_1102 = tpu.memref_squeeze %dma_wait3A_1101 : memref<1x4096xf32, #tpu.memory_space<vmem>> -> memref<4096xf32, #tpu.memory_space<vmem>>
    tpu.wait_dma2 semaphore(%arg10 : memref<!tpu.dma_semaphore, #tpu.memory_space<semaphore_mem>>) src(%dma_wait3A_1102 : memref<4096xf32, #tpu.memory_space<vmem>>) dst(%dma_wait3A_1099 : memref<4096xf32, #tpu.memory_space<hbm>>)
    %dma_start3A_1103 = arith.constant 23 : i32
    %dma_start3A_1104 = arith.constant 2 : i32
    %dma_start3A_1105 = arith.constant 0 : i32
    %dma_start3A_1106 = tpu.memref_slice %arg7[%dma_start3A_1104, %dma_start3A_1105] : memref<3x4096xf32, #tpu.memory_space<vmem>> -> memref<1x4096xf32, #tpu.memory_space<vmem>>
    %dma_start3A_1107 = tpu.memref_squeeze %dma_start3A_1106 : memref<1x4096xf32, #tpu.memory_space<vmem>> -> memref<4096xf32, #tpu.memory_space<vmem>>
    %dma_start3A_1108 = arith.constant 0 : i32
    %dma_start3A_1109 = tpu.memref_slice %arg6[%dma_start3A_1103, %dma_start3A_1108] : memref<26x4096xi32, #tpu.memory_space<vmem>> -> memref<1x4096xi32, #tpu.memory_space<vmem>>
    %dma_start3A_1110 = tpu.memref_squeeze %dma_start3A_1109 : memref<1x4096xi32, #tpu.memory_space<vmem>> -> memref<4096xi32, #tpu.memory_space<vmem>>
    %dma_start3A_1111 = arith.constant 0 : i32
    %dma_start3A_1112 = tpu.memref_slice %arg3[%dma_start3A_1111] : memref<83200000xf32, #tpu.memory_space<hbm>> -> memref<83200000xf32, #tpu.memory_space<hbm>>
    tpu.enqueue_indirect_dma source(%dma_start3A_1112 : memref<83200000xf32, #tpu.memory_space<hbm>>) target(%dma_start3A_1107 : memref<4096xf32, #tpu.memory_space<vmem>>) offsets(%dma_start3A_1110 : memref<4096xi32, #tpu.memory_space<vmem>>) semaphore(%arg9 : memref<!tpu.dma_semaphore, #tpu.memory_space<semaphore_mem>>)
    %add3A_1113 = arith.constant 21 : i32
    %add3A_1114 = arith.addi %mul3A_2, %add3A_1113 : i32
    %dma_start3A_1115 = arith.constant 0 : i32
    %dma_start3A_1116 = arith.constant 0 : i32
    %dma_start3A_1117 = tpu.memref_slice %arg7[%dma_start3A_1115, %dma_start3A_1116] : memref<3x4096xf32, #tpu.memory_space<vmem>> -> memref<1x4096xf32, #tpu.memory_space<vmem>>
    %dma_start3A_1118 = tpu.memref_squeeze %dma_start3A_1117 : memref<1x4096xf32, #tpu.memory_space<vmem>> -> memref<4096xf32, #tpu.memory_space<vmem>>
    %dma_start3A_1119 = arith.constant 0 : i32
    %dma_start3A_1120 = tpu.memref_slice %arg4[%add3A_1114, %dma_start3A_1119] : memref<832x4096xf32, #tpu.memory_space<hbm>> -> memref<1x4096xf32, #tpu.memory_space<hbm>>
    %dma_start3A_1121 = tpu.memref_squeeze %dma_start3A_1120 : memref<1x4096xf32, #tpu.memory_space<hbm>> -> memref<4096xf32, #tpu.memory_space<hbm>>
    %dma_start3A_1122 = arith.constant 0 : i32
    %dma_start3A_1123 = tpu.memref_slice %arg4[%add3A_1114, %dma_start3A_1122] : memref<832x4096xf32, #tpu.memory_space<hbm>> -> memref<1x4096xf32, #tpu.memory_space<hbm>>
    %dma_start3A_1124 = tpu.memref_squeeze %dma_start3A_1123 : memref<1x4096xf32, #tpu.memory_space<hbm>> -> memref<4096xf32, #tpu.memory_space<hbm>>
    %dma_start3A_1125 = arith.constant 0 : i32
    %dma_start3A_1126 = tpu.memref_slice %arg7[%dma_start3A_1115, %dma_start3A_1125] : memref<3x4096xf32, #tpu.memory_space<vmem>> -> memref<1x4096xf32, #tpu.memory_space<vmem>>
    %dma_start3A_1127 = tpu.memref_squeeze %dma_start3A_1126 : memref<1x4096xf32, #tpu.memory_space<vmem>> -> memref<4096xf32, #tpu.memory_space<vmem>>
    tpu.enqueue_dma source(%dma_start3A_1127 : memref<4096xf32, #tpu.memory_space<vmem>>) target(%dma_start3A_1124 : memref<4096xf32, #tpu.memory_space<hbm>>) target_semaphore(%arg10 : memref<!tpu.dma_semaphore, #tpu.memory_space<semaphore_mem>>)
    %dma_wait3A_1128 = arith.constant 22 : i32
    %dma_wait3A_1129 = arith.constant 1 : i32
    %dma_wait3A_1130 = arith.constant 0 : i32
    %dma_wait3A_1131 = tpu.memref_slice %arg7[%dma_wait3A_1129, %dma_wait3A_1130] : memref<3x4096xf32, #tpu.memory_space<vmem>> -> memref<1x4096xf32, #tpu.memory_space<vmem>>
    %dma_wait3A_1132 = tpu.memref_squeeze %dma_wait3A_1131 : memref<1x4096xf32, #tpu.memory_space<vmem>> -> memref<4096xf32, #tpu.memory_space<vmem>>
    %dma_wait3A_1133 = arith.constant 0 : i32
    %dma_wait3A_1134 = tpu.memref_slice %arg6[%dma_wait3A_1128, %dma_wait3A_1133] : memref<26x4096xi32, #tpu.memory_space<vmem>> -> memref<1x4096xi32, #tpu.memory_space<vmem>>
    %dma_wait3A_1135 = tpu.memref_squeeze %dma_wait3A_1134 : memref<1x4096xi32, #tpu.memory_space<vmem>> -> memref<4096xi32, #tpu.memory_space<vmem>>
    %dma_wait3A_1136 = arith.constant 0 : i32
    %dma_wait3A_1137 = tpu.memref_slice %arg3[%dma_wait3A_1136] : memref<83200000xf32, #tpu.memory_space<hbm>> -> memref<83200000xf32, #tpu.memory_space<hbm>>
    tpu.wait_indirect_dma semaphore(%arg8 : memref<!tpu.dma_semaphore, #tpu.memory_space<semaphore_mem>>) src(%dma_wait3A_1137 : memref<83200000xf32, #tpu.memory_space<hbm>>) dst(%dma_wait3A_1132 : memref<4096xf32, #tpu.memory_space<vmem>>)
    %dma_wait3A_1138 = arith.constant 0 : i32
    %dma_wait3A_1139 = arith.constant 0 : i32
    %dma_wait3A_1140 = tpu.memref_slice %arg7[%dma_wait3A_1138, %dma_wait3A_1139] : memref<3x4096xf32, #tpu.memory_space<vmem>> -> memref<1x4096xf32, #tpu.memory_space<vmem>>
    %dma_wait3A_1141 = tpu.memref_squeeze %dma_wait3A_1140 : memref<1x4096xf32, #tpu.memory_space<vmem>> -> memref<4096xf32, #tpu.memory_space<vmem>>
    %dma_wait3A_1142 = arith.constant 0 : i32
    %dma_wait3A_1143 = tpu.memref_slice %arg4[%add3A_1114, %dma_wait3A_1142] : memref<832x4096xf32, #tpu.memory_space<hbm>> -> memref<1x4096xf32, #tpu.memory_space<hbm>>
    %dma_wait3A_1144 = tpu.memref_squeeze %dma_wait3A_1143 : memref<1x4096xf32, #tpu.memory_space<hbm>> -> memref<4096xf32, #tpu.memory_space<hbm>>
    %dma_wait3A_1145 = arith.constant 0 : i32
    %dma_wait3A_1146 = tpu.memref_slice %arg4[%add3A_1114, %dma_wait3A_1145] : memref<832x4096xf32, #tpu.memory_space<hbm>> -> memref<1x4096xf32, #tpu.memory_space<hbm>>
    %dma_wait3A_1147 = tpu.memref_squeeze %dma_wait3A_1146 : memref<1x4096xf32, #tpu.memory_space<hbm>> -> memref<4096xf32, #tpu.memory_space<hbm>>
    %dma_wait3A_1148 = arith.constant 0 : i32
    %dma_wait3A_1149 = tpu.memref_slice %arg7[%dma_wait3A_1138, %dma_wait3A_1148] : memref<3x4096xf32, #tpu.memory_space<vmem>> -> memref<1x4096xf32, #tpu.memory_space<vmem>>
    %dma_wait3A_1150 = tpu.memref_squeeze %dma_wait3A_1149 : memref<1x4096xf32, #tpu.memory_space<vmem>> -> memref<4096xf32, #tpu.memory_space<vmem>>
    tpu.wait_dma2 semaphore(%arg10 : memref<!tpu.dma_semaphore, #tpu.memory_space<semaphore_mem>>) src(%dma_wait3A_1150 : memref<4096xf32, #tpu.memory_space<vmem>>) dst(%dma_wait3A_1147 : memref<4096xf32, #tpu.memory_space<hbm>>)
    %dma_start3A_1151 = arith.constant 24 : i32
    %dma_start3A_1152 = arith.constant 0 : i32
    %dma_start3A_1153 = arith.constant 0 : i32
    %dma_start3A_1154 = tpu.memref_slice %arg7[%dma_start3A_1152, %dma_start3A_1153] : memref<3x4096xf32, #tpu.memory_space<vmem>> -> memref<1x4096xf32, #tpu.memory_space<vmem>>
    %dma_start3A_1155 = tpu.memref_squeeze %dma_start3A_1154 : memref<1x4096xf32, #tpu.memory_space<vmem>> -> memref<4096xf32, #tpu.memory_space<vmem>>
    %dma_start3A_1156 = arith.constant 0 : i32
    %dma_start3A_1157 = tpu.memref_slice %arg6[%dma_start3A_1151, %dma_start3A_1156] : memref<26x4096xi32, #tpu.memory_space<vmem>> -> memref<1x4096xi32, #tpu.memory_space<vmem>>
    %dma_start3A_1158 = tpu.memref_squeeze %dma_start3A_1157 : memref<1x4096xi32, #tpu.memory_space<vmem>> -> memref<4096xi32, #tpu.memory_space<vmem>>
    %dma_start3A_1159 = arith.constant 0 : i32
    %dma_start3A_1160 = tpu.memref_slice %arg3[%dma_start3A_1159] : memref<83200000xf32, #tpu.memory_space<hbm>> -> memref<83200000xf32, #tpu.memory_space<hbm>>
    tpu.enqueue_indirect_dma source(%dma_start3A_1160 : memref<83200000xf32, #tpu.memory_space<hbm>>) target(%dma_start3A_1155 : memref<4096xf32, #tpu.memory_space<vmem>>) offsets(%dma_start3A_1158 : memref<4096xi32, #tpu.memory_space<vmem>>) semaphore(%arg8 : memref<!tpu.dma_semaphore, #tpu.memory_space<semaphore_mem>>)
    %add3A_1161 = arith.constant 22 : i32
    %add3A_1162 = arith.addi %mul3A_2, %add3A_1161 : i32
    %dma_start3A_1163 = arith.constant 1 : i32
    %dma_start3A_1164 = arith.constant 0 : i32
    %dma_start3A_1165 = tpu.memref_slice %arg7[%dma_start3A_1163, %dma_start3A_1164] : memref<3x4096xf32, #tpu.memory_space<vmem>> -> memref<1x4096xf32, #tpu.memory_space<vmem>>
    %dma_start3A_1166 = tpu.memref_squeeze %dma_start3A_1165 : memref<1x4096xf32, #tpu.memory_space<vmem>> -> memref<4096xf32, #tpu.memory_space<vmem>>
    %dma_start3A_1167 = arith.constant 0 : i32
    %dma_start3A_1168 = tpu.memref_slice %arg4[%add3A_1162, %dma_start3A_1167] : memref<832x4096xf32, #tpu.memory_space<hbm>> -> memref<1x4096xf32, #tpu.memory_space<hbm>>
    %dma_start3A_1169 = tpu.memref_squeeze %dma_start3A_1168 : memref<1x4096xf32, #tpu.memory_space<hbm>> -> memref<4096xf32, #tpu.memory_space<hbm>>
    %dma_start3A_1170 = arith.constant 0 : i32
    %dma_start3A_1171 = tpu.memref_slice %arg4[%add3A_1162, %dma_start3A_1170] : memref<832x4096xf32, #tpu.memory_space<hbm>> -> memref<1x4096xf32, #tpu.memory_space<hbm>>
    %dma_start3A_1172 = tpu.memref_squeeze %dma_start3A_1171 : memref<1x4096xf32, #tpu.memory_space<hbm>> -> memref<4096xf32, #tpu.memory_space<hbm>>
    %dma_start3A_1173 = arith.constant 0 : i32
    %dma_start3A_1174 = tpu.memref_slice %arg7[%dma_start3A_1163, %dma_start3A_1173] : memref<3x4096xf32, #tpu.memory_space<vmem>> -> memref<1x4096xf32, #tpu.memory_space<vmem>>
    %dma_start3A_1175 = tpu.memref_squeeze %dma_start3A_1174 : memref<1x4096xf32, #tpu.memory_space<vmem>> -> memref<4096xf32, #tpu.memory_space<vmem>>
    tpu.enqueue_dma source(%dma_start3A_1175 : memref<4096xf32, #tpu.memory_space<vmem>>) target(%dma_start3A_1172 : memref<4096xf32, #tpu.memory_space<hbm>>) target_semaphore(%arg10 : memref<!tpu.dma_semaphore, #tpu.memory_space<semaphore_mem>>)
    %dma_wait3A_1176 = arith.constant 23 : i32
    %dma_wait3A_1177 = arith.constant 2 : i32
    %dma_wait3A_1178 = arith.constant 0 : i32
    %dma_wait3A_1179 = tpu.memref_slice %arg7[%dma_wait3A_1177, %dma_wait3A_1178] : memref<3x4096xf32, #tpu.memory_space<vmem>> -> memref<1x4096xf32, #tpu.memory_space<vmem>>
    %dma_wait3A_1180 = tpu.memref_squeeze %dma_wait3A_1179 : memref<1x4096xf32, #tpu.memory_space<vmem>> -> memref<4096xf32, #tpu.memory_space<vmem>>
    %dma_wait3A_1181 = arith.constant 0 : i32
    %dma_wait3A_1182 = tpu.memref_slice %arg6[%dma_wait3A_1176, %dma_wait3A_1181] : memref<26x4096xi32, #tpu.memory_space<vmem>> -> memref<1x4096xi32, #tpu.memory_space<vmem>>
    %dma_wait3A_1183 = tpu.memref_squeeze %dma_wait3A_1182 : memref<1x4096xi32, #tpu.memory_space<vmem>> -> memref<4096xi32, #tpu.memory_space<vmem>>
    %dma_wait3A_1184 = arith.constant 0 : i32
    %dma_wait3A_1185 = tpu.memref_slice %arg3[%dma_wait3A_1184] : memref<83200000xf32, #tpu.memory_space<hbm>> -> memref<83200000xf32, #tpu.memory_space<hbm>>
    tpu.wait_indirect_dma semaphore(%arg9 : memref<!tpu.dma_semaphore, #tpu.memory_space<semaphore_mem>>) src(%dma_wait3A_1185 : memref<83200000xf32, #tpu.memory_space<hbm>>) dst(%dma_wait3A_1180 : memref<4096xf32, #tpu.memory_space<vmem>>)
    %dma_wait3A_1186 = arith.constant 1 : i32
    %dma_wait3A_1187 = arith.constant 0 : i32
    %dma_wait3A_1188 = tpu.memref_slice %arg7[%dma_wait3A_1186, %dma_wait3A_1187] : memref<3x4096xf32, #tpu.memory_space<vmem>> -> memref<1x4096xf32, #tpu.memory_space<vmem>>
    %dma_wait3A_1189 = tpu.memref_squeeze %dma_wait3A_1188 : memref<1x4096xf32, #tpu.memory_space<vmem>> -> memref<4096xf32, #tpu.memory_space<vmem>>
    %dma_wait3A_1190 = arith.constant 0 : i32
    %dma_wait3A_1191 = tpu.memref_slice %arg4[%add3A_1162, %dma_wait3A_1190] : memref<832x4096xf32, #tpu.memory_space<hbm>> -> memref<1x4096xf32, #tpu.memory_space<hbm>>
    %dma_wait3A_1192 = tpu.memref_squeeze %dma_wait3A_1191 : memref<1x4096xf32, #tpu.memory_space<hbm>> -> memref<4096xf32, #tpu.memory_space<hbm>>
    %dma_wait3A_1193 = arith.constant 0 : i32
    %dma_wait3A_1194 = tpu.memref_slice %arg4[%add3A_1162, %dma_wait3A_1193] : memref<832x4096xf32, #tpu.memory_space<hbm>> -> memref<1x4096xf32, #tpu.memory_space<hbm>>
    %dma_wait3A_1195 = tpu.memref_squeeze %dma_wait3A_1194 : memref<1x4096xf32, #tpu.memory_space<hbm>> -> memref<4096xf32, #tpu.memory_space<hbm>>
    %dma_wait3A_1196 = arith.constant 0 : i32
    %dma_wait3A_1197 = tpu.memref_slice %arg7[%dma_wait3A_1186, %dma_wait3A_1196] : memref<3x4096xf32, #tpu.memory_space<vmem>> -> memref<1x4096xf32, #tpu.memory_space<vmem>>
    %dma_wait3A_1198 = tpu.memref_squeeze %dma_wait3A_1197 : memref<1x4096xf32, #tpu.memory_space<vmem>> -> memref<4096xf32, #tpu.memory_space<vmem>>
    tpu.wait_dma2 semaphore(%arg10 : memref<!tpu.dma_semaphore, #tpu.memory_space<semaphore_mem>>) src(%dma_wait3A_1198 : memref<4096xf32, #tpu.memory_space<vmem>>) dst(%dma_wait3A_1195 : memref<4096xf32, #tpu.memory_space<hbm>>)
    %dma_start3A_1199 = arith.constant 25 : i32
    %dma_start3A_1200 = arith.constant 1 : i32
    %dma_start3A_1201 = arith.constant 0 : i32
    %dma_start3A_1202 = tpu.memref_slice %arg7[%dma_start3A_1200, %dma_start3A_1201] : memref<3x4096xf32, #tpu.memory_space<vmem>> -> memref<1x4096xf32, #tpu.memory_space<vmem>>
    %dma_start3A_1203 = tpu.memref_squeeze %dma_start3A_1202 : memref<1x4096xf32, #tpu.memory_space<vmem>> -> memref<4096xf32, #tpu.memory_space<vmem>>
    %dma_start3A_1204 = arith.constant 0 : i32
    %dma_start3A_1205 = tpu.memref_slice %arg6[%dma_start3A_1199, %dma_start3A_1204] : memref<26x4096xi32, #tpu.memory_space<vmem>> -> memref<1x4096xi32, #tpu.memory_space<vmem>>
    %dma_start3A_1206 = tpu.memref_squeeze %dma_start3A_1205 : memref<1x4096xi32, #tpu.memory_space<vmem>> -> memref<4096xi32, #tpu.memory_space<vmem>>
    %dma_start3A_1207 = arith.constant 0 : i32
    %dma_start3A_1208 = tpu.memref_slice %arg3[%dma_start3A_1207] : memref<83200000xf32, #tpu.memory_space<hbm>> -> memref<83200000xf32, #tpu.memory_space<hbm>>
    tpu.enqueue_indirect_dma source(%dma_start3A_1208 : memref<83200000xf32, #tpu.memory_space<hbm>>) target(%dma_start3A_1203 : memref<4096xf32, #tpu.memory_space<vmem>>) offsets(%dma_start3A_1206 : memref<4096xi32, #tpu.memory_space<vmem>>) semaphore(%arg9 : memref<!tpu.dma_semaphore, #tpu.memory_space<semaphore_mem>>)
    %add3A_1209 = arith.constant 23 : i32
    %add3A_1210 = arith.addi %mul3A_2, %add3A_1209 : i32
    %dma_start3A_1211 = arith.constant 2 : i32
    %dma_start3A_1212 = arith.constant 0 : i32
    %dma_start3A_1213 = tpu.memref_slice %arg7[%dma_start3A_1211, %dma_start3A_1212] : memref<3x4096xf32, #tpu.memory_space<vmem>> -> memref<1x4096xf32, #tpu.memory_space<vmem>>
    %dma_start3A_1214 = tpu.memref_squeeze %dma_start3A_1213 : memref<1x4096xf32, #tpu.memory_space<vmem>> -> memref<4096xf32, #tpu.memory_space<vmem>>
    %dma_start3A_1215 = arith.constant 0 : i32
    %dma_start3A_1216 = tpu.memref_slice %arg4[%add3A_1210, %dma_start3A_1215] : memref<832x4096xf32, #tpu.memory_space<hbm>> -> memref<1x4096xf32, #tpu.memory_space<hbm>>
    %dma_start3A_1217 = tpu.memref_squeeze %dma_start3A_1216 : memref<1x4096xf32, #tpu.memory_space<hbm>> -> memref<4096xf32, #tpu.memory_space<hbm>>
    %dma_start3A_1218 = arith.constant 0 : i32
    %dma_start3A_1219 = tpu.memref_slice %arg4[%add3A_1210, %dma_start3A_1218] : memref<832x4096xf32, #tpu.memory_space<hbm>> -> memref<1x4096xf32, #tpu.memory_space<hbm>>
    %dma_start3A_1220 = tpu.memref_squeeze %dma_start3A_1219 : memref<1x4096xf32, #tpu.memory_space<hbm>> -> memref<4096xf32, #tpu.memory_space<hbm>>
    %dma_start3A_1221 = arith.constant 0 : i32
    %dma_start3A_1222 = tpu.memref_slice %arg7[%dma_start3A_1211, %dma_start3A_1221] : memref<3x4096xf32, #tpu.memory_space<vmem>> -> memref<1x4096xf32, #tpu.memory_space<vmem>>
    %dma_start3A_1223 = tpu.memref_squeeze %dma_start3A_1222 : memref<1x4096xf32, #tpu.memory_space<vmem>> -> memref<4096xf32, #tpu.memory_space<vmem>>
    tpu.enqueue_dma source(%dma_start3A_1223 : memref<4096xf32, #tpu.memory_space<vmem>>) target(%dma_start3A_1220 : memref<4096xf32, #tpu.memory_space<hbm>>) target_semaphore(%arg10 : memref<!tpu.dma_semaphore, #tpu.memory_space<semaphore_mem>>)
    %dma_wait3A_1224 = arith.constant 24 : i32
    %dma_wait3A_1225 = arith.constant 0 : i32
    %dma_wait3A_1226 = arith.constant 0 : i32
    %dma_wait3A_1227 = tpu.memref_slice %arg7[%dma_wait3A_1225, %dma_wait3A_1226] : memref<3x4096xf32, #tpu.memory_space<vmem>> -> memref<1x4096xf32, #tpu.memory_space<vmem>>
    %dma_wait3A_1228 = tpu.memref_squeeze %dma_wait3A_1227 : memref<1x4096xf32, #tpu.memory_space<vmem>> -> memref<4096xf32, #tpu.memory_space<vmem>>
    %dma_wait3A_1229 = arith.constant 0 : i32
    %dma_wait3A_1230 = tpu.memref_slice %arg6[%dma_wait3A_1224, %dma_wait3A_1229] : memref<26x4096xi32, #tpu.memory_space<vmem>> -> memref<1x4096xi32, #tpu.memory_space<vmem>>
    %dma_wait3A_1231 = tpu.memref_squeeze %dma_wait3A_1230 : memref<1x4096xi32, #tpu.memory_space<vmem>> -> memref<4096xi32, #tpu.memory_space<vmem>>
    %dma_wait3A_1232 = arith.constant 0 : i32
    %dma_wait3A_1233 = tpu.memref_slice %arg3[%dma_wait3A_1232] : memref<83200000xf32, #tpu.memory_space<hbm>> -> memref<83200000xf32, #tpu.memory_space<hbm>>
    tpu.wait_indirect_dma semaphore(%arg8 : memref<!tpu.dma_semaphore, #tpu.memory_space<semaphore_mem>>) src(%dma_wait3A_1233 : memref<83200000xf32, #tpu.memory_space<hbm>>) dst(%dma_wait3A_1228 : memref<4096xf32, #tpu.memory_space<vmem>>)
    %add3A_1234 = arith.constant 24 : i32
    %add3A_1235 = arith.addi %mul3A_2, %add3A_1234 : i32
    %dma_start3A_1236 = arith.constant 0 : i32
    %dma_start3A_1237 = arith.constant 0 : i32
    %dma_start3A_1238 = tpu.memref_slice %arg7[%dma_start3A_1236, %dma_start3A_1237] : memref<3x4096xf32, #tpu.memory_space<vmem>> -> memref<1x4096xf32, #tpu.memory_space<vmem>>
    %dma_start3A_1239 = tpu.memref_squeeze %dma_start3A_1238 : memref<1x4096xf32, #tpu.memory_space<vmem>> -> memref<4096xf32, #tpu.memory_space<vmem>>
    %dma_start3A_1240 = arith.constant 0 : i32
    %dma_start3A_1241 = tpu.memref_slice %arg4[%add3A_1235, %dma_start3A_1240] : memref<832x4096xf32, #tpu.memory_space<hbm>> -> memref<1x4096xf32, #tpu.memory_space<hbm>>
    %dma_start3A_1242 = tpu.memref_squeeze %dma_start3A_1241 : memref<1x4096xf32, #tpu.memory_space<hbm>> -> memref<4096xf32, #tpu.memory_space<hbm>>
    %dma_start3A_1243 = arith.constant 0 : i32
    %dma_start3A_1244 = tpu.memref_slice %arg4[%add3A_1235, %dma_start3A_1243] : memref<832x4096xf32, #tpu.memory_space<hbm>> -> memref<1x4096xf32, #tpu.memory_space<hbm>>
    %dma_start3A_1245 = tpu.memref_squeeze %dma_start3A_1244 : memref<1x4096xf32, #tpu.memory_space<hbm>> -> memref<4096xf32, #tpu.memory_space<hbm>>
    %dma_start3A_1246 = arith.constant 0 : i32
    %dma_start3A_1247 = tpu.memref_slice %arg7[%dma_start3A_1236, %dma_start3A_1246] : memref<3x4096xf32, #tpu.memory_space<vmem>> -> memref<1x4096xf32, #tpu.memory_space<vmem>>
    %dma_start3A_1248 = tpu.memref_squeeze %dma_start3A_1247 : memref<1x4096xf32, #tpu.memory_space<vmem>> -> memref<4096xf32, #tpu.memory_space<vmem>>
    tpu.enqueue_dma source(%dma_start3A_1248 : memref<4096xf32, #tpu.memory_space<vmem>>) target(%dma_start3A_1245 : memref<4096xf32, #tpu.memory_space<hbm>>) target_semaphore(%arg10 : memref<!tpu.dma_semaphore, #tpu.memory_space<semaphore_mem>>)
    %dma_wait3A_1249 = arith.constant 25 : i32
    %dma_wait3A_1250 = arith.constant 1 : i32
    %dma_wait3A_1251 = arith.constant 0 : i32
    %dma_wait3A_1252 = tpu.memref_slice %arg7[%dma_wait3A_1250, %dma_wait3A_1251] : memref<3x4096xf32, #tpu.memory_space<vmem>> -> memref<1x4096xf32, #tpu.memory_space<vmem>>
    %dma_wait3A_1253 = tpu.memref_squeeze %dma_wait3A_1252 : memref<1x4096xf32, #tpu.memory_space<vmem>> -> memref<4096xf32, #tpu.memory_space<vmem>>
    %dma_wait3A_1254 = arith.constant 0 : i32
    %dma_wait3A_1255 = tpu.memref_slice %arg6[%dma_wait3A_1249, %dma_wait3A_1254] : memref<26x4096xi32, #tpu.memory_space<vmem>> -> memref<1x4096xi32, #tpu.memory_space<vmem>>
    %dma_wait3A_1256 = tpu.memref_squeeze %dma_wait3A_1255 : memref<1x4096xi32, #tpu.memory_space<vmem>> -> memref<4096xi32, #tpu.memory_space<vmem>>
    %dma_wait3A_1257 = arith.constant 0 : i32
    %dma_wait3A_1258 = tpu.memref_slice %arg3[%dma_wait3A_1257] : memref<83200000xf32, #tpu.memory_space<hbm>> -> memref<83200000xf32, #tpu.memory_space<hbm>>
    tpu.wait_indirect_dma semaphore(%arg9 : memref<!tpu.dma_semaphore, #tpu.memory_space<semaphore_mem>>) src(%dma_wait3A_1258 : memref<83200000xf32, #tpu.memory_space<hbm>>) dst(%dma_wait3A_1253 : memref<4096xf32, #tpu.memory_space<vmem>>)
    %add3A_1259 = arith.constant 25 : i32
    %add3A_1260 = arith.addi %mul3A_2, %add3A_1259 : i32
    %dma_start3A_1261 = arith.constant 1 : i32
    %dma_start3A_1262 = arith.constant 0 : i32
    %dma_start3A_1263 = tpu.memref_slice %arg7[%dma_start3A_1261, %dma_start3A_1262] : memref<3x4096xf32, #tpu.memory_space<vmem>> -> memref<1x4096xf32, #tpu.memory_space<vmem>>
    %dma_start3A_1264 = tpu.memref_squeeze %dma_start3A_1263 : memref<1x4096xf32, #tpu.memory_space<vmem>> -> memref<4096xf32, #tpu.memory_space<vmem>>
    %dma_start3A_1265 = arith.constant 0 : i32
    %dma_start3A_1266 = tpu.memref_slice %arg4[%add3A_1260, %dma_start3A_1265] : memref<832x4096xf32, #tpu.memory_space<hbm>> -> memref<1x4096xf32, #tpu.memory_space<hbm>>
    %dma_start3A_1267 = tpu.memref_squeeze %dma_start3A_1266 : memref<1x4096xf32, #tpu.memory_space<hbm>> -> memref<4096xf32, #tpu.memory_space<hbm>>
    %dma_start3A_1268 = arith.constant 0 : i32
    %dma_start3A_1269 = tpu.memref_slice %arg4[%add3A_1260, %dma_start3A_1268] : memref<832x4096xf32, #tpu.memory_space<hbm>> -> memref<1x4096xf32, #tpu.memory_space<hbm>>
    %dma_start3A_1270 = tpu.memref_squeeze %dma_start3A_1269 : memref<1x4096xf32, #tpu.memory_space<hbm>> -> memref<4096xf32, #tpu.memory_space<hbm>>
    %dma_start3A_1271 = arith.constant 0 : i32
    %dma_start3A_1272 = tpu.memref_slice %arg7[%dma_start3A_1261, %dma_start3A_1271] : memref<3x4096xf32, #tpu.memory_space<vmem>> -> memref<1x4096xf32, #tpu.memory_space<vmem>>
    %dma_start3A_1273 = tpu.memref_squeeze %dma_start3A_1272 : memref<1x4096xf32, #tpu.memory_space<vmem>> -> memref<4096xf32, #tpu.memory_space<vmem>>
    tpu.enqueue_dma source(%dma_start3A_1273 : memref<4096xf32, #tpu.memory_space<vmem>>) target(%dma_start3A_1270 : memref<4096xf32, #tpu.memory_space<hbm>>) target_semaphore(%arg10 : memref<!tpu.dma_semaphore, #tpu.memory_space<semaphore_mem>>)
    %dma_wait3A_1274 = arith.constant 2 : i32
    %dma_wait3A_1275 = arith.constant 0 : i32
    %dma_wait3A_1276 = tpu.memref_slice %arg7[%dma_wait3A_1274, %dma_wait3A_1275] : memref<3x4096xf32, #tpu.memory_space<vmem>> -> memref<1x4096xf32, #tpu.memory_space<vmem>>
    %dma_wait3A_1277 = tpu.memref_squeeze %dma_wait3A_1276 : memref<1x4096xf32, #tpu.memory_space<vmem>> -> memref<4096xf32, #tpu.memory_space<vmem>>
    %dma_wait3A_1278 = arith.constant 0 : i32
    %dma_wait3A_1279 = tpu.memref_slice %arg4[%add3A_1210, %dma_wait3A_1278] : memref<832x4096xf32, #tpu.memory_space<hbm>> -> memref<1x4096xf32, #tpu.memory_space<hbm>>
    %dma_wait3A_1280 = tpu.memref_squeeze %dma_wait3A_1279 : memref<1x4096xf32, #tpu.memory_space<hbm>> -> memref<4096xf32, #tpu.memory_space<hbm>>
    %dma_wait3A_1281 = arith.constant 0 : i32
    %dma_wait3A_1282 = tpu.memref_slice %arg4[%add3A_1210, %dma_wait3A_1281] : memref<832x4096xf32, #tpu.memory_space<hbm>> -> memref<1x4096xf32, #tpu.memory_space<hbm>>
    %dma_wait3A_1283 = tpu.memref_squeeze %dma_wait3A_1282 : memref<1x4096xf32, #tpu.memory_space<hbm>> -> memref<4096xf32, #tpu.memory_space<hbm>>
    %dma_wait3A_1284 = arith.constant 0 : i32
    %dma_wait3A_1285 = tpu.memref_slice %arg7[%dma_wait3A_1274, %dma_wait3A_1284] : memref<3x4096xf32, #tpu.memory_space<vmem>> -> memref<1x4096xf32, #tpu.memory_space<vmem>>
    %dma_wait3A_1286 = tpu.memref_squeeze %dma_wait3A_1285 : memref<1x4096xf32, #tpu.memory_space<vmem>> -> memref<4096xf32, #tpu.memory_space<vmem>>
    tpu.wait_dma2 semaphore(%arg10 : memref<!tpu.dma_semaphore, #tpu.memory_space<semaphore_mem>>) src(%dma_wait3A_1286 : memref<4096xf32, #tpu.memory_space<vmem>>) dst(%dma_wait3A_1283 : memref<4096xf32, #tpu.memory_space<hbm>>)
    %dma_wait3A_1287 = arith.constant 0 : i32
    %dma_wait3A_1288 = arith.constant 0 : i32
    %dma_wait3A_1289 = tpu.memref_slice %arg7[%dma_wait3A_1287, %dma_wait3A_1288] : memref<3x4096xf32, #tpu.memory_space<vmem>> -> memref<1x4096xf32, #tpu.memory_space<vmem>>
    %dma_wait3A_1290 = tpu.memref_squeeze %dma_wait3A_1289 : memref<1x4096xf32, #tpu.memory_space<vmem>> -> memref<4096xf32, #tpu.memory_space<vmem>>
    %dma_wait3A_1291 = arith.constant 0 : i32
    %dma_wait3A_1292 = tpu.memref_slice %arg4[%add3A_1235, %dma_wait3A_1291] : memref<832x4096xf32, #tpu.memory_space<hbm>> -> memref<1x4096xf32, #tpu.memory_space<hbm>>
    %dma_wait3A_1293 = tpu.memref_squeeze %dma_wait3A_1292 : memref<1x4096xf32, #tpu.memory_space<hbm>> -> memref<4096xf32, #tpu.memory_space<hbm>>
    %dma_wait3A_1294 = arith.constant 0 : i32
    %dma_wait3A_1295 = tpu.memref_slice %arg4[%add3A_1235, %dma_wait3A_1294] : memref<832x4096xf32, #tpu.memory_space<hbm>> -> memref<1x4096xf32, #tpu.memory_space<hbm>>
    %dma_wait3A_1296 = tpu.memref_squeeze %dma_wait3A_1295 : memref<1x4096xf32, #tpu.memory_space<hbm>> -> memref<4096xf32, #tpu.memory_space<hbm>>
    %dma_wait3A_1297 = arith.constant 0 : i32
    %dma_wait3A_1298 = tpu.memref_slice %arg7[%dma_wait3A_1287, %dma_wait3A_1297] : memref<3x4096xf32, #tpu.memory_space<vmem>> -> memref<1x4096xf32, #tpu.memory_space<vmem>>
    %dma_wait3A_1299 = tpu.memref_squeeze %dma_wait3A_1298 : memref<1x4096xf32, #tpu.memory_space<vmem>> -> memref<4096xf32, #tpu.memory_space<vmem>>
    tpu.wait_dma2 semaphore(%arg10 : memref<!tpu.dma_semaphore, #tpu.memory_space<semaphore_mem>>) src(%dma_wait3A_1299 : memref<4096xf32, #tpu.memory_space<vmem>>) dst(%dma_wait3A_1296 : memref<4096xf32, #tpu.memory_space<hbm>>)
    %dma_wait3A_1300 = arith.constant 1 : i32
    %dma_wait3A_1301 = arith.constant 0 : i32
    %dma_wait3A_1302 = tpu.memref_slice %arg7[%dma_wait3A_1300, %dma_wait3A_1301] : memref<3x4096xf32, #tpu.memory_space<vmem>> -> memref<1x4096xf32, #tpu.memory_space<vmem>>
    %dma_wait3A_1303 = tpu.memref_squeeze %dma_wait3A_1302 : memref<1x4096xf32, #tpu.memory_space<vmem>> -> memref<4096xf32, #tpu.memory_space<vmem>>
    %dma_wait3A_1304 = arith.constant 0 : i32
    %dma_wait3A_1305 = tpu.memref_slice %arg4[%add3A_1260, %dma_wait3A_1304] : memref<832x4096xf32, #tpu.memory_space<hbm>> -> memref<1x4096xf32, #tpu.memory_space<hbm>>
    %dma_wait3A_1306 = tpu.memref_squeeze %dma_wait3A_1305 : memref<1x4096xf32, #tpu.memory_space<hbm>> -> memref<4096xf32, #tpu.memory_space<hbm>>
    %dma_wait3A_1307 = arith.constant 0 : i32
    %dma_wait3A_1308 = tpu.memref_slice %arg4[%add3A_1260, %dma_wait3A_1307] : memref<832x4096xf32, #tpu.memory_space<hbm>> -> memref<1x4096xf32, #tpu.memory_space<hbm>>
    %dma_wait3A_1309 = tpu.memref_squeeze %dma_wait3A_1308 : memref<1x4096xf32, #tpu.memory_space<hbm>> -> memref<4096xf32, #tpu.memory_space<hbm>>
    %dma_wait3A_1310 = arith.constant 0 : i32
    %dma_wait3A_1311 = tpu.memref_slice %arg7[%dma_wait3A_1300, %dma_wait3A_1310] : memref<3x4096xf32, #tpu.memory_space<vmem>> -> memref<1x4096xf32, #tpu.memory_space<vmem>>
    %dma_wait3A_1312 = tpu.memref_squeeze %dma_wait3A_1311 : memref<1x4096xf32, #tpu.memory_space<vmem>> -> memref<4096xf32, #tpu.memory_space<vmem>>
    tpu.wait_dma2 semaphore(%arg10 : memref<!tpu.dma_semaphore, #tpu.memory_space<semaphore_mem>>) src(%dma_wait3A_1312 : memref<4096xf32, #tpu.memory_space<vmem>>) dst(%dma_wait3A_1309 : memref<4096xf32, #tpu.memory_space<hbm>>)
    return
  }
}

</mosaic_0001>

<sc_bundles>
// kernel: kernel.3.cloned.1.call-start
scs
__scs_entry_jumppad:
0x0: {  	(pc) =	sbr.rel $0x88, $3  }
0x1: {  	(tag) =	ssettag $0x0;
	lr =	simm.s32 $0x1  }
0x2: {  	[smem:$0x3F9F] =	sst lr;
	_ =	strace $0xD0000000  }
0x3: {  	_ = 	snop  }
0x4: {  	_ = 	snop  }
0x5: {  	_ = 	snop  }
0x6: {  	_ = 	snop  }
0x7: {  	_ = 	snop  }
__scs_overlays_trampoline_lowered:
0x8: {  	[smem:$0x3FAE] =	sst s0  }
0x9: {  	[smem:$0x3FAF] =	sst s1  }
0xa: {  	[smem:$0x3FB0] =	sst s2  }
0xb: {  	[smem:$0x3FB1] =	sst s3  }
0xc: {  	[smem:$0x3FB2] =	sst s4  }
0xd: {  	[smem:$0x3FB3] =	sst s5  }
0xe: {  	[smem:$0x3FB4] =	sst s6  }
0xf: {  	[smem:$0x3FB5] =	sst s7  }
0x10: {  	[smem:$0x3FB6] =	sst s8  }
0x11: {  	[smem:$0x3FB7] =	sst s9;
	s0 =	simm.s32 @!p0 $0x0  }
0x12: {  	s1 =	sld [smem:$0x3F9D];
	s0 =	simm.s32 @p0 $0x1  }
0x13: {  	[smem:$0x3FB8] =	sst s0;
	s0 =	simm.s32 @!p1 $0x0  }
0x14: {  	s2 =	sld [smem:$0x3F9C];
	s0 =	simm.s32 @p1 $0x1  }
0x15: {  	[smem:$0x3FB9] =	sst s0;
	s0 =	simm.s32 @!p2 $0x0  }
0x16: {  	s3 =	sld [smem:$0x3FDB];
	s0 =	simm.s32 @p2 $0x1  }
0x17: {  	s4 =	simm.s32 $0x1BF5;
	[smem:$0x3FBB] =	sst s0  }
0x18: {  	s0 =	sld [smem:$0x3F9E];
	_ =	swait.ge [sflag:s4], $0x0  }
0x19: {  	s7 =	sld [smem:$0x3F9F]  }
0x1a: {  	s8 =	sadd.s32 $0xFFFFE003, lr  }
0x1b: {  	s9 =	sadd.s32 $0xFFFFFEF7, lr;
	s5 =	simm.s32 $0xFFFFFFFF;
	p2 =	slt.u32 s8, $0xFFFFF086  }
0x1c: {  	p1 =	slt.u32 s9, $0xF7A;
	s5 =	simm.s32 @!p2 $0x0  }
0x1d: {  	s5 =	simm.s32 @p1 $0x1;
	p0 =	seq.s32 s7, s2  }
0x1e: {  	s7 =	smul.u32 @!p0 $0xF7A, s2;
	p2 =	seq.s32 @!p0 s5, $0x0  }
0x1f: {  	s9 =	smul.u32 $0xF7A, s1;
	s8 =	simm.s32 @!p0 $0x1BF5;
	p2 =	por !p2, p0  }
0x20: {  	[sflag:s8] =	ssyncset.s32 @!p0 $0xFFFFF086;
	s6 =	sadd.s32 @!p0 s3, s7;
	s7 =	simm.s32 @!p0 $0x108  }
0x21: {  	s3 =	sadd.s32 s3, s9;
	s6 =	sadd.s32 @!p0 $0x88, s6;
	s7 =	simm.s32 @p2 $0x1082  }
0x22: {  	[simem:s7], [sflag:s8] =	dma.local @!p0 [hbm:s6], $0xF7A  }
0x23: {  	s9 =	sor.u32 $0xD0000000, s2;
	s6 =	simm.s32 $0x108;
	_ =	swait.ge @!p0 [sflag:s8], $0x0  }
0x24: {  	s3 =	sadd.s32 $0x88, s3;
	s6 =	simm.s32 @!p1 $0x1082;
	[sflag:s4] =	ssyncset.s32 $0xFFFFF086  }
0x25: {  	[simem:s6], [sflag:s4] =	dma.local [hbm:s3], $0xF7A  }
0x26: {  	[smem:$0x3F9F] =	sst s1;
	(tag) =	ssettag s2;
	_ =	strace s9  }
0x27: {  	s1 =	sld [smem:$0x3FAF]  }
0x28: {  	s2 =	sld [smem:$0x3FB0]  }
0x29: {  	s4 =	sld [smem:$0x3FB2]  }
0x2a: {  	p0 =	seq.s32 s5, $0x0;
	s5 =	sld [smem:$0x3FB3]  }
0x2b: {  	s6 =	sld [smem:$0x3FB4]  }
0x2c: {  	s7 =	sld [smem:$0x3FB5]  }
0x2d: {  	s3 =	simm.s32 $0x108;
	s8 =	sld [smem:$0x3FB6]  }
0x2e: {  	s3 =	simm.s32 @!p0 $0x1082;
	s9 =	sld [smem:$0x3FB7]  }
0x2f: {  	lr =	sadd.s32 s0, s3;
	s0 =	sld [smem:$0x3FAE]  }
0x30: {  	s3 =	sld [smem:$0x3FB1]  }
0x31: {  	[smem:$0x3FBA] =	sst s10  }
0x32: {  	s10 =	sld [smem:$0x3FB8];
	_ =	sdelay $0x3  }
0x33: {  	p0 =	seq.s32 s10, $0x1;
	s10 =	sld [smem:$0x3FBA];
	_ =	sdelay $0x3  }
0x34: {  	[smem:$0x3FBA] =	sst s10  }
0x35: {  	s10 =	sld [smem:$0x3FB9];
	_ =	sdelay $0x3  }
0x36: {  	p1 =	seq.s32 s10, $0x1;
	s10 =	sld [smem:$0x3FBA];
	_ =	sdelay $0x3  }
0x37: {  	[smem:$0x3FBA] =	sst s10  }
0x38: {  	s10 =	sld [smem:$0x3FBB]  }
0x39: {  	_ = 	snop;
	(pc) =	sbr.ind lr, $3  }
0x3a: {  	_ = 	snop  }
0x3b: {  	_ = 	snop  }
0x3c: {  	p2 =	seq.s32 s10, $0x1;
	s10 =	sld [smem:$0x3FBA]  }
0x3d: {  	_ =	shalt  }
0x3e: {  	_ =	shalt  }
0x3f: {  	_ =	shalt  }
0x40: {  	_ =	shalt  }
0x41: {  	_ =	shalt  }
0x42: {  	_ =	shalt  }
0x43: {  	_ =	shalt  }
0x44: {  	_ =	shalt  }
0x45: {  	_ =	shalt  }
0x46: {  	_ =	shalt  }
0x47: {  	_ =	shalt  }
0x48: {  	_ =	shalt  }
0x49: {  	_ =	shalt  }
0x4a: {  	_ =	shalt  }
0x4b: {  	_ =	shalt  }
0x4c: {  	_ =	shalt  }
0x4d: {  	_ =	shalt  }
0x4e: {  	_ =	shalt  }
0x4f: {  	_ =	shalt  }
0x50: {  	_ =	shalt  }
0x51: {  	_ =	shalt  }
0x52: {  	_ =	shalt  }
0x53: {  	_ =	shalt  }
0x54: {  	_ =	shalt  }
0x55: {  	_ =	shalt  }
0x56: {  	_ =	shalt  }
0x57: {  	_ =	shalt  }
0x58: {  	_ =	shalt  }
0x59: {  	_ =	shalt  }
0x5a: {  	_ =	shalt  }
0x5b: {  	_ =	shalt  }
0x5c: {  	_ =	shalt  }
0x5d: {  	_ =	shalt  }
0x5e: {  	_ =	shalt  }
0x5f: {  	_ =	shalt  }
0x60: {  	_ =	shalt  }
0x61: {  	_ =	shalt  }
0x62: {  	_ =	shalt  }
0x63: {  	_ =	shalt  }
0x64: {  	_ =	shalt  }
0x65: {  	_ =	shalt  }
0x66: {  	_ =	shalt  }
0x67: {  	_ =	shalt  }
0x68: {  	_ =	shalt  }
0x69: {  	_ =	shalt  }
0x6a: {  	_ =	shalt  }
0x6b: {  	_ =	shalt  }
0x6c: {  	_ =	shalt  }
0x6d: {  	_ =	shalt  }
0x6e: {  	_ =	shalt  }
0x6f: {  	_ =	shalt  }
0x70: {  	_ =	shalt  }
0x71: {  	_ =	shalt  }
0x72: {  	_ =	shalt  }
0x73: {  	_ =	shalt  }
0x74: {  	_ =	shalt  }
0x75: {  	_ =	shalt  }
0x76: {  	_ =	shalt  }
0x77: {  	_ =	shalt  }
0x78: {  	_ =	shalt  }
0x79: {  	_ =	shalt  }
0x7a: {  	_ =	shalt  }
0x7b: {  	_ =	shalt  }
0x7c: {  	_ =	shalt  }
0x7d: {  	_ =	shalt  }
0x7e: {  	_ =	shalt  }
0x7f: {  	_ =	shalt  }
0x80: {  	_ =	shalt  }
0x81: {  	_ =	shalt  }
0x82: {  	_ =	shalt  }
0x83: {  	_ =	shalt  }
0x84: {  	_ =	shalt  }
0x85: {  	_ =	shalt  }
0x86: {  	_ =	shalt  }
0x87: {  	_ =	shalt  }
.Lfunc_end0:
.L_simem_size_0:
called_computation_lowered:
.L_overlay_start_0:
0x88: {  	s2 =	sld [smem:$0x3FD9]  }
0x89: {  	s3 =	sld [smem:$0x3FFE];
	_ =	sdelay $0x1  }
0x8a: {  	s1 =	srdreg.scid  }
0x8b: {  	s0 =	sand.u32 $0x1, s1  }
0x8c: {  	s17 =	sshll.u32 s0, $0xA;
	s2 =	sadd.s32 s3, s2  }
0x8d: {  	s2 =	sadd.s32 s2, s17  }
0x8e: {  	[smem:$0x3FC6] =	sst s2  }
0x8f: {  	_ = 	snop  }
0x90: {  	s2 =	sld [smem:$0x3FD0];
	(tm) =	ssettm $0x1  }
0x91: {  	s18 =	sld [smem:$0x3FFB];
	_ =	sdelay $0x3  }
0x92: {  	_ =	strace s18  }
0x93: {  	s3 =	sld [smem:$0x3FFC];
	_ =	sdelay $0x3  }
0x94: {  	_ =	strace s3  }
0x95: {  	s3 =	sld [smem:$0x3FFD];
	_ =	sdelay $0x3  }
0x96: {  	_ =	strace s3  }
0x97: {  	_ =	strace $0x8FFFFFFF  }
0x98: {  	s19 =	sld [smem:$0x3FDB];
	_ =	sdelay $0x1  }
0x99: {  	s4 =	simm.s32 $_scs_section_size  }
0x9a: {  	s5 =	simm.s32 $_size__tile_overlayer_lowered;
	s6 =	simm.s32 $_tile_overlayer_lowered  }
0x9b: {  	s22 =	simm.s32 $0x1BFF;
	s21 =	sshll.u32 s6, $0x1;
	s3 =	sadd.s32 s4, s19  }
0x9c: {  	s7 =	simm.s32 $0x0;
	s20 =	sshll.u32 s5, $0x1;
	s5 =	sadd.s32 s21, s3  }
0x9d: {  	[timem:s7], [sflag:s22] =	dma.local [hbm:s5], s20  }
0x9e: {  	_ =	swait.ge [sflag:s22], s20  }
0x9f: {  	s4 =	ssub.s32 $0x0, s20;
	[sflag:s22] =	ssyncset.done $0x0  }
0xa0: {  	[sflag:s22] =	ssyncadd.s32 s4;
	_ =	sdelay $0x1  }
0xa1: {  	s23 =	simm.s32 $0x1B8B  }
0xa2: {  	_ =	swait.ge [sflag:s23], $0x1  }
0xa3: {  	[sflag:s23] =	ssyncset.done $0x0  }
0xa4: {  	s25 =	simm.s32 $0x1B8E;
	s24 =	sld [smem:$0x3FFE];
	[sflag:s23] =	ssyncadd.s32 $0xFFFFFFFF  }
0xa5: {  	s26 =	simm.s32 $execute0_lowered;
	[smem:$0x3FD2] =	sst s25  }
0xa6: {  	s5 =	sshll.u32 s26, $0x1;
	_ =	strace $0x80000046;
	[dreg:$0x1] =	wrdreg $0xFFFFFFFF  }
0xa7: {  	s28 =	simm.s32 $_size_execute0_lowered;
	s3 =	sadd.s32 s3, s5;
	[dreg:$0x0] =	wrdreg $0x0  }
0xa8: {  	s5 =	sshll.u32 s28, $0x1;
	[dreg:$0x2] =	wrdreg s3  }
0xa9: {  	[dreg:$0x3] =	wrdreg s5  }
0xaa: {  	[dreg:$0x4] =	wrdreg $0xC0  }
0xab: {  	_ =	task [dreg:s7], $0x5FFFF  }
0xac: {  	[dreg:$0x1] =	wrdreg $0xFFFFFFFF  }
0xad: {  	[dreg:$0x0] =	wrdreg $0x60  }
0xae: {  	[dreg:$0x2] =	wrdreg s2  }
0xaf: {  	[dreg:$0x3] =	wrdreg s24  }
0xb0: {  	[dreg:$0x4] =	wrdreg $0x9  }
0xb1: {  	_ =	task.clear_ibuf [dreg:s7], $0x5FFFF;
	_ =	strace $0x90000046  }
0xb2: {  	s29 =	simm.s32 $0x9;
	_ =	strace $0x80000048  }
0xb3: {  	_ =	swait.ge [sflag:s29], $0x1  }
0xb4: {  	[sflag:s29] =	ssyncadd.s32 $0xFFFFFFFF  }
0xb5: {  	_ =	strace $0x90000048  }
0xb6: {  	_ =	sfence  }
0xb7: {  	s30 =	sld [smem:$0x0];
	_ =	sdelay $0x2  }
0xb8: {  	s31 =	sshll.u32 s1, $0xD;
	s1 =	sshrl.u32 s1, $0x2  }
0xb9: {  	s3 =	sand.u32 $0x4000, s31;
	s1 =	sadd.s32 s1, s30  }
0xba: {  	s0 =	sor.u32 s3, s0;
	s1 =	sshll.u32 s1, $0x11  }
0xbb: {  	s0 =	sor.u32 s1, s0  }
0xbc: {  	s0 =	sadd.s32 $0x8F2B, s0  }
0xbd: {  	[sflag:s0] =	ssyncadd.remote.s32 $0x1  }
0xbe: {  	_ =	sfence.sel $0xFFFF  }
0xbf: {  	[dreg:$0x0] =	wrdreg $0xFFFFFFFF;
	(pc) =	sbr.abs _section_cstart, $3  }
0xc0: {  	[dreg:$0x1] =	wrdreg $0xFFFFFFFF  }
0xc1: {  	_ =	task.clear_ibuf [dreg:s7], $0x2FFFF;
	_ =	strace $0x9FFFFFFF  }
0xc2: {  	(tm) =	ssettm $0x7FFFFFFF  }
0xc3: {  	_ =	shalt  }
tec
execute0_lowered:
.L_overlay_start_1:
0x0: {  	(tag) =	ssettag $0x1  }
0x1: {  	s1 =	rddreg [dreg:$0x1]  }
0x2: {  	s3 =	srdreg.scid;
	s12 =	stileid.u32  }
0x3: {  	s2 =	simm.s32 $0x0;
	s5 =	sand.u32 $0x1, s3;
	s21 =	sshll.u32 s12, $0x1  }
0x4: {  	[smem:$0x7FF] =	sst s2;
	s26 =	smul.u32 $0x34, s12;
	s7 =	sor.u32 s5, s21  }
0x5: {  	s4 =	sadd.s32 $0x400, s1;
	s1 =	sadd.s32 $0x9EB600, s1;
	s3 =	smul.u32 $0x1A, s7  }
0x6: {  	s0 =	rddreg [dreg:$0x0];
	_ =	strace $0x80000047;
	s10 =	smul.u32 $0x1A000, s7  }
0x7: {  	s7 =	smul.u32 $0x3400, s7;
	s22 =	sadd.s32 $0x19, s3;
	s9 =	sshll.u32 s3, $0x4  }
0x8: {  	s10 =	sshrl.u32 s10, $0x3;
	s9 =	sand.u32 $0x3E00, s9;
	s11 =	sshll.u32 s22, $0x4  }
0x9: {  	s22 =	sshll.u32 s22, $0x9;
	s9 =	sadd.s32 s0, s9;
	s23 =	sand.u32 $0x7E00, s11  }
0xa: {  	[dreg:$0x3] =	wrdreg s9;
	s0 =	sadd.s32 s0, s23;
	s9 =	sadd.s32 s1, s7  }
0xb: {  	s7 =	sadd.s32 s1, s10;
	s1 =	sadd.s32 s1, s22;
	[dreg:$0x4] =	wrdreg s0  }
0xc: {  	s6 =	ssub.s32 $0x2, s5;
	s24 =	sadd.s32 $0x400, s7;
	[dreg:$0x11] =	wrdreg s1  }
0xd: {  	s5 =	smul.u32 $0x1A, s5;
	s25 =	sadd.s32 $0x600, s7;
	[dreg:$0x5] =	wrdreg s24  }
0xe: {  	s8 =	sshrl.u32 s6, $0x1;
	s10 =	sadd.s32 $0x800, s7;
	[dreg:$0x6] =	wrdreg s25  }
0xf: {  	s6 =	ssub.s32 s6, s8;
	s11 =	sadd.s32 $0xA00, s7;
	[dreg:$0x7] =	wrdreg s10  }
0x10: {  	s19 =	sadd.s32 s5, s26;
	s12 =	sadd.s32 $0xC00, s7;
	[dreg:$0x8] =	wrdreg s11  }
0x11: {  	s20 =	sshll.u32 s19, $0x9;
	s13 =	sadd.s32 $0xE00, s7;
	[dreg:$0x9] =	wrdreg s12  }
0x12: {  	s5 =	smax.u32 s6, $0x1;
	s14 =	sadd.s32 $0x1000, s7;
	[dreg:$0xa] =	wrdreg s13  }
0x13: {  	s15 =	sadd.s32 $0x1200, s7;
	s16 =	sadd.s32 $0x1400, s7;
	[dreg:$0xb] =	wrdreg s14  }
0x14: {  	s17 =	sadd.s32 $0x1600, s7;
	s18 =	sadd.s32 $0x1800, s7;
	[dreg:$0xc] =	wrdreg s15  }
0x15: {  	s21 =	sadd.s32 $0x1A00, s7;
	s0 =	sand.u32 $0xFC000, s20;
	[dreg:$0xd] =	wrdreg s16  }
0x16: {  	s23 =	sadd.s32 $0x1C00, s7;
	s26 =	sadd.s32 $0x2000, s7;
	[dreg:$0xe] =	wrdreg s17  }
0x17: {  	s28 =	sadd.s32 $0x2600, s7;
	s29 =	sadd.s32 $0x2800, s7;
	[dreg:$0xf] =	wrdreg s18  }
0x18: {  	s30 =	sadd.s32 $0x2A00, s7;
	s31 =	sadd.s32 $0x2C00, s7;
	[dreg:$0x10] =	wrdreg s21  }
0x19: {  	s1 =	sadd.s32 $0x3000, s7;
	s8 =	sadd.s32 $0x200, s9;
	[dreg:$0x12] =	wrdreg s23  }
0x1a: {  	s24 =	ssub.s32 $0xC0, s0;
	s25 =	sadd.s32 $0x1E00, s7;
	[dreg:$0x14] =	wrdreg s26  }
0x1b: {  	s26 =	sadd.s32 $0x2400, s7;
	s0 =	sadd.s32 $0x2E00, s7;
	s10 =	simm.s32 $0x1000  }
0x1c: {  	s11 =	simm.s32 $0x1C000;
	s12 =	simm.s32 $0x1D000;
	s13 =	simm.s32 $0x1  }
0x1d: {  	s14 =	simm.s32 $0x1E000;
	s15 =	simm.s32 $0x2;
	s16 =	simm.s32 $0x3  }
0x1e: {  	[dreg:$0x13] =	wrdreg s25;
	s25 =	sadd.s32 $0x2200, s7;
	s6 =	sshra.s32 s24, $0x2  }
0x1f: {  	s24 =	smov.u32 s9;
	s9 =	simm.s32 $0x4;
	s7 =	simm.s32 $0x0  }
.LBB2_1:
0x20: {  	s17 =	rddreg [dreg:$0x3]  }
0x21: {  	[tilespmem:s2], [sflag:$0x4] =	stream.linear.gather [hbm4b:s17+s2], $0x1000, $0x38;
	[tilespmem:$0x1F000] =	vst v63  }
0x22: {  	_ =	swait.ge [sflag:s9], $0x1000  }
0x23: {  	[sflag:s9] =	ssyncset.done $0x0  }
0x24: {  	s23 =	rddreg [dreg:$0x4];
	[sflag:s9] =	ssyncadd.s32 $0xFFFFF000  }
0x25: {  	[tilespmem:s10], [sflag:$0x4] =	stream.linear.gather [hbm4b:s23+s2], $0x1000, $0x38;
	[tilespmem:$0x1F000] =	vst v63  }
0x26: {  	_ =	swait.ge [sflag:s9], $0x1000  }
0x27: {  	s18 =	simm.s32 $0x2020;
	[sflag:s9] =	ssyncset.done $0x0  }
0x28: {  	s20 =	simm.s32 $0x0;
	s17 =	smov.u32 s19;
	[sflag:s9] =	ssyncadd.s32 $0xFFFFF000  }
.LBB2_2:
0x29: {  	s21 =	sshll.u32 s17, $0x7  }
0x2a: {  	s21 =	sand.u32 $0x3FFFF000, s21  }
0x2b: {  	s21 =	sadd.s32 s21, s6  }
0x2c: {  	v0 =	vmov s21;
	_ =	sdelay $0x3  }
0x2d: {  	s21 =	simm.s32 $0x0  }
0x2e: {  	v3 =	vld.idx.msk [tilespmem:v0+s21+$0xFFFFFFD0 ss:$0x1], $0xffff  }
0x2f: {  	s22 =	sadd.s32 s3, s20;
	v1 =	vmov s18  }
0x30: {  	s22 =	smul.u32 $0x186A0, s22;
	_ =	sdelay $0x1  }
0x31: {  	v2 =	vmov s22  }
0x32: {  	v3 =	vadd.s32 v2, v3  }
0x33: {  	[tilespmem:v1+s21+$0xFFFFFFE0 ss:$0x1] =	vst.idx.msk $0xffff, v3  }
0x34: {  	v3 =	vld.idx.msk [tilespmem:v0+s21+$0xFFFFFFE0 ss:$0x1], $0xffff;
	_ =	sdelay $0x4  }
0x35: {  	v3 =	vadd.s32 v2, v3  }
0x36: {  	[tilespmem:v1+s21+$0xFFFFFFF0 ss:$0x1] =	vst.idx.msk $0xffff, v3  }
0x37: {  	v3 =	vld.idx.msk [tilespmem:v0+s21+$0xFFFFFFF0 ss:$0x1], $0xffff;
	_ =	sdelay $0x4  }
0x38: {  	v3 =	vadd.s32 v2, v3  }
0x39: {  	[tilespmem:v1+s21+$0x0 ss:$0x1] =	vst.idx.msk $0xffff, v3  }
0x3a: {  	v3 =	vld.idx.msk [tilespmem:v0+s21+$0x0 ss:$0x1], $0xffff;
	_ =	sdelay $0x4  }
0x3b: {  	s23 =	simm.s32 $0x200;
	s22 =	simm.s32 $0x100;
	v3 =	vadd.s32 v2, v3  }
.LBB2_3:
0x3c: {  	p0 =	sne.s32 s23, $0x3F00  }
0x3d: {  	[tilespmem:v1+s21+$0x10 ss:$0x1] =	vst.idx.msk $0xffff, v3;
	s21 =	sshra.s32 s22, $0x2;
	s22 =	smov.u32 s23;
	s23 =	sadd.s32 $0x100, s23  }
0x3e: {  	v3 =	vld.idx.msk [tilespmem:v0+s21+$0xFFFFFFD0 ss:$0x1], $0xffff;
	_ =	sdelay $0x5  }
0x3f: {  	v3 =	vadd.s32 v2, v3  }
0x40: {  	[tilespmem:v1+s21+$0xFFFFFFE0 ss:$0x1] =	vst.idx.msk $0xffff, v3  }
0x41: {  	v3 =	vld.idx.msk [tilespmem:v0+s21+$0xFFFFFFE0 ss:$0x1], $0xffff;
	_ =	sdelay $0x5  }
0x42: {  	v3 =	vadd.s32 v2, v3  }
0x43: {  	[tilespmem:v1+s21+$0xFFFFFFF0 ss:$0x1] =	vst.idx.msk $0xffff, v3  }
0x44: {  	v3 =	vld.idx.msk [tilespmem:v0+s21+$0xFFFFFFF0 ss:$0x1], $0xffff;
	_ =	sdelay $0x5  }
0x45: {  	v3 =	vadd.s32 v2, v3  }
0x46: {  	[tilespmem:v1+s21+$0x0 ss:$0x1] =	vst.idx.msk $0xffff, v3  }
0x47: {  	v3 =	vld.idx.msk [tilespmem:v0+s21+$0x0 ss:$0x1], $0xffff;
	_ =	sdelay $0x1  }
.Ltmp0:
0x48: {  	(pc) =	sbr.rel @p0 .LBB2_3-.Ltmp0, $2  }
0x49: {  	_ =	sdelay $0x2  }
0x4a: {  	v3 =	vadd.s32 v2, v3  }
0x4b: {  	_ =	sdelay $0x3  }
0x4c: {  	s22 =	sshra.s32 s22, $0x2;
	[tilespmem:v1+s21+$0x10 ss:$0x1] =	vst.idx.msk $0xffff, v3  }
0x4d: {  	v3 =	vld.idx.msk [tilespmem:v0+s22+$0xFFFFFFD0 ss:$0x1], $0xffff;
	_ =	sdelay $0x4  }
0x4e: {  	v3 =	vadd.s32 v2, v3  }
0x4f: {  	[tilespmem:v1+s22+$0xFFFFFFE0 ss:$0x1] =	vst.idx.msk $0xffff, v3  }
0x50: {  	v3 =	vld.idx.msk [tilespmem:v0+s22+$0xFFFFFFE0 ss:$0x1], $0xffff;
	_ =	sdelay $0x4  }
0x51: {  	v3 =	vadd.s32 v2, v3  }
0x52: {  	[tilespmem:v1+s22+$0xFFFFFFF0 ss:$0x1] =	vst.idx.msk $0xffff, v3  }
0x53: {  	v3 =	vld.idx.msk [tilespmem:v0+s22+$0xFFFFFFF0 ss:$0x1], $0xffff;
	_ =	sdelay $0x4  }
0x54: {  	v3 =	vadd.s32 v2, v3  }
0x55: {  	[tilespmem:v1+s22+$0x0 ss:$0x1] =	vst.idx.msk $0xffff, v3  }
0x56: {  	s20 =	sadd.s32 $0x1, s20;
	v63 =	vld.idx.msk [tilespmem:v0+s22+$0x0 ss:$0x1], $0xffff  }
0x57: {  	p0 =	sne.s32 s20, $0x1A  }
.Ltmp1:
0x58: {  	_ = 	snop;
	(pc) =	sbr.rel @p0 .LBB2_2-.Ltmp1, $3  }
0x59: {  	_ =	sdelay $0x1  }
0x5a: {  	v0 =	vadd.s32 v2, v63  }
0x5b: {  	s18 =	sadd.s32 $0x1000, s18;
	s17 =	sadd.s32 $0x1, s17;
	[tilespmem:v1+s22+$0x10 ss:$0x1] =	vst.idx.msk $0xffff, v0  }
0x5c: {  	s17 =	simm.s32 $0x2000  }
0x5d: {  	[tilespmem:s11], [sflag:$0x1] =	stream.indirect.gather [hbm4b:s4+s10], $0x1, s17, s10, $0xb8;
	[tilespmem:$0x1F000] =	vst v63  }
0x5e: {  	s23 =	simm.s32 $0x3000  }
0x5f: {  	[tilespmem:s12], [sflag:$0x2] =	stream.indirect.gather [hbm4b:s4+s10], $0x1, s23, s10, $0xb8;
	[tilespmem:$0x1F000] =	vst v63  }
0x60: {  	_ =	swait.ge [sflag:s13], $0x1000  }
0x61: {  	[sflag:s13] =	ssyncset.done $0x0  }
0x62: {  	s18 =	simm.s32 $0x4000;
	[sflag:s13] =	ssyncadd.s32 $0xFFFFF000  }
0x63: {  	[tilespmem:s14], [sflag:$0x1] =	stream.indirect.gather [hbm4b:s4+s10], $0x1, s18, s10, $0xb8;
	[tilespmem:$0x1F000] =	vst v63  }
0x64: {  	_ = 	snop  }
0x65: {  	[hbm4b:s24+s2] =	stream.linear.scatter [tilespmem:s11], [sflag:$0x3], $0x1000, $0x38;
	[tilespmem:$0x1F000] =	vst v63  }
0x66: {  	_ =	swait.ge [sflag:s15], $0x1000  }
0x67: {  	[sflag:s15] =	ssyncset.done $0x0  }
0x68: {  	[sflag:s15] =	ssyncadd.s32 $0xFFFFF000  }
0x69: {  	_ =	swait.ge [sflag:s16], $0x1000  }
0x6a: {  	[sflag:s16] =	ssyncset.done $0x0  }
0x6b: {  	s20 =	simm.s32 $0x5000;
	[sflag:s16] =	ssyncadd.s32 $0xFFFFF000  }
0x6c: {  	[tilespmem:s11], [sflag:$0x2] =	stream.indirect.gather [hbm4b:s4+s10], $0x1, s20, s10, $0xb8;
	[tilespmem:$0x1F000] =	vst v63  }
0x6d: {  	_ = 	snop  }
0x6e: {  	[hbm4b:s8+s2] =	stream.linear.scatter [tilespmem:s12], [sflag:$0x3], $0x1000, $0x38;
	[tilespmem:$0x1F000] =	vst v63  }
0x6f: {  	_ =	swait.ge [sflag:s13], $0x1000  }
0x70: {  	[sflag:s13] =	ssyncset.done $0x0  }
0x71: {  	[sflag:s13] =	ssyncadd.s32 $0xFFFFF000  }
0x72: {  	_ =	swait.ge [sflag:s16], $0x1000  }
0x73: {  	[sflag:s16] =	ssyncset.done $0x0  }
0x74: {  	s21 =	simm.s32 $0x6000;
	[sflag:s16] =	ssyncadd.s32 $0xFFFFF000  }
0x75: {  	[tilespmem:s12], [sflag:$0x1] =	stream.indirect.gather [hbm4b:s4+s10], $0x1, s21, s10, $0xb8;
	[tilespmem:$0x1F000] =	vst v63  }
0x76: {  	s22 =	rddreg [dreg:$0x5]  }
0x77: {  	[hbm4b:s22+s2] =	stream.linear.scatter [tilespmem:s14], [sflag:$0x3], $0x1000, $0x38;
	[tilespmem:$0x1F000] =	vst v63  }
0x78: {  	_ =	swait.ge [sflag:s15], $0x1000  }
0x79: {  	[sflag:s15] =	ssyncset.done $0x0  }
0x7a: {  	[sflag:s15] =	ssyncadd.s32 $0xFFFFF000  }
0x7b: {  	_ =	swait.ge [sflag:s16], $0x1000  }
0x7c: {  	[sflag:s16] =	ssyncset.done $0x0  }
0x7d: {  	s23 =	simm.s32 $0x7000;
	[sflag:s16] =	ssyncadd.s32 $0xFFFFF000  }
0x7e: {  	[tilespmem:s14], [sflag:$0x2] =	stream.indirect.gather [hbm4b:s4+s10], $0x1, s23, s10, $0xb8;
	[tilespmem:$0x1F000] =	vst v63  }
0x7f: {  	s18 =	rddreg [dreg:$0x6]  }
0x80: {  	[hbm4b:s18+s2] =	stream.linear.scatter [tilespmem:s11], [sflag:$0x3], $0x1000, $0x38;
	[tilespmem:$0x1F000] =	vst v63  }
0x81: {  	_ =	swait.ge [sflag:s13], $0x1000  }
0x82: {  	[sflag:s13] =	ssyncset.done $0x0  }
0x83: {  	[sflag:s13] =	ssyncadd.s32 $0xFFFFF000  }
0x84: {  	_ =	swait.ge [sflag:s16], $0x1000  }
0x85: {  	[sflag:s16] =	ssyncset.done $0x0  }
0x86: {  	s20 =	simm.s32 $0x8000;
	[sflag:s16] =	ssyncadd.s32 $0xFFFFF000  }
0x87: {  	[tilespmem:s11], [sflag:$0x1] =	stream.indirect.gather [hbm4b:s4+s10], $0x1, s20, s10, $0xb8;
	[tilespmem:$0x1F000] =	vst v63  }
0x88: {  	s21 =	rddreg [dreg:$0x7]  }
0x89: {  	[hbm4b:s21+s2] =	stream.linear.scatter [tilespmem:s12], [sflag:$0x3], $0x1000, $0x38;
	[tilespmem:$0x1F000] =	vst v63  }
0x8a: {  	_ =	swait.ge [sflag:s15], $0x1000  }
0x8b: {  	[sflag:s15] =	ssyncset.done $0x0  }
0x8c: {  	[sflag:s15] =	ssyncadd.s32 $0xFFFFF000  }
0x8d: {  	_ =	swait.ge [sflag:s16], $0x1000  }
0x8e: {  	[sflag:s16] =	ssyncset.done $0x0  }
0x8f: {  	s22 =	simm.s32 $0x9000;
	[sflag:s16] =	ssyncadd.s32 $0xFFFFF000  }
0x90: {  	[tilespmem:s12], [sflag:$0x2] =	stream.indirect.gather [hbm4b:s4+s10], $0x1, s22, s10, $0xb8;
	[tilespmem:$0x1F000] =	vst v63  }
0x91: {  	s23 =	rddreg [dreg:$0x8]  }
0x92: {  	[hbm4b:s23+s2] =	stream.linear.scatter [tilespmem:s14], [sflag:$0x3], $0x1000, $0x38;
	[tilespmem:$0x1F000] =	vst v63  }
0x93: {  	_ =	swait.ge [sflag:s13], $0x1000  }
0x94: {  	[sflag:s13] =	ssyncset.done $0x0  }
0x95: {  	[sflag:s13] =	ssyncadd.s32 $0xFFFFF000  }
0x96: {  	_ =	swait.ge [sflag:s16], $0x1000  }
0x97: {  	[sflag:s16] =	ssyncset.done $0x0  }
0x98: {  	s18 =	simm.s32 $0xA000;
	[sflag:s16] =	ssyncadd.s32 $0xFFFFF000  }
0x99: {  	[tilespmem:s14], [sflag:$0x1] =	stream.indirect.gather [hbm4b:s4+s10], $0x1, s18, s10, $0xb8;
	[tilespmem:$0x1F000] =	vst v63  }
0x9a: {  	s20 =	rddreg [dreg:$0x9]  }
0x9b: {  	[hbm4b:s20+s2] =	stream.linear.scatter [tilespmem:s11], [sflag:$0x3], $0x1000, $0x38;
	[tilespmem:$0x1F000] =	vst v63  }
0x9c: {  	_ =	swait.ge [sflag:s15], $0x1000  }
0x9d: {  	[sflag:s15] =	ssyncset.done $0x0  }
0x9e: {  	[sflag:s15] =	ssyncadd.s32 $0xFFFFF000  }
0x9f: {  	_ =	swait.ge [sflag:s16], $0x1000  }
0xa0: {  	[sflag:s16] =	ssyncset.done $0x0  }
0xa1: {  	s21 =	simm.s32 $0xB000;
	[sflag:s16] =	ssyncadd.s32 $0xFFFFF000  }
0xa2: {  	[tilespmem:s11], [sflag:$0x2] =	stream.indirect.gather [hbm4b:s4+s10], $0x1, s21, s10, $0xb8;
	[tilespmem:$0x1F000] =	vst v63  }
0xa3: {  	s22 =	rddreg [dreg:$0xa]  }
0xa4: {  	[hbm4b:s22+s2] =	stream.linear.scatter [tilespmem:s12], [sflag:$0x3], $0x1000, $0x38;
	[tilespmem:$0x1F000] =	vst v63  }
0xa5: {  	_ =	swait.ge [sflag:s13], $0x1000  }
0xa6: {  	[sflag:s13] =	ssyncset.done $0x0  }
0xa7: {  	[sflag:s13] =	ssyncadd.s32 $0xFFFFF000  }
0xa8: {  	_ =	swait.ge [sflag:s16], $0x1000  }
0xa9: {  	[sflag:s16] =	ssyncset.done $0x0  }
0xaa: {  	s23 =	simm.s32 $0xC000;
	[sflag:s16] =	ssyncadd.s32 $0xFFFFF000  }
0xab: {  	[tilespmem:s12], [sflag:$0x1] =	stream.indirect.gather [hbm4b:s4+s10], $0x1, s23, s10, $0xb8;
	[tilespmem:$0x1F000] =	vst v63  }
0xac: {  	s18 =	rddreg [dreg:$0xb]  }
0xad: {  	[hbm4b:s18+s2] =	stream.linear.scatter [tilespmem:s14], [sflag:$0x3], $0x1000, $0x38;
	[tilespmem:$0x1F000] =	vst v63  }
0xae: {  	_ =	swait.ge [sflag:s15], $0x1000  }
0xaf: {  	[sflag:s15] =	ssyncset.done $0x0  }
0xb0: {  	[sflag:s15] =	ssyncadd.s32 $0xFFFFF000  }
0xb1: {  	_ =	swait.ge [sflag:s16], $0x1000  }
0xb2: {  	[sflag:s16] =	ssyncset.done $0x0  }
0xb3: {  	s20 =	simm.s32 $0xD000;
	[sflag:s16] =	ssyncadd.s32 $0xFFFFF000  }
0xb4: {  	[tilespmem:s14], [sflag:$0x2] =	stream.indirect.gather [hbm4b:s4+s10], $0x1, s20, s10, $0xb8;
	[tilespmem:$0x1F000] =	vst v63  }
0xb5: {  	s21 =	rddreg [dreg:$0xc]  }
0xb6: {  	[hbm4b:s21+s2] =	stream.linear.scatter [tilespmem:s11], [sflag:$0x3], $0x1000, $0x38;
	[tilespmem:$0x1F000] =	vst v63  }
0xb7: {  	_ =	swait.ge [sflag:s13], $0x1000  }
0xb8: {  	[sflag:s13] =	ssyncset.done $0x0  }
0xb9: {  	[sflag:s13] =	ssyncadd.s32 $0xFFFFF000  }
0xba: {  	_ =	swait.ge [sflag:s16], $0x1000  }
0xbb: {  	[sflag:s16] =	ssyncset.done $0x0  }
0xbc: {  	s22 =	simm.s32 $0xE000;
	[sflag:s16] =	ssyncadd.s32 $0xFFFFF000  }
0xbd: {  	[tilespmem:s11], [sflag:$0x1] =	stream.indirect.gather [hbm4b:s4+s10], $0x1, s22, s10, $0xb8;
	[tilespmem:$0x1F000] =	vst v63  }
0xbe: {  	s23 =	rddreg [dreg:$0xd]  }
0xbf: {  	[hbm4b:s23+s2] =	stream.linear.scatter [tilespmem:s12], [sflag:$0x3], $0x1000, $0x38;
	[tilespmem:$0x1F000] =	vst v63  }
0xc0: {  	_ =	swait.ge [sflag:s15], $0x1000  }
0xc1: {  	[sflag:s15] =	ssyncset.done $0x0  }
0xc2: {  	[sflag:s15] =	ssyncadd.s32 $0xFFFFF000  }
0xc3: {  	_ =	swait.ge [sflag:s16], $0x1000  }
0xc4: {  	[sflag:s16] =	ssyncset.done $0x0  }
0xc5: {  	s18 =	simm.s32 $0xF000;
	[sflag:s16] =	ssyncadd.s32 $0xFFFFF000  }
0xc6: {  	[tilespmem:s12], [sflag:$0x2] =	stream.indirect.gather [hbm4b:s4+s10], $0x1, s18, s10, $0xb8;
	[tilespmem:$0x1F000] =	vst v63  }
0xc7: {  	s20 =	rddreg [dreg:$0xe]  }
0xc8: {  	[hbm4b:s20+s2] =	stream.linear.scatter [tilespmem:s14], [sflag:$0x3], $0x1000, $0x38;
	[tilespmem:$0x1F000] =	vst v63  }
0xc9: {  	_ =	swait.ge [sflag:s13], $0x1000  }
0xca: {  	[sflag:s13] =	ssyncset.done $0x0  }
0xcb: {  	[sflag:s13] =	ssyncadd.s32 $0xFFFFF000  }
0xcc: {  	_ =	swait.ge [sflag:s16], $0x1000  }
0xcd: {  	[sflag:s16] =	ssyncset.done $0x0  }
0xce: {  	s21 =	simm.s32 $0x10000;
	[sflag:s16] =	ssyncadd.s32 $0xFFFFF000  }
0xcf: {  	[tilespmem:s14], [sflag:$0x1] =	stream.indirect.gather [hbm4b:s4+s10], $0x1, s21, s10, $0xb8;
	[tilespmem:$0x1F000] =	vst v63  }
0xd0: {  	s22 =	rddreg [dreg:$0xf]  }
0xd1: {  	[hbm4b:s22+s2] =	stream.linear.scatter [tilespmem:s11], [sflag:$0x3], $0x1000, $0x38;
	[tilespmem:$0x1F000] =	vst v63  }
0xd2: {  	_ =	swait.ge [sflag:s15], $0x1000  }
0xd3: {  	[sflag:s15] =	ssyncset.done $0x0  }
0xd4: {  	[sflag:s15] =	ssyncadd.s32 $0xFFFFF000  }
0xd5: {  	_ =	swait.ge [sflag:s16], $0x1000  }
0xd6: {  	[sflag:s16] =	ssyncset.done $0x0  }
0xd7: {  	s23 =	simm.s32 $0x11000;
	[sflag:s16] =	ssyncadd.s32 $0xFFFFF000  }
0xd8: {  	[tilespmem:s11], [sflag:$0x2] =	stream.indirect.gather [hbm4b:s4+s10], $0x1, s23, s10, $0xb8;
	[tilespmem:$0x1F000] =	vst v63  }
0xd9: {  	s18 =	rddreg [dreg:$0x10]  }
0xda: {  	[hbm4b:s18+s2] =	stream.linear.scatter [tilespmem:s12], [sflag:$0x3], $0x1000, $0x38;
	[tilespmem:$0x1F000] =	vst v63  }
0xdb: {  	_ =	swait.ge [sflag:s13], $0x1000  }
0xdc: {  	[sflag:s13] =	ssyncset.done $0x0  }
0xdd: {  	[sflag:s13] =	ssyncadd.s32 $0xFFFFF000  }
0xde: {  	_ =	swait.ge [sflag:s16], $0x1000  }
0xdf: {  	[sflag:s16] =	ssyncset.done $0x0  }
0xe0: {  	s20 =	simm.s32 $0x12000;
	[sflag:s16] =	ssyncadd.s32 $0xFFFFF000  }
0xe1: {  	[tilespmem:s12], [sflag:$0x1] =	stream.indirect.gather [hbm4b:s4+s10], $0x1, s20, s10, $0xb8;
	[tilespmem:$0x1F000] =	vst v63  }
0xe2: {  	s21 =	rddreg [dreg:$0x12]  }
0xe3: {  	[hbm4b:s21+s2] =	stream.linear.scatter [tilespmem:s14], [sflag:$0x3], $0x1000, $0x38;
	[tilespmem:$0x1F000] =	vst v63  }
0xe4: {  	_ =	swait.ge [sflag:s15], $0x1000  }
0xe5: {  	[sflag:s15] =	ssyncset.done $0x0  }
0xe6: {  	[sflag:s15] =	ssyncadd.s32 $0xFFFFF000  }
0xe7: {  	_ =	swait.ge [sflag:s16], $0x1000  }
0xe8: {  	[sflag:s16] =	ssyncset.done $0x0  }
0xe9: {  	s22 =	simm.s32 $0x13000;
	[sflag:s16] =	ssyncadd.s32 $0xFFFFF000  }
0xea: {  	[tilespmem:s14], [sflag:$0x2] =	stream.indirect.gather [hbm4b:s4+s10], $0x1, s22, s10, $0xb8;
	[tilespmem:$0x1F000] =	vst v63  }
0xeb: {  	s23 =	rddreg [dreg:$0x13]  }
0xec: {  	[hbm4b:s23+s2] =	stream.linear.scatter [tilespmem:s11], [sflag:$0x3], $0x1000, $0x38;
	[tilespmem:$0x1F000] =	vst v63  }
0xed: {  	_ =	swait.ge [sflag:s13], $0x1000  }
0xee: {  	[sflag:s13] =	ssyncset.done $0x0  }
0xef: {  	[sflag:s13] =	ssyncadd.s32 $0xFFFFF000  }
0xf0: {  	_ =	swait.ge [sflag:s16], $0x1000  }
0xf1: {  	[sflag:s16] =	ssyncset.done $0x0  }
0xf2: {  	s18 =	simm.s32 $0x14000;
	[sflag:s16] =	ssyncadd.s32 $0xFFFFF000  }
0xf3: {  	[tilespmem:s11], [sflag:$0x1] =	stream.indirect.gather [hbm4b:s4+s10], $0x1, s18, s10, $0xb8;
	[tilespmem:$0x1F000] =	vst v63  }
0xf4: {  	s20 =	rddreg [dreg:$0x14]  }
0xf5: {  	[hbm4b:s20+s2] =	stream.linear.scatter [tilespmem:s12], [sflag:$0x3], $0x1000, $0x38;
	[tilespmem:$0x1F000] =	vst v63  }
0xf6: {  	_ =	swait.ge [sflag:s15], $0x1000  }
0xf7: {  	[sflag:s15] =	ssyncset.done $0x0  }
0xf8: {  	[sflag:s15] =	ssyncadd.s32 $0xFFFFF000  }
0xf9: {  	_ =	swait.ge [sflag:s16], $0x1000  }
0xfa: {  	[sflag:s16] =	ssyncset.done $0x0  }
0xfb: {  	s21 =	simm.s32 $0x15000;
	[sflag:s16] =	ssyncadd.s32 $0xFFFFF000  }
0xfc: {  	[tilespmem:s12], [sflag:$0x2] =	stream.indirect.gather [hbm4b:s4+s10], $0x1, s21, s10, $0xb8;
	[tilespmem:$0x1F000] =	vst v63  }
0xfd: {  	_ = 	snop  }
0xfe: {  	[hbm4b:s25+s2] =	stream.linear.scatter [tilespmem:s14], [sflag:$0x3], $0x1000, $0x38;
	[tilespmem:$0x1F000] =	vst v63  }
0xff: {  	_ =	swait.ge [sflag:s13], $0x1000  }
0x100: {  	[sflag:s13] =	ssyncset.done $0x0  }
0x101: {  	[sflag:s13] =	ssyncadd.s32 $0xFFFFF000  }
0x102: {  	_ =	swait.ge [sflag:s16], $0x1000  }
0x103: {  	[sflag:s16] =	ssyncset.done $0x0  }
0x104: {  	s22 =	simm.s32 $0x16000;
	[sflag:s16] =	ssyncadd.s32 $0xFFFFF000  }
0x105: {  	[tilespmem:s14], [sflag:$0x1] =	stream.indirect.gather [hbm4b:s4+s10], $0x1, s22, s10, $0xb8;
	[tilespmem:$0x1F000] =	vst v63  }
0x106: {  	_ = 	snop  }
0x107: {  	[hbm4b:s26+s2] =	stream.linear.scatter [tilespmem:s11], [sflag:$0x3], $0x1000, $0x38;
	[tilespmem:$0x1F000] =	vst v63  }
0x108: {  	_ =	swait.ge [sflag:s15], $0x1000  }
0x109: {  	[sflag:s15] =	ssyncset.done $0x0  }
0x10a: {  	[sflag:s15] =	ssyncadd.s32 $0xFFFFF000  }
0x10b: {  	_ =	swait.ge [sflag:s16], $0x1000  }
0x10c: {  	[sflag:s16] =	ssyncset.done $0x0  }
0x10d: {  	s23 =	simm.s32 $0x17000;
	[sflag:s16] =	ssyncadd.s32 $0xFFFFF000  }
0x10e: {  	[tilespmem:s11], [sflag:$0x2] =	stream.indirect.gather [hbm4b:s4+s10], $0x1, s23, s10, $0xb8;
	[tilespmem:$0x1F000] =	vst v63  }
0x10f: {  	_ = 	snop  }
0x110: {  	[hbm4b:s28+s2] =	stream.linear.scatter [tilespmem:s12], [sflag:$0x3], $0x1000, $0x38;
	[tilespmem:$0x1F000] =	vst v63  }
0x111: {  	_ =	swait.ge [sflag:s13], $0x1000  }
0x112: {  	[sflag:s13] =	ssyncset.done $0x0  }
0x113: {  	[sflag:s13] =	ssyncadd.s32 $0xFFFFF000  }
0x114: {  	_ =	swait.ge [sflag:s16], $0x1000  }
0x115: {  	[sflag:s16] =	ssyncset.done $0x0  }
0x116: {  	s18 =	simm.s32 $0x18000;
	[sflag:s16] =	ssyncadd.s32 $0xFFFFF000  }
0x117: {  	[tilespmem:s12], [sflag:$0x1] =	stream.indirect.gather [hbm4b:s4+s10], $0x1, s18, s10, $0xb8;
	[tilespmem:$0x1F000] =	vst v63  }
0x118: {  	_ = 	snop  }
0x119: {  	[hbm4b:s29+s2] =	stream.linear.scatter [tilespmem:s14], [sflag:$0x3], $0x1000, $0x38;
	[tilespmem:$0x1F000] =	vst v63  }
0x11a: {  	_ =	swait.ge [sflag:s15], $0x1000  }
0x11b: {  	[sflag:s15] =	ssyncset.done $0x0  }
0x11c: {  	[sflag:s15] =	ssyncadd.s32 $0xFFFFF000  }
0x11d: {  	_ =	swait.ge [sflag:s16], $0x1000  }
0x11e: {  	[sflag:s16] =	ssyncset.done $0x0  }
0x11f: {  	s20 =	simm.s32 $0x19000;
	[sflag:s16] =	ssyncadd.s32 $0xFFFFF000  }
0x120: {  	[tilespmem:s14], [sflag:$0x2] =	stream.indirect.gather [hbm4b:s4+s10], $0x1, s20, s10, $0xb8;
	[tilespmem:$0x1F000] =	vst v63  }
0x121: {  	_ = 	snop  }
0x122: {  	[hbm4b:s30+s2] =	stream.linear.scatter [tilespmem:s11], [sflag:$0x3], $0x1000, $0x38;
	[tilespmem:$0x1F000] =	vst v63  }
0x123: {  	_ =	swait.ge [sflag:s13], $0x1000  }
0x124: {  	[sflag:s13] =	ssyncset.done $0x0  }
0x125: {  	[sflag:s13] =	ssyncadd.s32 $0xFFFFF000  }
0x126: {  	_ =	swait.ge [sflag:s16], $0x1000  }
0x127: {  	[sflag:s16] =	ssyncset.done $0x0  }
0x128: {  	s21 =	simm.s32 $0x1A000;
	[sflag:s16] =	ssyncadd.s32 $0xFFFFF000  }
0x129: {  	[tilespmem:s11], [sflag:$0x1] =	stream.indirect.gather [hbm4b:s4+s10], $0x1, s21, s10, $0xb8;
	[tilespmem:$0x1F000] =	vst v63  }
0x12a: {  	_ = 	snop  }
0x12b: {  	[hbm4b:s31+s2] =	stream.linear.scatter [tilespmem:s12], [sflag:$0x3], $0x1000, $0x38;
	[tilespmem:$0x1F000] =	vst v63  }
0x12c: {  	_ =	swait.ge [sflag:s15], $0x1000  }
0x12d: {  	[sflag:s15] =	ssyncset.done $0x0  }
0x12e: {  	[sflag:s15] =	ssyncadd.s32 $0xFFFFF000  }
0x12f: {  	_ =	swait.ge [sflag:s16], $0x1000  }
0x130: {  	[sflag:s16] =	ssyncset.done $0x0  }
0x131: {  	s22 =	simm.s32 $0x1B000;
	[sflag:s16] =	ssyncadd.s32 $0xFFFFF000  }
0x132: {  	[tilespmem:s12], [sflag:$0x2] =	stream.indirect.gather [hbm4b:s4+s10], $0x1, s22, s10, $0xb8;
	[tilespmem:$0x1F000] =	vst v63  }
0x133: {  	_ = 	snop  }
0x134: {  	[hbm4b:s0+s2] =	stream.linear.scatter [tilespmem:s14], [sflag:$0x3], $0x1000, $0x38;
	[tilespmem:$0x1F000] =	vst v63  }
0x135: {  	_ =	swait.ge [sflag:s13], $0x1000  }
0x136: {  	[sflag:s13] =	ssyncset.done $0x0  }
0x137: {  	[sflag:s13] =	ssyncadd.s32 $0xFFFFF000  }
0x138: {  	[hbm4b:s1+s2] =	stream.linear.scatter [tilespmem:s11], [sflag:$0x3], $0x1000, $0x38;
	[tilespmem:$0x1F000] =	vst v63  }
0x139: {  	_ =	swait.ge [sflag:s15], $0x1000  }
0x13a: {  	[sflag:s15] =	ssyncset.done $0x0  }
0x13b: {  	s23 =	rddreg [dreg:$0x11];
	[sflag:s15] =	ssyncadd.s32 $0xFFFFF000  }
0x13c: {  	[hbm4b:s23+s2] =	stream.linear.scatter [tilespmem:s12], [sflag:$0x3], $0x1000, $0x38;
	[tilespmem:$0x1F000] =	vst v63  }
0x13d: {  	_ =	swait.ge [sflag:s16], $0x1000  }
0x13e: {  	[sflag:s16] =	ssyncset.done $0x0  }
0x13f: {  	s7 =	sadd.s32 $0x1, s7;
	[sflag:s16] =	ssyncadd.s32 $0xFFFFF000  }
0x140: {  	p0 =	sne.s32 s7, s5;
	_ =	swait.ge [sflag:s16], $0x1000  }
.Ltmp2:
0x141: {  	[sflag:s16] =	ssyncset.done $0x0;
	(pc) =	sbr.rel @p0 .LBB2_1-.Ltmp2, $4  }
0x142: {  	[sflag:s16] =	ssyncadd.s32 $0xFFFFF000  }
0x143: {  	_ =	swait.ge [sflag:s16], $0x1000  }
0x144: {  	[sflag:s16] =	ssyncset.done $0x0  }
0x145: {  	[sflag:s16] =	ssyncadd.s32 $0xFFFFF000  }
0x146: {  	_ =	sfence.sel $0x180000  }
0x147: {  	[bflag:$0x0] =	sbarrier.arrive $0xFFFF  }
0x148: {  	_ =	strace $0x90000047  }
0x149: {  	s0 =	stileid.u32;
	[bflag:$0x2] =	sbarrier.arrive $0xFFFF  }
0x14a: {  	p0 =	sne.s32 s0, $0x0;
	s0 =	rddreg [dreg:$0x2]  }
0x14b: {  	s0 =	sadd.s32 @!p0 $0x100000, s0  }
0x14c: {  	[sflag:s0] =	ssyncadd.tile.s32 @!p0 $0x1;
	_ =	shalt  }
.Lfunc_end2:
_tile_overlayer_lowered:
.L_overlay_start_2:
0x14d: {  	(tag) =	ssettag $0x2  }
0x14e: {  	s0 =	rddreg [dreg:$0x0];
	s2 =	stileid.u32  }
0x14f: {  	s1 =	rddreg [dreg:$0x1];
	p0 =	sne.s32 s2, $0x0  }
0x150: {  	s3 =	rddreg [dreg:$0x2];
	[bflag:$0x3] =	sbarrier.arrive $0xFFFF;
	s2 =	simm.s32 @!p0 $0x1C05  }
0x151: {  	[timem:s3], [sflag:s2] =	dma.local @!p0 [hbm:s0], s1  }
0x152: {  	s0 =	simm.s32 @!p0 $0x5  }
0x153: {  	_ =	swait.ge @!p0 [sflag:s0], s1  }
0x154: {  	s1 =	ssub.s32 @!p0 $0x0, s1;
	[sflag:s0] =	ssyncset.done @!p0 $0x0  }
0x155: {  	[sflag:s0] =	ssyncadd.s32 @!p0 s1  }
0x156: {  	[bflag:$0x3] =	sbarrier.arrive $0xFFFF  }
0x157: {  	_ =	shalt  }

</sc_bundles>
